<compile_context>
chip_gen: v7x
topology: tpu7x:2x2x1
jax: 0.10.2.dev20260603
libtpu: 0.0.44.dev20260713+nightly
codegen_flags: <defaults>
</compile_context>

<pallas_src>
import functools

import jax
import jax.numpy as jnp
from jax import lax
from jax.experimental import pallas as pl
from jax.experimental.pallas import tpu as pltpu
from jax.experimental.pallas import tpu_sc as plsc

N = 10000
E = 320000
D = 128
DA = 144
G = 64
NP = 10240
NC = 2
NS = 16
K = 128
EPAD = 331776
BPT = EPAD // (NC * NS * K)
RB = 1024
NBLK = NP // RB


def _head_body(x_ref, w_ref, as_ref, ad_ref, ha_ref, asrc_ref, adst_ref):
    h = jnp.dot(x_ref[...], w_ref[...], preferred_element_type=jnp.float32)
    ones_col = (lax.broadcasted_iota(jnp.int32, (RB, 16), 1) == 0).astype(
        jnp.float32)
    ha_ref[...] = jnp.concatenate([h, ones_col], axis=1)
    a_s = jnp.sum(h * as_ref[...], axis=1)
    a_d = jnp.sum(h * ad_ref[...], axis=1)
    asrc_ref[...] = a_s.reshape(RB // 128, 128)
    adst_ref[...] = a_d.reshape(RB // 128, 128)


def _head(x_pad, W, att_s, att_d):
    return pl.pallas_call(
        _head_body,
        grid=(NBLK,),
        in_specs=[
            pl.BlockSpec((RB, D), lambda i: (i, 0)),
            pl.BlockSpec((D, D), lambda i: (0, 0)),
            pl.BlockSpec((1, D), lambda i: (0, 0)),
            pl.BlockSpec((1, D), lambda i: (0, 0)),
        ],
        out_specs=[
            pl.BlockSpec((RB, DA), lambda i: (i, 0)),
            pl.BlockSpec((RB // 128, 128), lambda i: (i, 0)),
            pl.BlockSpec((RB // 128, 128), lambda i: (i, 0)),
        ],
        out_shape=[
            jax.ShapeDtypeStruct((NP, DA), jnp.float32),
            jax.ShapeDtypeStruct((NP // 128, 128), jnp.float32),
            jax.ShapeDtypeStruct((NP // 128, 128), jnp.float32),
        ],
    )(x_pad, W, att_s, att_d)


NPA = 10016
RPT = NPA // NS


def _sc_body(ha_hbm, asrc_hbm, adst_hbm, sidx_hbm, didx_hbm, acc_hbm,
             asrc_v, adst_v, sidx_v, didx_v, w_v, rows_v, acc_sh, sem):
    cid = lax.axis_index("c")
    sid = lax.axis_index("s")
    tile = cid * NS + sid

    zero = jnp.zeros((16,), jnp.float32)

    def _zrow(j, _):
        for c in range(DA // 16):
            rows_v[j, pl.ds(c * 16, 16)] = zero
        return 0

    lax.fori_loop(0, K, _zrow, 0, unroll=False)
    base = sid * RPT
    for r in range(RPT // K):
        pltpu.sync_copy(rows_v, acc_sh.at[pl.ds(base + r * K, K)])
    pltpu.sync_copy(rows_v.at[pl.ds(0, RPT % K)],
                    acc_sh.at[pl.ds(base + (RPT // K) * K, RPT % K)])

    pltpu.sync_copy(asrc_hbm.at[pl.ds(0, NPA)], asrc_v)
    pltpu.sync_copy(adst_hbm.at[pl.ds(0, NPA)], adst_v)
    plsc.subcore_barrier()

    def _block(b, _):
        pltpu.sync_copy(sidx_hbm.at[tile].at[b], sidx_v)
        pltpu.sync_copy(didx_hbm.at[tile].at[b], didx_v)
        gather = pltpu.async_copy(ha_hbm.at[sidx_v], rows_v, sem)
        for j8 in range(K // 16):
            sv = sidx_v[pl.ds(j8 * 16, 16)]
            dv = didx_v[pl.ds(j8 * 16, 16)]
            a = plsc.load_gather(asrc_v, [sv]) + plsc.load_gather(adst_v, [dv])
            a = jnp.where(a >= 0.0, a, 0.2 * a)
            w_v[pl.ds(j8 * 16, 16)] = jnp.exp(a)
        gather.wait()

        def _scale(j, _):
            ws = jnp.broadcast_to(w_v[pl.ds(j, 16)][0], (16,))
            for c in range(DA // 16):
                rows_v[j, pl.ds(c * 16, 16)] = rows_v[j, pl.ds(c * 16, 16)] * ws
            return 0

        lax.fori_loop(0, K, _scale, 0, unroll=16)

        pltpu.sync_copy(rows_v, acc_sh.at[didx_v], add=True)
        return 0

    lax.fori_loop(0, BPT, _block, 0, unroll=False)
    plsc.subcore_barrier()

    pltpu.sync_copy(acc_sh.at[pl.ds(base, RPT)],
                    acc_hbm.at[cid].at[pl.ds(base, RPT)])


def _sc_core(h_aug, a_src, a_dst, sidx, didx):
    mesh = plsc.VectorSubcoreMesh(core_axis_name="c", subcore_axis_name="s")
    k = pl.kernel(
        _sc_body,
        out_type=jax.ShapeDtypeStruct((NC, NP, DA), jnp.float32),
        mesh=mesh,
        compiler_params=pltpu.CompilerParams(needs_layout_passes=False,
                                             use_tc_tiling_on_sc=False),
        scratch_types=[
            pltpu.VMEM((NPA,), jnp.float32),
            pltpu.VMEM((NPA,), jnp.float32),
            pltpu.VMEM((K,), jnp.int32),
            pltpu.VMEM((K,), jnp.int32),
            pltpu.VMEM((K + 16,), jnp.float32),
            pltpu.VMEM((K, DA), jnp.float32),
            pltpu.VMEM_SHARED((NPA, DA), jnp.float32),
            pltpu.SemaphoreType.DMA,
        ],
    )
    return k(h_aug, a_src, a_dst, sidx, didx)


def _tail_body(acc_ref, oh_ref, bias_ref, fc1w_ref, fc1b_ref, out_ref,
               num_ref, cnt_ref):
    i = pl.program_id(0)
    blk = acc_ref[0] + acc_ref[1]
    s = blk[:, D:D + 1]
    y = blk[:, :D] / jnp.maximum(s, 1e-30) + bias_ref[...]
    y = jnp.where(y >= 0.0, y, 0.01 * y)
    row = i * RB + lax.broadcasted_iota(jnp.int32, (RB, 1), 0)
    y = jnp.where(row < N, y, 0.0)
    oh = oh_ref[...]
    pnum = jnp.dot(oh, y, preferred_element_type=jnp.float32)
    pcnt = jnp.dot(oh, jnp.ones((RB, 128), jnp.float32),
                   preferred_element_type=jnp.float32)

    @pl.when(i == 0)
    def _():
        num_ref[...] = pnum
        cnt_ref[...] = pcnt

    @pl.when(i > 0)
    def _():
        num_ref[...] += pnum
        cnt_ref[...] += pcnt

    @pl.when(i == NBLK - 1)
    def _():
        pooled = num_ref[...] / jnp.maximum(cnt_ref[...], 1.0)
        out_ref[...] = jnp.dot(pooled, fc1w_ref[...],
                               preferred_element_type=jnp.float32) + fc1b_ref[...]


def _tail(acc, onehot, bias_gat, fc1_W, fc1_b):
    return pl.pallas_call(
        _tail_body,
        grid=(NBLK,),
        in_specs=[
            pl.BlockSpec((NC, RB, DA), lambda i: (0, i, 0)),
            pl.BlockSpec((G, RB), lambda i: (0, i)),
            pl.BlockSpec((1, D), lambda i: (0, 0)),
            pl.BlockSpec((D, D), lambda i: (0, 0)),
            pl.BlockSpec((1, D), lambda i: (0, 0)),
        ],
        out_specs=pl.BlockSpec((G, D), lambda i: (0, 0)),
        out_shape=jax.ShapeDtypeStruct((G, D), jnp.float32),
        scratch_shapes=[
            pltpu.VMEM((G, D), jnp.float32),
            pltpu.VMEM((G, D), jnp.float32),
        ],
    )(acc, onehot, bias_gat, fc1_W, fc1_b)


@jax.jit
def kernel(x, edge_index, batch, W, att_src, att_dst, bias_gat, fc1_W, fc1_b):
    loop = jnp.arange(N, dtype=jnp.int32)
    pad = jnp.full((EPAD - E - N,), N, dtype=jnp.int32)
    src = jnp.concatenate([edge_index[0], loop, pad]).reshape(NC * NS, BPT, K)
    dst = jnp.concatenate([edge_index[1], loop, pad]).reshape(NC * NS, BPT, K)

    x_pad = jnp.pad(x, ((0, NP - N), (0, 0)))
    h_aug, a_src2, a_dst2 = _head(x_pad, W, att_src.reshape(1, D),
                                  att_dst.reshape(1, D))
    a_src = a_src2.reshape(NP)
    a_dst = a_dst2.reshape(NP)

    acc = _sc_core(h_aug, a_src, a_dst, src, dst)

    batch_pad = jnp.concatenate([batch, jnp.full((NP - N,), G, jnp.int32)])
    onehot = (batch_pad[None, :] == jnp.arange(G, dtype=jnp.int32)[:, None]
              ).astype(jnp.float32)
    return _tail(acc, onehot, bias_gat.reshape(1, D), fc1_W,
                 fc1_b.reshape(1, D))

# --- scband reference (transcript-rebuilt; emitter-appended) ---
"""Pipeline reference for scband-gatconv-encoder-27565100106035 (READ-ONLY COPY).

The authoritative reference and input builder live on the scoring server;
editing this copy changes nothing except your own understanding.
"""

import jax, jax.numpy as jnp
import numpy as np

N = 10000
E = 320000
D_IN = 128
D_HID = 128
D_OUT = 128
HEADS = 1
NUM_GRAPHS = 64


def setup_inputs(seed: int = 0):
    key = jax.random.key(seed)
    ks = jax.random.split(key, 9)
    x = jax.random.normal(ks[0], (N, D_IN), dtype=jnp.float32)
    edge_index = jax.random.randint(ks[1], (2, E), 0, N, dtype=jnp.int32)
    batch = jnp.sort(jax.random.randint(ks[2], (N,), 0, NUM_GRAPHS, dtype=jnp.int32))
    W = jax.random.normal(ks[3], (D_IN, HEADS * D_HID), dtype=jnp.float32) * 0.05
    att_src = jax.random.normal(ks[4], (1, HEADS, D_HID), dtype=jnp.float32) * 0.05
    att_dst = jax.random.normal(ks[5], (1, HEADS, D_HID), dtype=jnp.float32) * 0.05
    bias_gat = jnp.zeros((HEADS * D_HID,), dtype=jnp.float32)
    fc1_W = jax.random.normal(ks[6], (HEADS * D_HID, D_OUT), dtype=jnp.float32) * 0.05
    fc1_b = jnp.zeros((D_OUT,), dtype=jnp.float32)
    return {"x": x, "edge_index": edge_index, "batch": batch, "W": W,
            "att_src": att_src, "att_dst": att_dst, "bias_gat": bias_gat,
            "fc1_W": fc1_W, "fc1_b": fc1_b}


def reference(x, edge_index, batch, W, att_src, att_dst, bias_gat, fc1_W, fc1_b):
    src = edge_index[0]
    dst = edge_index[1]
    # PyG GATConv adds self-loops by default
    loop = jnp.arange(N, dtype=src.dtype)
    src = jnp.concatenate([src, loop])
    dst = jnp.concatenate([dst, loop])
    # linear projection per head
    h = (x @ W).reshape(N, HEADS, D_HID)
    # per-node attention logits
    a_src = (h * att_src).sum(axis=-1)  # [N, H]
    a_dst = (h * att_dst).sum(axis=-1)  # [N, H]
    # per-edge attention (gather)
    alpha = a_src[src] + a_dst[dst]     # [E+N, H]
    alpha = jax.nn.leaky_relu(alpha, 0.2)
    # segment softmax over incoming edges of each dst node
    amax = jax.ops.segment_max(alpha, dst, num_segments=N)
    alpha = jnp.exp(alpha - amax[dst])
    asum = jax.ops.segment_sum(alpha, dst, num_segments=N)
    alpha = alpha / (asum[dst] + 1e-16)
    # message passing: weighted scatter-add
    msg = h[src] * alpha[:, :, None]    # [E+N, H, C]
    out = jax.ops.segment_sum(msg, dst, num_segments=N)  # [N, H, C]
    out = out.reshape(N, HEADS * D_HID) + bias_gat
    # nn.LeakyReLU default negative_slope = 0.01
    out = jax.nn.leaky_relu(out, 0.01)
    # global_mean_pool over batch assignment
    sums = jax.ops.segment_sum(out, batch, num_segments=NUM_GRAPHS)
    counts = jax.ops.segment_sum(jnp.ones((N, 1), dtype=out.dtype), batch, num_segments=NUM_GRAPHS)
    pooled = sums / jnp.maximum(counts, 1.0)
    # fc1
    return pooled @ fc1_W + fc1_b

if __name__ == "__main__":
    import jax
    _d = setup_inputs()
    print(jax.jit(kernel)(*tuple(_d.values())))

</pallas_src>

<mosaic_0001>
#map = affine_map<(d0, d1) -> (0, 0)>
#map1 = affine_map<(d0, d1) -> (0)>
#map2 = affine_map<(d0, d1) -> (0, 0, 0)>
module attributes {stable_mosaic.version = 14 : i64} {
  func.func @_sc_body(%arg0: i32, %arg1: i32, %arg2: memref<10240x144xf32, #tpu.memory_space<hbm>>, %arg3: memref<10240xf32, #tpu.memory_space<hbm>>, %arg4: memref<10240xf32, #tpu.memory_space<hbm>>, %arg5: memref<32x81x128xi32, #tpu.memory_space<hbm>>, %arg6: memref<32x81x128xi32, #tpu.memory_space<hbm>>, %arg7: memref<2x10240x144xf32, #tpu.memory_space<hbm>>, %arg8: memref<10016xf32, #tpu.memory_space<vmem>>, %arg9: memref<10016xf32, #tpu.memory_space<vmem>>, %arg10: memref<128xi32, #tpu.memory_space<vmem>>, %arg11: memref<128xi32, #tpu.memory_space<vmem>>, %arg12: memref<144xf32, #tpu.memory_space<vmem>>, %arg13: memref<128x144xf32, #tpu.memory_space<vmem>>, %arg14: memref<10016x144xf32, #tpu.memory_space<vmem_shared>>, %arg15: memref<!tpu.dma_semaphore, #tpu.memory_space<semaphore_mem>>) attributes {dimension_semantics = [#tpu.dimension_semantics<core_parallel>, #tpu.dimension_semantics<subcore_parallel>], iteration_bounds = array<i64: 2, 16>, scalar_prefetch = 0 : i64, scratch_operands = 8 : i64, tpu.core_type = #tpu.core_type<sc_vector_subcore>, window_params = [{transform_indices = #map}, {transform_indices = #map1}, {transform_indices = #map1}, {transform_indices = #map2}, {transform_indices = #map2}, {transform_indices = #map2}]} {
    %mul3A = arith.constant 16 : i32
    %mul3A_0 = arith.muli %arg0, %mul3A : i32
    %add3A = arith.addi %mul3A_0, %arg1 : i32
    %broadcast_in_dim3A = arith.constant 0.000000e+00 : f32
    %broadcast_in_dim3A_1 = vector.broadcast %broadcast_in_dim3A : f32 to vector<16xf32>
    %scan3A = arith.constant 0 : i32
    %scan3A_2 = arith.constant 0 : i32
    %scan3A_3 = arith.constant 128 : i32
    %scan3A_4 = arith.addi %scan3A_2, %scan3A_3 : i32
    %scan3A_5 = arith.constant 1 : i32
    %scan3A_6 = scf.for %scan3A_28 = %scan3A_2 to %scan3A_4 step %scan3A_5 iter_args(%scan3A_29 = %scan3A) -> (i32)  : i32 {
      %swap3A = arith.index_cast %scan3A_28 : i32 to index
      %swap3A_30 = arith.constant 0 : index
      %swap3A_31 = tpu.vector_load %arg13[%swap3A, %swap3A_30] {strides = array<i32>} : memref<128x144xf32, #tpu.memory_space<vmem>>, vector<16xf32>,
      tpu.vector_store %arg13[%swap3A, %swap3A_30], %broadcast_in_dim3A_1 {strides = array<i32>} : memref<128x144xf32, #tpu.memory_space<vmem>>, vector<16xf32>,
      %swap3A_32 = arith.index_cast %scan3A_28 : i32 to index
      %swap3A_33 = arith.constant 16 : index
      %swap3A_34 = tpu.vector_load %arg13[%swap3A_32, %swap3A_33] {strides = array<i32>} : memref<128x144xf32, #tpu.memory_space<vmem>>, vector<16xf32>,
      tpu.vector_store %arg13[%swap3A_32, %swap3A_33], %broadcast_in_dim3A_1 {strides = array<i32>} : memref<128x144xf32, #tpu.memory_space<vmem>>, vector<16xf32>,
      %swap3A_35 = arith.index_cast %scan3A_28 : i32 to index
      %swap3A_36 = arith.constant 32 : index
      %swap3A_37 = tpu.vector_load %arg13[%swap3A_35, %swap3A_36] {strides = array<i32>} : memref<128x144xf32, #tpu.memory_space<vmem>>, vector<16xf32>,
      tpu.vector_store %arg13[%swap3A_35, %swap3A_36], %broadcast_in_dim3A_1 {strides = array<i32>} : memref<128x144xf32, #tpu.memory_space<vmem>>, vector<16xf32>,
      %swap3A_38 = arith.index_cast %scan3A_28 : i32 to index
      %swap3A_39 = arith.constant 48 : index
      %swap3A_40 = tpu.vector_load %arg13[%swap3A_38, %swap3A_39] {strides = array<i32>} : memref<128x144xf32, #tpu.memory_space<vmem>>, vector<16xf32>,
      tpu.vector_store %arg13[%swap3A_38, %swap3A_39], %broadcast_in_dim3A_1 {strides = array<i32>} : memref<128x144xf32, #tpu.memory_space<vmem>>, vector<16xf32>,
      %swap3A_41 = arith.index_cast %scan3A_28 : i32 to index
      %swap3A_42 = arith.constant 64 : index
      %swap3A_43 = tpu.vector_load %arg13[%swap3A_41, %swap3A_42] {strides = array<i32>} : memref<128x144xf32, #tpu.memory_space<vmem>>, vector<16xf32>,
      tpu.vector_store %arg13[%swap3A_41, %swap3A_42], %broadcast_in_dim3A_1 {strides = array<i32>} : memref<128x144xf32, #tpu.memory_space<vmem>>, vector<16xf32>,
      %swap3A_44 = arith.index_cast %scan3A_28 : i32 to index
      %swap3A_45 = arith.constant 80 : index
      %swap3A_46 = tpu.vector_load %arg13[%swap3A_44, %swap3A_45] {strides = array<i32>} : memref<128x144xf32, #tpu.memory_space<vmem>>, vector<16xf32>,
      tpu.vector_store %arg13[%swap3A_44, %swap3A_45], %broadcast_in_dim3A_1 {strides = array<i32>} : memref<128x144xf32, #tpu.memory_space<vmem>>, vector<16xf32>,
      %swap3A_47 = arith.index_cast %scan3A_28 : i32 to index
      %swap3A_48 = arith.constant 96 : index
      %swap3A_49 = tpu.vector_load %arg13[%swap3A_47, %swap3A_48] {strides = array<i32>} : memref<128x144xf32, #tpu.memory_space<vmem>>, vector<16xf32>,
      tpu.vector_store %arg13[%swap3A_47, %swap3A_48], %broadcast_in_dim3A_1 {strides = array<i32>} : memref<128x144xf32, #tpu.memory_space<vmem>>, vector<16xf32>,
      %swap3A_50 = arith.index_cast %scan3A_28 : i32 to index
      %swap3A_51 = arith.constant 112 : index
      %swap3A_52 = tpu.vector_load %arg13[%swap3A_50, %swap3A_51] {strides = array<i32>} : memref<128x144xf32, #tpu.memory_space<vmem>>, vector<16xf32>,
      tpu.vector_store %arg13[%swap3A_50, %swap3A_51], %broadcast_in_dim3A_1 {strides = array<i32>} : memref<128x144xf32, #tpu.memory_space<vmem>>, vector<16xf32>,
      %swap3A_53 = arith.index_cast %scan3A_28 : i32 to index
      %swap3A_54 = arith.constant 128 : index
      %swap3A_55 = tpu.vector_load %arg13[%swap3A_53, %swap3A_54] {strides = array<i32>} : memref<128x144xf32, #tpu.memory_space<vmem>>, vector<16xf32>,
      tpu.vector_store %arg13[%swap3A_53, %swap3A_54], %broadcast_in_dim3A_1 {strides = array<i32>} : memref<128x144xf32, #tpu.memory_space<vmem>>, vector<16xf32>,
      %scan3A_56 = arith.constant 0 : i32
      scf.yield %scan3A_56 : i32
    }
    %scan3A_7 = arith.constant 128 : i32
    %mul3A_8 = arith.constant 626 : i32
    %mul3A_9 = arith.muli %arg1, %mul3A_8 : i32
    %add3A_10 = arith.constant 0 : i32
    %add3A_11 = arith.addi %mul3A_9, %add3A_10 : i32
    "tpu.region"() ({
      %run_scoped3A = tpu.sem_alloc : memref<!tpu.dma_semaphore, #tpu.memory_space<semaphore_mem>>
      %dma_start3A = arith.constant 0 : i32
      %dma_start3A_28 = tpu.memref_slice %arg14[%add3A_11, %dma_start3A] : memref<10016x144xf32, #tpu.memory_space<vmem_shared>> -> memref<128x144xf32, #tpu.memory_space<vmem_shared>>
      %dma_start3A_29 = arith.constant 0 : i32
      %dma_start3A_30 = tpu.memref_slice %arg14[%add3A_11, %dma_start3A_29] : memref<10016x144xf32, #tpu.memory_space<vmem_shared>> -> memref<128x144xf32, #tpu.memory_space<vmem_shared>>
      tpu.enqueue_dma source(%arg13 : memref<128x144xf32, #tpu.memory_space<vmem>>) target(%dma_start3A_30 : memref<128x144xf32, #tpu.memory_space<vmem_shared>>) target_semaphore(%run_scoped3A : memref<!tpu.dma_semaphore, #tpu.memory_space<semaphore_mem>>)
      %dma_wait3A = arith.constant 0 : i32
      %dma_wait3A_31 = tpu.memref_slice %arg14[%add3A_11, %dma_wait3A] : memref<10016x144xf32, #tpu.memory_space<vmem_shared>> -> memref<128x144xf32, #tpu.memory_space<vmem_shared>>
      %dma_wait3A_32 = arith.constant 0 : i32
      %dma_wait3A_33 = tpu.memref_slice %arg14[%add3A_11, %dma_wait3A_32] : memref<10016x144xf32, #tpu.memory_space<vmem_shared>> -> memref<128x144xf32, #tpu.memory_space<vmem_shared>>
      tpu.wait_dma2 semaphore(%run_scoped3A : memref<!tpu.dma_semaphore, #tpu.memory_space<semaphore_mem>>) src(%arg13 : memref<128x144xf32, #tpu.memory_space<vmem>>) dst(%dma_wait3A_33 : memref<128x144xf32, #tpu.memory_space<vmem_shared>>)
      tpu.yield
    }) : () -> ()
    %add3A_12 = arith.constant 128 : i32
    %add3A_13 = arith.addi %mul3A_9, %add3A_12 : i32
    "tpu.region"() ({
      %run_scoped3A = tpu.sem_alloc : memref<!tpu.dma_semaphore, #tpu.memory_space<semaphore_mem>>
      %dma_start3A = arith.constant 0 : i32
      %dma_start3A_28 = tpu.memref_slice %arg14[%add3A_13, %dma_start3A] : memref<10016x144xf32, #tpu.memory_space<vmem_shared>> -> memref<128x144xf32, #tpu.memory_space<vmem_shared>>
      %dma_start3A_29 = arith.constant 0 : i32
      %dma_start3A_30 = tpu.memref_slice %arg14[%add3A_13, %dma_start3A_29] : memref<10016x144xf32, #tpu.memory_space<vmem_shared>> -> memref<128x144xf32, #tpu.memory_space<vmem_shared>>
      tpu.enqueue_dma source(%arg13 : memref<128x144xf32, #tpu.memory_space<vmem>>) target(%dma_start3A_30 : memref<128x144xf32, #tpu.memory_space<vmem_shared>>) target_semaphore(%run_scoped3A : memref<!tpu.dma_semaphore, #tpu.memory_space<semaphore_mem>>)
      %dma_wait3A = arith.constant 0 : i32
      %dma_wait3A_31 = tpu.memref_slice %arg14[%add3A_13, %dma_wait3A] : memref<10016x144xf32, #tpu.memory_space<vmem_shared>> -> memref<128x144xf32, #tpu.memory_space<vmem_shared>>
      %dma_wait3A_32 = arith.constant 0 : i32
      %dma_wait3A_33 = tpu.memref_slice %arg14[%add3A_13, %dma_wait3A_32] : memref<10016x144xf32, #tpu.memory_space<vmem_shared>> -> memref<128x144xf32, #tpu.memory_space<vmem_shared>>
      tpu.wait_dma2 semaphore(%run_scoped3A : memref<!tpu.dma_semaphore, #tpu.memory_space<semaphore_mem>>) src(%arg13 : memref<128x144xf32, #tpu.memory_space<vmem>>) dst(%dma_wait3A_33 : memref<128x144xf32, #tpu.memory_space<vmem_shared>>)
      tpu.yield
    }) : () -> ()
    %add3A_14 = arith.constant 256 : i32
    %add3A_15 = arith.addi %mul3A_9, %add3A_14 : i32
    "tpu.region"() ({
      %run_scoped3A = tpu.sem_alloc : memref<!tpu.dma_semaphore, #tpu.memory_space<semaphore_mem>>
      %dma_start3A = arith.constant 0 : i32
      %dma_start3A_28 = tpu.memref_slice %arg14[%add3A_15, %dma_start3A] : memref<10016x144xf32, #tpu.memory_space<vmem_shared>> -> memref<128x144xf32, #tpu.memory_space<vmem_shared>>
      %dma_start3A_29 = arith.constant 0 : i32
      %dma_start3A_30 = tpu.memref_slice %arg14[%add3A_15, %dma_start3A_29] : memref<10016x144xf32, #tpu.memory_space<vmem_shared>> -> memref<128x144xf32, #tpu.memory_space<vmem_shared>>
      tpu.enqueue_dma source(%arg13 : memref<128x144xf32, #tpu.memory_space<vmem>>) target(%dma_start3A_30 : memref<128x144xf32, #tpu.memory_space<vmem_shared>>) target_semaphore(%run_scoped3A : memref<!tpu.dma_semaphore, #tpu.memory_space<semaphore_mem>>)
      %dma_wait3A = arith.constant 0 : i32
      %dma_wait3A_31 = tpu.memref_slice %arg14[%add3A_15, %dma_wait3A] : memref<10016x144xf32, #tpu.memory_space<vmem_shared>> -> memref<128x144xf32, #tpu.memory_space<vmem_shared>>
      %dma_wait3A_32 = arith.constant 0 : i32
      %dma_wait3A_33 = tpu.memref_slice %arg14[%add3A_15, %dma_wait3A_32] : memref<10016x144xf32, #tpu.memory_space<vmem_shared>> -> memref<128x144xf32, #tpu.memory_space<vmem_shared>>
      tpu.wait_dma2 semaphore(%run_scoped3A : memref<!tpu.dma_semaphore, #tpu.memory_space<semaphore_mem>>) src(%arg13 : memref<128x144xf32, #tpu.memory_space<vmem>>) dst(%dma_wait3A_33 : memref<128x144xf32, #tpu.memory_space<vmem_shared>>)
      tpu.yield
    }) : () -> ()
    %add3A_16 = arith.constant 384 : i32
    %add3A_17 = arith.addi %mul3A_9, %add3A_16 : i32
    "tpu.region"() ({
      %run_scoped3A = tpu.sem_alloc : memref<!tpu.dma_semaphore, #tpu.memory_space<semaphore_mem>>
      %dma_start3A = arith.constant 0 : i32
      %dma_start3A_28 = tpu.memref_slice %arg14[%add3A_17, %dma_start3A] : memref<10016x144xf32, #tpu.memory_space<vmem_shared>> -> memref<128x144xf32, #tpu.memory_space<vmem_shared>>
      %dma_start3A_29 = arith.constant 0 : i32
      %dma_start3A_30 = tpu.memref_slice %arg14[%add3A_17, %dma_start3A_29] : memref<10016x144xf32, #tpu.memory_space<vmem_shared>> -> memref<128x144xf32, #tpu.memory_space<vmem_shared>>
      tpu.enqueue_dma source(%arg13 : memref<128x144xf32, #tpu.memory_space<vmem>>) target(%dma_start3A_30 : memref<128x144xf32, #tpu.memory_space<vmem_shared>>) target_semaphore(%run_scoped3A : memref<!tpu.dma_semaphore, #tpu.memory_space<semaphore_mem>>)
      %dma_wait3A = arith.constant 0 : i32
      %dma_wait3A_31 = tpu.memref_slice %arg14[%add3A_17, %dma_wait3A] : memref<10016x144xf32, #tpu.memory_space<vmem_shared>> -> memref<128x144xf32, #tpu.memory_space<vmem_shared>>
      %dma_wait3A_32 = arith.constant 0 : i32
      %dma_wait3A_33 = tpu.memref_slice %arg14[%add3A_17, %dma_wait3A_32] : memref<10016x144xf32, #tpu.memory_space<vmem_shared>> -> memref<128x144xf32, #tpu.memory_space<vmem_shared>>
      tpu.wait_dma2 semaphore(%run_scoped3A : memref<!tpu.dma_semaphore, #tpu.memory_space<semaphore_mem>>) src(%arg13 : memref<128x144xf32, #tpu.memory_space<vmem>>) dst(%dma_wait3A_33 : memref<128x144xf32, #tpu.memory_space<vmem_shared>>)
      tpu.yield
    }) : () -> ()
    %add3A_18 = arith.constant 512 : i32
    %add3A_19 = arith.addi %mul3A_9, %add3A_18 : i32
    "tpu.region"() ({
      %run_scoped3A = tpu.sem_alloc : memref<!tpu.dma_semaphore, #tpu.memory_space<semaphore_mem>>
      %dma_start3A = arith.constant 0 : i32
      %dma_start3A_28 = arith.constant 0 : i32
      %dma_start3A_29 = tpu.memref_slice %arg13[%dma_start3A, %dma_start3A_28] : memref<128x144xf32, #tpu.memory_space<vmem>> -> memref<114x144xf32, #tpu.memory_space<vmem>>
      %dma_start3A_30 = arith.constant 0 : i32
      %dma_start3A_31 = tpu.memref_slice %arg14[%add3A_19, %dma_start3A_30] : memref<10016x144xf32, #tpu.memory_space<vmem_shared>> -> memref<114x144xf32, #tpu.memory_space<vmem_shared>>
      %dma_start3A_32 = arith.constant 0 : i32
      %dma_start3A_33 = tpu.memref_slice %arg14[%add3A_19, %dma_start3A_32] : memref<10016x144xf32, #tpu.memory_space<vmem_shared>> -> memref<114x144xf32, #tpu.memory_space<vmem_shared>>
      %dma_start3A_34 = arith.constant 0 : i32
      %dma_start3A_35 = arith.constant 0 : i32
      %dma_start3A_36 = tpu.memref_slice %arg13[%dma_start3A_34, %dma_start3A_35] : memref<128x144xf32, #tpu.memory_space<vmem>> -> memref<114x144xf32, #tpu.memory_space<vmem>>
      tpu.enqueue_dma source(%dma_start3A_36 : memref<114x144xf32, #tpu.memory_space<vmem>>) target(%dma_start3A_33 : memref<114x144xf32, #tpu.memory_space<vmem_shared>>) target_semaphore(%run_scoped3A : memref<!tpu.dma_semaphore, #tpu.memory_space<semaphore_mem>>)
      %dma_wait3A = arith.constant 0 : i32
      %dma_wait3A_37 = arith.constant 0 : i32
      %dma_wait3A_38 = tpu.memref_slice %arg13[%dma_wait3A, %dma_wait3A_37] : memref<128x144xf32, #tpu.memory_space<vmem>> -> memref<114x144xf32, #tpu.memory_space<vmem>>
      %dma_wait3A_39 = arith.constant 0 : i32
      %dma_wait3A_40 = tpu.memref_slice %arg14[%add3A_19, %dma_wait3A_39] : memref<10016x144xf32, #tpu.memory_space<vmem_shared>> -> memref<114x144xf32, #tpu.memory_space<vmem_shared>>
      %dma_wait3A_41 = arith.constant 0 : i32
      %dma_wait3A_42 = tpu.memref_slice %arg14[%add3A_19, %dma_wait3A_41] : memref<10016x144xf32, #tpu.memory_space<vmem_shared>> -> memref<114x144xf32, #tpu.memory_space<vmem_shared>>
      %dma_wait3A_43 = arith.constant 0 : i32
      %dma_wait3A_44 = arith.constant 0 : i32
      %dma_wait3A_45 = tpu.memref_slice %arg13[%dma_wait3A_43, %dma_wait3A_44] : memref<128x144xf32, #tpu.memory_space<vmem>> -> memref<114x144xf32, #tpu.memory_space<vmem>>
      tpu.wait_dma2 semaphore(%run_scoped3A : memref<!tpu.dma_semaphore, #tpu.memory_space<semaphore_mem>>) src(%dma_wait3A_45 : memref<114x144xf32, #tpu.memory_space<vmem>>) dst(%dma_wait3A_42 : memref<114x144xf32, #tpu.memory_space<vmem_shared>>)
      tpu.yield
    }) : () -> ()
    "tpu.region"() ({
      %run_scoped3A = tpu.sem_alloc : memref<!tpu.dma_semaphore, #tpu.memory_space<semaphore_mem>>
      %dma_start3A = arith.constant 0 : i32
      %dma_start3A_28 = tpu.memref_slice %arg3[%dma_start3A] : memref<10240xf32, #tpu.memory_space<hbm>> -> memref<10016xf32, #tpu.memory_space<hbm>>
      %dma_start3A_29 = arith.constant 0 : i32
      %dma_start3A_30 = tpu.memref_slice %arg3[%dma_start3A_29] : memref<10240xf32, #tpu.memory_space<hbm>> -> memref<10016xf32, #tpu.memory_space<hbm>>
      tpu.enqueue_dma source(%dma_start3A_30 : memref<10016xf32, #tpu.memory_space<hbm>>) target(%arg8 : memref<10016xf32, #tpu.memory_space<vmem>>) target_semaphore(%run_scoped3A : memref<!tpu.dma_semaphore, #tpu.memory_space<semaphore_mem>>)
      %dma_wait3A = arith.constant 0 : i32
      %dma_wait3A_31 = tpu.memref_slice %arg3[%dma_wait3A] : memref<10240xf32, #tpu.memory_space<hbm>> -> memref<10016xf32, #tpu.memory_space<hbm>>
      %dma_wait3A_32 = arith.constant 0 : i32
      %dma_wait3A_33 = tpu.memref_slice %arg3[%dma_wait3A_32] : memref<10240xf32, #tpu.memory_space<hbm>> -> memref<10016xf32, #tpu.memory_space<hbm>>
      tpu.wait_dma2 semaphore(%run_scoped3A : memref<!tpu.dma_semaphore, #tpu.memory_space<semaphore_mem>>) src(%dma_wait3A_33 : memref<10016xf32, #tpu.memory_space<hbm>>) dst(%arg8 : memref<10016xf32, #tpu.memory_space<vmem>>)
      tpu.yield
    }) : () -> ()
    "tpu.region"() ({
      %run_scoped3A = tpu.sem_alloc : memref<!tpu.dma_semaphore, #tpu.memory_space<semaphore_mem>>
      %dma_start3A = arith.constant 0 : i32
      %dma_start3A_28 = tpu.memref_slice %arg4[%dma_start3A] : memref<10240xf32, #tpu.memory_space<hbm>> -> memref<10016xf32, #tpu.memory_space<hbm>>
      %dma_start3A_29 = arith.constant 0 : i32
      %dma_start3A_30 = tpu.memref_slice %arg4[%dma_start3A_29] : memref<10240xf32, #tpu.memory_space<hbm>> -> memref<10016xf32, #tpu.memory_space<hbm>>
      tpu.enqueue_dma source(%dma_start3A_30 : memref<10016xf32, #tpu.memory_space<hbm>>) target(%arg9 : memref<10016xf32, #tpu.memory_space<vmem>>) target_semaphore(%run_scoped3A : memref<!tpu.dma_semaphore, #tpu.memory_space<semaphore_mem>>)
      %dma_wait3A = arith.constant 0 : i32
      %dma_wait3A_31 = tpu.memref_slice %arg4[%dma_wait3A] : memref<10240xf32, #tpu.memory_space<hbm>> -> memref<10016xf32, #tpu.memory_space<hbm>>
      %dma_wait3A_32 = arith.constant 0 : i32
      %dma_wait3A_33 = tpu.memref_slice %arg4[%dma_wait3A_32] : memref<10240xf32, #tpu.memory_space<hbm>> -> memref<10016xf32, #tpu.memory_space<hbm>>
      tpu.wait_dma2 semaphore(%run_scoped3A : memref<!tpu.dma_semaphore, #tpu.memory_space<semaphore_mem>>) src(%dma_wait3A_33 : memref<10016xf32, #tpu.memory_space<hbm>>) dst(%arg9 : memref<10016xf32, #tpu.memory_space<vmem>>)
      tpu.yield
    }) : () -> ()
    %barrier3A = arith.constant 0 : index
    tpu.barrier barrier_id(%barrier3A)
    %scan3A_20 = arith.constant 0 : i32
    %scan3A_21 = arith.constant 0 : i32
    %scan3A_22 = arith.constant 81 : i32
    %scan3A_23 = arith.addi %scan3A_21, %scan3A_22 : i32
    %scan3A_24 = arith.constant 1 : i32
    %scan3A_25 = scf.for %scan3A_28 = %scan3A_21 to %scan3A_23 step %scan3A_24 iter_args(%scan3A_29 = %scan3A_20) -> (i32)  : i32 {
      "tpu.region"() ({
        %run_scoped3A = tpu.sem_alloc : memref<!tpu.dma_semaphore, #tpu.memory_space<semaphore_mem>>
        %dma_start3A_172 = arith.constant 0 : i32
        %dma_start3A_173 = arith.constant 0 : i32
        %dma_start3A_174 = tpu.memref_slice %arg5[%add3A, %dma_start3A_172, %dma_start3A_173] : memref<32x81x128xi32, #tpu.memory_space<hbm>> -> memref<1x81x128xi32, #tpu.memory_space<hbm>>
        %dma_start3A_175 = tpu.memref_squeeze %dma_start3A_174 : memref<1x81x128xi32, #tpu.memory_space<hbm>> -> memref<81x128xi32, #tpu.memory_space<hbm>>
        %dma_start3A_176 = arith.constant 0 : i32
        %dma_start3A_177 = tpu.memref_slice %dma_start3A_175[%scan3A_28, %dma_start3A_176] : memref<81x128xi32, #tpu.memory_space<hbm>> -> memref<1x128xi32, #tpu.memory_space<hbm>>
        %dma_start3A_178 = tpu.memref_squeeze %dma_start3A_177 : memref<1x128xi32, #tpu.memory_space<hbm>> -> memref<128xi32, #tpu.memory_space<hbm>>
        %dma_start3A_179 = arith.constant 0 : i32
        %dma_start3A_180 = arith.constant 0 : i32
        %dma_start3A_181 = tpu.memref_slice %arg5[%add3A, %dma_start3A_179, %dma_start3A_180] : memref<32x81x128xi32, #tpu.memory_space<hbm>> -> memref<1x81x128xi32, #tpu.memory_space<hbm>>
        %dma_start3A_182 = tpu.memref_squeeze %dma_start3A_181 : memref<1x81x128xi32, #tpu.memory_space<hbm>> -> memref<81x128xi32, #tpu.memory_space<hbm>>
        %dma_start3A_183 = arith.constant 0 : i32
        %dma_start3A_184 = tpu.memref_slice %dma_start3A_182[%scan3A_28, %dma_start3A_183] : memref<81x128xi32, #tpu.memory_space<hbm>> -> memref<1x128xi32, #tpu.memory_space<hbm>>
        %dma_start3A_185 = tpu.memref_squeeze %dma_start3A_184 : memref<1x128xi32, #tpu.memory_space<hbm>> -> memref<128xi32, #tpu.memory_space<hbm>>
        tpu.enqueue_dma source(%dma_start3A_185 : memref<128xi32, #tpu.memory_space<hbm>>) target(%arg10 : memref<128xi32, #tpu.memory_space<vmem>>) target_semaphore(%run_scoped3A : memref<!tpu.dma_semaphore, #tpu.memory_space<semaphore_mem>>)
        %dma_wait3A_186 = arith.constant 0 : i32
        %dma_wait3A_187 = arith.constant 0 : i32
        %dma_wait3A_188 = tpu.memref_slice %arg5[%add3A, %dma_wait3A_186, %dma_wait3A_187] : memref<32x81x128xi32, #tpu.memory_space<hbm>> -> memref<1x81x128xi32, #tpu.memory_space<hbm>>
        %dma_wait3A_189 = tpu.memref_squeeze %dma_wait3A_188 : memref<1x81x128xi32, #tpu.memory_space<hbm>> -> memref<81x128xi32, #tpu.memory_space<hbm>>
        %dma_wait3A_190 = arith.constant 0 : i32
        %dma_wait3A_191 = tpu.memref_slice %dma_wait3A_189[%scan3A_28, %dma_wait3A_190] : memref<81x128xi32, #tpu.memory_space<hbm>> -> memref<1x128xi32, #tpu.memory_space<hbm>>
        %dma_wait3A_192 = tpu.memref_squeeze %dma_wait3A_191 : memref<1x128xi32, #tpu.memory_space<hbm>> -> memref<128xi32, #tpu.memory_space<hbm>>
        %dma_wait3A_193 = arith.constant 0 : i32
        %dma_wait3A_194 = arith.constant 0 : i32
        %dma_wait3A_195 = tpu.memref_slice %arg5[%add3A, %dma_wait3A_193, %dma_wait3A_194] : memref<32x81x128xi32, #tpu.memory_space<hbm>> -> memref<1x81x128xi32, #tpu.memory_space<hbm>>
        %dma_wait3A_196 = tpu.memref_squeeze %dma_wait3A_195 : memref<1x81x128xi32, #tpu.memory_space<hbm>> -> memref<81x128xi32, #tpu.memory_space<hbm>>
        %dma_wait3A_197 = arith.constant 0 : i32
        %dma_wait3A_198 = tpu.memref_slice %dma_wait3A_196[%scan3A_28, %dma_wait3A_197] : memref<81x128xi32, #tpu.memory_space<hbm>> -> memref<1x128xi32, #tpu.memory_space<hbm>>
        %dma_wait3A_199 = tpu.memref_squeeze %dma_wait3A_198 : memref<1x128xi32, #tpu.memory_space<hbm>> -> memref<128xi32, #tpu.memory_space<hbm>>
        tpu.wait_dma2 semaphore(%run_scoped3A : memref<!tpu.dma_semaphore, #tpu.memory_space<semaphore_mem>>) src(%dma_wait3A_199 : memref<128xi32, #tpu.memory_space<hbm>>) dst(%arg10 : memref<128xi32, #tpu.memory_space<vmem>>)
        tpu.yield
      }) : () -> ()
      "tpu.region"() ({
        %run_scoped3A = tpu.sem_alloc : memref<!tpu.dma_semaphore, #tpu.memory_space<semaphore_mem>>
        %dma_start3A_172 = arith.constant 0 : i32
        %dma_start3A_173 = arith.constant 0 : i32
        %dma_start3A_174 = tpu.memref_slice %arg6[%add3A, %dma_start3A_172, %dma_start3A_173] : memref<32x81x128xi32, #tpu.memory_space<hbm>> -> memref<1x81x128xi32, #tpu.memory_space<hbm>>
        %dma_start3A_175 = tpu.memref_squeeze %dma_start3A_174 : memref<1x81x128xi32, #tpu.memory_space<hbm>> -> memref<81x128xi32, #tpu.memory_space<hbm>>
        %dma_start3A_176 = arith.constant 0 : i32
        %dma_start3A_177 = tpu.memref_slice %dma_start3A_175[%scan3A_28, %dma_start3A_176] : memref<81x128xi32, #tpu.memory_space<hbm>> -> memref<1x128xi32, #tpu.memory_space<hbm>>
        %dma_start3A_178 = tpu.memref_squeeze %dma_start3A_177 : memref<1x128xi32, #tpu.memory_space<hbm>> -> memref<128xi32, #tpu.memory_space<hbm>>
        %dma_start3A_179 = arith.constant 0 : i32
        %dma_start3A_180 = arith.constant 0 : i32
        %dma_start3A_181 = tpu.memref_slice %arg6[%add3A, %dma_start3A_179, %dma_start3A_180] : memref<32x81x128xi32, #tpu.memory_space<hbm>> -> memref<1x81x128xi32, #tpu.memory_space<hbm>>
        %dma_start3A_182 = tpu.memref_squeeze %dma_start3A_181 : memref<1x81x128xi32, #tpu.memory_space<hbm>> -> memref<81x128xi32, #tpu.memory_space<hbm>>
        %dma_start3A_183 = arith.constant 0 : i32
        %dma_start3A_184 = tpu.memref_slice %dma_start3A_182[%scan3A_28, %dma_start3A_183] : memref<81x128xi32, #tpu.memory_space<hbm>> -> memref<1x128xi32, #tpu.memory_space<hbm>>
        %dma_start3A_185 = tpu.memref_squeeze %dma_start3A_184 : memref<1x128xi32, #tpu.memory_space<hbm>> -> memref<128xi32, #tpu.memory_space<hbm>>
        tpu.enqueue_dma source(%dma_start3A_185 : memref<128xi32, #tpu.memory_space<hbm>>) target(%arg11 : memref<128xi32, #tpu.memory_space<vmem>>) target_semaphore(%run_scoped3A : memref<!tpu.dma_semaphore, #tpu.memory_space<semaphore_mem>>)
        %dma_wait3A_186 = arith.constant 0 : i32
        %dma_wait3A_187 = arith.constant 0 : i32
        %dma_wait3A_188 = tpu.memref_slice %arg6[%add3A, %dma_wait3A_186, %dma_wait3A_187] : memref<32x81x128xi32, #tpu.memory_space<hbm>> -> memref<1x81x128xi32, #tpu.memory_space<hbm>>
        %dma_wait3A_189 = tpu.memref_squeeze %dma_wait3A_188 : memref<1x81x128xi32, #tpu.memory_space<hbm>> -> memref<81x128xi32, #tpu.memory_space<hbm>>
        %dma_wait3A_190 = arith.constant 0 : i32
        %dma_wait3A_191 = tpu.memref_slice %dma_wait3A_189[%scan3A_28, %dma_wait3A_190] : memref<81x128xi32, #tpu.memory_space<hbm>> -> memref<1x128xi32, #tpu.memory_space<hbm>>
        %dma_wait3A_192 = tpu.memref_squeeze %dma_wait3A_191 : memref<1x128xi32, #tpu.memory_space<hbm>> -> memref<128xi32, #tpu.memory_space<hbm>>
        %dma_wait3A_193 = arith.constant 0 : i32
        %dma_wait3A_194 = arith.constant 0 : i32
        %dma_wait3A_195 = tpu.memref_slice %arg6[%add3A, %dma_wait3A_193, %dma_wait3A_194] : memref<32x81x128xi32, #tpu.memory_space<hbm>> -> memref<1x81x128xi32, #tpu.memory_space<hbm>>
        %dma_wait3A_196 = tpu.memref_squeeze %dma_wait3A_195 : memref<1x81x128xi32, #tpu.memory_space<hbm>> -> memref<81x128xi32, #tpu.memory_space<hbm>>
        %dma_wait3A_197 = arith.constant 0 : i32
        %dma_wait3A_198 = tpu.memref_slice %dma_wait3A_196[%scan3A_28, %dma_wait3A_197] : memref<81x128xi32, #tpu.memory_space<hbm>> -> memref<1x128xi32, #tpu.memory_space<hbm>>
        %dma_wait3A_199 = tpu.memref_squeeze %dma_wait3A_198 : memref<1x128xi32, #tpu.memory_space<hbm>> -> memref<128xi32, #tpu.memory_space<hbm>>
        tpu.wait_dma2 semaphore(%run_scoped3A : memref<!tpu.dma_semaphore, #tpu.memory_space<semaphore_mem>>) src(%dma_wait3A_199 : memref<128xi32, #tpu.memory_space<hbm>>) dst(%arg11 : memref<128xi32, #tpu.memory_space<vmem>>)
        tpu.yield
      }) : () -> ()
      %dma_start3A = arith.constant 0 : i32
      %dma_start3A_30 = arith.constant 0 : i32
      %dma_start3A_31 = tpu.memref_slice %arg2[%dma_start3A, %dma_start3A_30] : memref<10240x144xf32, #tpu.memory_space<hbm>> -> memref<10240x144xf32, #tpu.memory_space<hbm>>
      tpu.enqueue_indirect_dma source(%dma_start3A_31 : memref<10240x144xf32, #tpu.memory_space<hbm>>) target(%arg13 : memref<128x144xf32, #tpu.memory_space<vmem>>) offsets(%arg10 : memref<128xi32, #tpu.memory_space<vmem>>) semaphore(%arg15 : memref<!tpu.dma_semaphore, #tpu.memory_space<semaphore_mem>>)
      %get3A = arith.constant 0 : index
      %get3A_32 = tpu.vector_load %arg10[%get3A] {strides = array<i32>} : memref<128xi32, #tpu.memory_space<vmem>>, vector<16xi32>,
      %get3A_33 = arith.constant 0 : index
      %get3A_34 = tpu.vector_load %arg11[%get3A_33] {strides = array<i32>} : memref<128xi32, #tpu.memory_space<vmem>>, vector<16xi32>,
      %gather3A = tpu.vector_load_idx %arg8[%get3A_32] : memref<10016xf32, #tpu.memory_space<vmem>>[vector<16xi32>], vector<16xf32>,
      %gather3A_35 = tpu.vector_load_idx %arg9[%get3A_34] : memref<10016xf32, #tpu.memory_space<vmem>>[vector<16xi32>], vector<16xf32>,
      %add3A_36 = arith.addf %gather3A, %gather3A_35 : vector<16xf32>
      %ge3A = arith.constant 0.000000e+00 : f32
      %ge3A_37 = vector.broadcast %ge3A : f32 to vector<16xf32>
      %ge3A_38 = arith.cmpf oge, %add3A_36, %ge3A_37 : vector<16xf32>
      %mul3A_39 = arith.constant 2.000000e-01 : f32
      %mul3A_40 = vector.broadcast %mul3A_39 : f32 to vector<16xf32>
      %mul3A_41 = arith.mulf %mul3A_40, %add3A_36 : vector<16xf32>
      %select_n3A = arith.select %ge3A_38, %add3A_36, %mul3A_41 : vector<16xi1>, vector<16xf32>
      %exp3A = math.exp %select_n3A : vector<16xf32>
      %swap3A = arith.constant 0 : index
      %swap3A_42 = tpu.vector_load %arg12[%swap3A] {strides = array<i32>} : memref<144xf32, #tpu.memory_space<vmem>>, vector<16xf32>,
      tpu.vector_store %arg12[%swap3A], %exp3A {strides = array<i32>} : memref<144xf32, #tpu.memory_space<vmem>>, vector<16xf32>,
      %get3A_43 = arith.constant 16 : index
      %get3A_44 = tpu.vector_load %arg10[%get3A_43] {strides = array<i32>} : memref<128xi32, #tpu.memory_space<vmem>>, vector<16xi32>,
      %get3A_45 = arith.constant 16 : index
      %get3A_46 = tpu.vector_load %arg11[%get3A_45] {strides = array<i32>} : memref<128xi32, #tpu.memory_space<vmem>>, vector<16xi32>,
      %gather3A_47 = tpu.vector_load_idx %arg8[%get3A_44] : memref<10016xf32, #tpu.memory_space<vmem>>[vector<16xi32>], vector<16xf32>,
      %gather3A_48 = tpu.vector_load_idx %arg9[%get3A_46] : memref<10016xf32, #tpu.memory_space<vmem>>[vector<16xi32>], vector<16xf32>,
      %add3A_49 = arith.addf %gather3A_47, %gather3A_48 : vector<16xf32>
      %ge3A_50 = arith.constant 0.000000e+00 : f32
      %ge3A_51 = vector.broadcast %ge3A_50 : f32 to vector<16xf32>
      %ge3A_52 = arith.cmpf oge, %add3A_49, %ge3A_51 : vector<16xf32>
      %mul3A_53 = arith.constant 2.000000e-01 : f32
      %mul3A_54 = vector.broadcast %mul3A_53 : f32 to vector<16xf32>
      %mul3A_55 = arith.mulf %mul3A_54, %add3A_49 : vector<16xf32>
      %select_n3A_56 = arith.select %ge3A_52, %add3A_49, %mul3A_55 : vector<16xi1>, vector<16xf32>
      %exp3A_57 = math.exp %select_n3A_56 : vector<16xf32>
      %swap3A_58 = arith.constant 16 : index
      %swap3A_59 = tpu.vector_load %arg12[%swap3A_58] {strides = array<i32>} : memref<144xf32, #tpu.memory_space<vmem>>, vector<16xf32>,
      tpu.vector_store %arg12[%swap3A_58], %exp3A_57 {strides = array<i32>} : memref<144xf32, #tpu.memory_space<vmem>>, vector<16xf32>,
      %get3A_60 = arith.constant 32 : index
      %get3A_61 = tpu.vector_load %arg10[%get3A_60] {strides = array<i32>} : memref<128xi32, #tpu.memory_space<vmem>>, vector<16xi32>,
      %get3A_62 = arith.constant 32 : index
      %get3A_63 = tpu.vector_load %arg11[%get3A_62] {strides = array<i32>} : memref<128xi32, #tpu.memory_space<vmem>>, vector<16xi32>,
      %gather3A_64 = tpu.vector_load_idx %arg8[%get3A_61] : memref<10016xf32, #tpu.memory_space<vmem>>[vector<16xi32>], vector<16xf32>,
      %gather3A_65 = tpu.vector_load_idx %arg9[%get3A_63] : memref<10016xf32, #tpu.memory_space<vmem>>[vector<16xi32>], vector<16xf32>,
      %add3A_66 = arith.addf %gather3A_64, %gather3A_65 : vector<16xf32>
      %ge3A_67 = arith.constant 0.000000e+00 : f32
      %ge3A_68 = vector.broadcast %ge3A_67 : f32 to vector<16xf32>
      %ge3A_69 = arith.cmpf oge, %add3A_66, %ge3A_68 : vector<16xf32>
      %mul3A_70 = arith.constant 2.000000e-01 : f32
      %mul3A_71 = vector.broadcast %mul3A_70 : f32 to vector<16xf32>
      %mul3A_72 = arith.mulf %mul3A_71, %add3A_66 : vector<16xf32>
      %select_n3A_73 = arith.select %ge3A_69, %add3A_66, %mul3A_72 : vector<16xi1>, vector<16xf32>
      %exp3A_74 = math.exp %select_n3A_73 : vector<16xf32>
      %swap3A_75 = arith.constant 32 : index
      %swap3A_76 = tpu.vector_load %arg12[%swap3A_75] {strides = array<i32>} : memref<144xf32, #tpu.memory_space<vmem>>, vector<16xf32>,
      tpu.vector_store %arg12[%swap3A_75], %exp3A_74 {strides = array<i32>} : memref<144xf32, #tpu.memory_space<vmem>>, vector<16xf32>,
      %get3A_77 = arith.constant 48 : index
      %get3A_78 = tpu.vector_load %arg10[%get3A_77] {strides = array<i32>} : memref<128xi32, #tpu.memory_space<vmem>>, vector<16xi32>,
      %get3A_79 = arith.constant 48 : index
      %get3A_80 = tpu.vector_load %arg11[%get3A_79] {strides = array<i32>} : memref<128xi32, #tpu.memory_space<vmem>>, vector<16xi32>,
      %gather3A_81 = tpu.vector_load_idx %arg8[%get3A_78] : memref<10016xf32, #tpu.memory_space<vmem>>[vector<16xi32>], vector<16xf32>,
      %gather3A_82 = tpu.vector_load_idx %arg9[%get3A_80] : memref<10016xf32, #tpu.memory_space<vmem>>[vector<16xi32>], vector<16xf32>,
      %add3A_83 = arith.addf %gather3A_81, %gather3A_82 : vector<16xf32>
      %ge3A_84 = arith.constant 0.000000e+00 : f32
      %ge3A_85 = vector.broadcast %ge3A_84 : f32 to vector<16xf32>
      %ge3A_86 = arith.cmpf oge, %add3A_83, %ge3A_85 : vector<16xf32>
      %mul3A_87 = arith.constant 2.000000e-01 : f32
      %mul3A_88 = vector.broadcast %mul3A_87 : f32 to vector<16xf32>
      %mul3A_89 = arith.mulf %mul3A_88, %add3A_83 : vector<16xf32>
      %select_n3A_90 = arith.select %ge3A_86, %add3A_83, %mul3A_89 : vector<16xi1>, vector<16xf32>
      %exp3A_91 = math.exp %select_n3A_90 : vector<16xf32>
      %swap3A_92 = arith.constant 48 : index
      %swap3A_93 = tpu.vector_load %arg12[%swap3A_92] {strides = array<i32>} : memref<144xf32, #tpu.memory_space<vmem>>, vector<16xf32>,
      tpu.vector_store %arg12[%swap3A_92], %exp3A_91 {strides = array<i32>} : memref<144xf32, #tpu.memory_space<vmem>>, vector<16xf32>,
      %get3A_94 = arith.constant 64 : index
      %get3A_95 = tpu.vector_load %arg10[%get3A_94] {strides = array<i32>} : memref<128xi32, #tpu.memory_space<vmem>>, vector<16xi32>,
      %get3A_96 = arith.constant 64 : index
      %get3A_97 = tpu.vector_load %arg11[%get3A_96] {strides = array<i32>} : memref<128xi32, #tpu.memory_space<vmem>>, vector<16xi32>,
      %gather3A_98 = tpu.vector_load_idx %arg8[%get3A_95] : memref<10016xf32, #tpu.memory_space<vmem>>[vector<16xi32>], vector<16xf32>,
      %gather3A_99 = tpu.vector_load_idx %arg9[%get3A_97] : memref<10016xf32, #tpu.memory_space<vmem>>[vector<16xi32>], vector<16xf32>,
      %add3A_100 = arith.addf %gather3A_98, %gather3A_99 : vector<16xf32>
      %ge3A_101 = arith.constant 0.000000e+00 : f32
      %ge3A_102 = vector.broadcast %ge3A_101 : f32 to vector<16xf32>
      %ge3A_103 = arith.cmpf oge, %add3A_100, %ge3A_102 : vector<16xf32>
      %mul3A_104 = arith.constant 2.000000e-01 : f32
      %mul3A_105 = vector.broadcast %mul3A_104 : f32 to vector<16xf32>
      %mul3A_106 = arith.mulf %mul3A_105, %add3A_100 : vector<16xf32>
      %select_n3A_107 = arith.select %ge3A_103, %add3A_100, %mul3A_106 : vector<16xi1>, vector<16xf32>
      %exp3A_108 = math.exp %select_n3A_107 : vector<16xf32>
      %swap3A_109 = arith.constant 64 : index
      %swap3A_110 = tpu.vector_load %arg12[%swap3A_109] {strides = array<i32>} : memref<144xf32, #tpu.memory_space<vmem>>, vector<16xf32>,
      tpu.vector_store %arg12[%swap3A_109], %exp3A_108 {strides = array<i32>} : memref<144xf32, #tpu.memory_space<vmem>>, vector<16xf32>,
      %get3A_111 = arith.constant 80 : index
      %get3A_112 = tpu.vector_load %arg10[%get3A_111] {strides = array<i32>} : memref<128xi32, #tpu.memory_space<vmem>>, vector<16xi32>,
      %get3A_113 = arith.constant 80 : index
      %get3A_114 = tpu.vector_load %arg11[%get3A_113] {strides = array<i32>} : memref<128xi32, #tpu.memory_space<vmem>>, vector<16xi32>,
      %gather3A_115 = tpu.vector_load_idx %arg8[%get3A_112] : memref<10016xf32, #tpu.memory_space<vmem>>[vector<16xi32>], vector<16xf32>,
      %gather3A_116 = tpu.vector_load_idx %arg9[%get3A_114] : memref<10016xf32, #tpu.memory_space<vmem>>[vector<16xi32>], vector<16xf32>,
      %add3A_117 = arith.addf %gather3A_115, %gather3A_116 : vector<16xf32>
      %ge3A_118 = arith.constant 0.000000e+00 : f32
      %ge3A_119 = vector.broadcast %ge3A_118 : f32 to vector<16xf32>
      %ge3A_120 = arith.cmpf oge, %add3A_117, %ge3A_119 : vector<16xf32>
      %mul3A_121 = arith.constant 2.000000e-01 : f32
      %mul3A_122 = vector.broadcast %mul3A_121 : f32 to vector<16xf32>
      %mul3A_123 = arith.mulf %mul3A_122, %add3A_117 : vector<16xf32>
      %select_n3A_124 = arith.select %ge3A_120, %add3A_117, %mul3A_123 : vector<16xi1>, vector<16xf32>
      %exp3A_125 = math.exp %select_n3A_124 : vector<16xf32>
      %swap3A_126 = arith.constant 80 : index
      %swap3A_127 = tpu.vector_load %arg12[%swap3A_126] {strides = array<i32>} : memref<144xf32, #tpu.memory_space<vmem>>, vector<16xf32>,
      tpu.vector_store %arg12[%swap3A_126], %exp3A_125 {strides = array<i32>} : memref<144xf32, #tpu.memory_space<vmem>>, vector<16xf32>,
      %get3A_128 = arith.constant 96 : index
      %get3A_129 = tpu.vector_load %arg10[%get3A_128] {strides = array<i32>} : memref<128xi32, #tpu.memory_space<vmem>>, vector<16xi32>,
      %get3A_130 = arith.constant 96 : index
      %get3A_131 = tpu.vector_load %arg11[%get3A_130] {strides = array<i32>} : memref<128xi32, #tpu.memory_space<vmem>>, vector<16xi32>,
      %gather3A_132 = tpu.vector_load_idx %arg8[%get3A_129] : memref<10016xf32, #tpu.memory_space<vmem>>[vector<16xi32>], vector<16xf32>,
      %gather3A_133 = tpu.vector_load_idx %arg9[%get3A_131] : memref<10016xf32, #tpu.memory_space<vmem>>[vector<16xi32>], vector<16xf32>,
      %add3A_134 = arith.addf %gather3A_132, %gather3A_133 : vector<16xf32>
      %ge3A_135 = arith.constant 0.000000e+00 : f32
      %ge3A_136 = vector.broadcast %ge3A_135 : f32 to vector<16xf32>
      %ge3A_137 = arith.cmpf oge, %add3A_134, %ge3A_136 : vector<16xf32>
      %mul3A_138 = arith.constant 2.000000e-01 : f32
      %mul3A_139 = vector.broadcast %mul3A_138 : f32 to vector<16xf32>
      %mul3A_140 = arith.mulf %mul3A_139, %add3A_134 : vector<16xf32>
      %select_n3A_141 = arith.select %ge3A_137, %add3A_134, %mul3A_140 : vector<16xi1>, vector<16xf32>
      %exp3A_142 = math.exp %select_n3A_141 : vector<16xf32>
      %swap3A_143 = arith.constant 96 : index
      %swap3A_144 = tpu.vector_load %arg12[%swap3A_143] {strides = array<i32>} : memref<144xf32, #tpu.memory_space<vmem>>, vector<16xf32>,
      tpu.vector_store %arg12[%swap3A_143], %exp3A_142 {strides = array<i32>} : memref<144xf32, #tpu.memory_space<vmem>>, vector<16xf32>,
      %get3A_145 = arith.constant 112 : index
      %get3A_146 = tpu.vector_load %arg10[%get3A_145] {strides = array<i32>} : memref<128xi32, #tpu.memory_space<vmem>>, vector<16xi32>,
      %get3A_147 = arith.constant 112 : index
      %get3A_148 = tpu.vector_load %arg11[%get3A_147] {strides = array<i32>} : memref<128xi32, #tpu.memory_space<vmem>>, vector<16xi32>,
      %gather3A_149 = tpu.vector_load_idx %arg8[%get3A_146] : memref<10016xf32, #tpu.memory_space<vmem>>[vector<16xi32>], vector<16xf32>,
      %gather3A_150 = tpu.vector_load_idx %arg9[%get3A_148] : memref<10016xf32, #tpu.memory_space<vmem>>[vector<16xi32>], vector<16xf32>,
      %add3A_151 = arith.addf %gather3A_149, %gather3A_150 : vector<16xf32>
      %ge3A_152 = arith.constant 0.000000e+00 : f32
      %ge3A_153 = vector.broadcast %ge3A_152 : f32 to vector<16xf32>
      %ge3A_154 = arith.cmpf oge, %add3A_151, %ge3A_153 : vector<16xf32>
      %mul3A_155 = arith.constant 2.000000e-01 : f32
      %mul3A_156 = vector.broadcast %mul3A_155 : f32 to vector<16xf32>
      %mul3A_157 = arith.mulf %mul3A_156, %add3A_151 : vector<16xf32>
      %select_n3A_158 = arith.select %ge3A_154, %add3A_151, %mul3A_157 : vector<16xi1>, vector<16xf32>
      %exp3A_159 = math.exp %select_n3A_158 : vector<16xf32>
      %swap3A_160 = arith.constant 112 : index
      %swap3A_161 = tpu.vector_load %arg12[%swap3A_160] {strides = array<i32>} : memref<144xf32, #tpu.memory_space<vmem>>, vector<16xf32>,
      tpu.vector_store %arg12[%swap3A_160], %exp3A_159 {strides = array<i32>} : memref<144xf32, #tpu.memory_space<vmem>>, vector<16xf32>,
      %dma_wait3A = arith.constant 0 : i32
      %dma_wait3A_162 = arith.constant 0 : i32
      %dma_wait3A_163 = tpu.memref_slice %arg2[%dma_wait3A, %dma_wait3A_162] : memref<10240x144xf32, #tpu.memory_space<hbm>> -> memref<10240x144xf32, #tpu.memory_space<hbm>>
      tpu.wait_indirect_dma semaphore(%arg15 : memref<!tpu.dma_semaphore, #tpu.memory_space<semaphore_mem>>) src(%dma_wait3A_163 : memref<10240x144xf32, #tpu.memory_space<hbm>>) dst(%arg13 : memref<128x144xf32, #tpu.memory_space<vmem>>)
      %scan3A_164 = arith.constant 0 : i32
      %scan3A_165 = arith.constant 0 : i32
      %scan3A_166 = arith.constant 128 : i32
      %scan3A_167 = arith.addi %scan3A_165, %scan3A_166 : i32
      %scan3A_168 = arith.constant 16 : i32
      %scan3A_169 = scf.for %scan3A_172 = %scan3A_165 to %scan3A_167 step %scan3A_168 iter_args(%scan3A_173 = %scan3A_164) -> (i32)  : i32 {
        %get3A_174 = arith.index_cast %scan3A_172 : i32 to index
        %get3A_175 = tpu.vector_load %arg12[%get3A_174] {strides = array<i32>} : memref<144xf32, #tpu.memory_space<vmem>>, vector<16xf32>,
        %slice3A = vector.extract_strided_slice %get3A_175 {offsets = [0], sizes = [1], strides = [1]} : vector<16xf32> to vector<1xf32>
        %squeeze3A = vector.extract %slice3A[0] : f32 from vector<1xf32>
        %broadcast_in_dim3A_176 = vector.broadcast %squeeze3A : f32 to vector<16xf32>
        %get3A_177 = arith.index_cast %scan3A_172 : i32 to index
        %get3A_178 = arith.constant 0 : index
        %get3A_179 = tpu.vector_load %arg13[%get3A_177, %get3A_178] {strides = array<i32>} : memref<128x144xf32, #tpu.memory_space<vmem>>, vector<16xf32>,
        %mul3A_180 = arith.mulf %get3A_179, %broadcast_in_dim3A_176 : vector<16xf32>
        %swap3A_181 = arith.index_cast %scan3A_172 : i32 to index
        %swap3A_182 = arith.constant 0 : index
        %swap3A_183 = tpu.vector_load %arg13[%swap3A_181, %swap3A_182] {strides = array<i32>} : memref<128x144xf32, #tpu.memory_space<vmem>>, vector<16xf32>,
        tpu.vector_store %arg13[%swap3A_181, %swap3A_182], %mul3A_180 {strides = array<i32>} : memref<128x144xf32, #tpu.memory_space<vmem>>, vector<16xf32>,
        %get3A_184 = arith.index_cast %scan3A_172 : i32 to index
        %get3A_185 = arith.constant 16 : index
        %get3A_186 = tpu.vector_load %arg13[%get3A_184, %get3A_185] {strides = array<i32>} : memref<128x144xf32, #tpu.memory_space<vmem>>, vector<16xf32>,
        %mul3A_187 = arith.mulf %get3A_186, %broadcast_in_dim3A_176 : vector<16xf32>
        %swap3A_188 = arith.index_cast %scan3A_172 : i32 to index
        %swap3A_189 = arith.constant 16 : index
        %swap3A_190 = tpu.vector_load %arg13[%swap3A_188, %swap3A_189] {strides = array<i32>} : memref<128x144xf32, #tpu.memory_space<vmem>>, vector<16xf32>,
        tpu.vector_store %arg13[%swap3A_188, %swap3A_189], %mul3A_187 {strides = array<i32>} : memref<128x144xf32, #tpu.memory_space<vmem>>, vector<16xf32>,
        %get3A_191 = arith.index_cast %scan3A_172 : i32 to index
        %get3A_192 = arith.constant 32 : index
        %get3A_193 = tpu.vector_load %arg13[%get3A_191, %get3A_192] {strides = array<i32>} : memref<128x144xf32, #tpu.memory_space<vmem>>, vector<16xf32>,
        %mul3A_194 = arith.mulf %get3A_193, %broadcast_in_dim3A_176 : vector<16xf32>
        %swap3A_195 = arith.index_cast %scan3A_172 : i32 to index
        %swap3A_196 = arith.constant 32 : index
        %swap3A_197 = tpu.vector_load %arg13[%swap3A_195, %swap3A_196] {strides = array<i32>} : memref<128x144xf32, #tpu.memory_space<vmem>>, vector<16xf32>,
        tpu.vector_store %arg13[%swap3A_195, %swap3A_196], %mul3A_194 {strides = array<i32>} : memref<128x144xf32, #tpu.memory_space<vmem>>, vector<16xf32>,
        %get3A_198 = arith.index_cast %scan3A_172 : i32 to index
        %get3A_199 = arith.constant 48 : index
        %get3A_200 = tpu.vector_load %arg13[%get3A_198, %get3A_199] {strides = array<i32>} : memref<128x144xf32, #tpu.memory_space<vmem>>, vector<16xf32>,
        %mul3A_201 = arith.mulf %get3A_200, %broadcast_in_dim3A_176 : vector<16xf32>
        %swap3A_202 = arith.index_cast %scan3A_172 : i32 to index
        %swap3A_203 = arith.constant 48 : index
        %swap3A_204 = tpu.vector_load %arg13[%swap3A_202, %swap3A_203] {strides = array<i32>} : memref<128x144xf32, #tpu.memory_space<vmem>>, vector<16xf32>,
        tpu.vector_store %arg13[%swap3A_202, %swap3A_203], %mul3A_201 {strides = array<i32>} : memref<128x144xf32, #tpu.memory_space<vmem>>, vector<16xf32>,
        %get3A_205 = arith.index_cast %scan3A_172 : i32 to index
        %get3A_206 = arith.constant 64 : index
        %get3A_207 = tpu.vector_load %arg13[%get3A_205, %get3A_206] {strides = array<i32>} : memref<128x144xf32, #tpu.memory_space<vmem>>, vector<16xf32>,
        %mul3A_208 = arith.mulf %get3A_207, %broadcast_in_dim3A_176 : vector<16xf32>
        %swap3A_209 = arith.index_cast %scan3A_172 : i32 to index
        %swap3A_210 = arith.constant 64 : index
        %swap3A_211 = tpu.vector_load %arg13[%swap3A_209, %swap3A_210] {strides = array<i32>} : memref<128x144xf32, #tpu.memory_space<vmem>>, vector<16xf32>,
        tpu.vector_store %arg13[%swap3A_209, %swap3A_210], %mul3A_208 {strides = array<i32>} : memref<128x144xf32, #tpu.memory_space<vmem>>, vector<16xf32>,
        %get3A_212 = arith.index_cast %scan3A_172 : i32 to index
        %get3A_213 = arith.constant 80 : index
        %get3A_214 = tpu.vector_load %arg13[%get3A_212, %get3A_213] {strides = array<i32>} : memref<128x144xf32, #tpu.memory_space<vmem>>, vector<16xf32>,
        %mul3A_215 = arith.mulf %get3A_214, %broadcast_in_dim3A_176 : vector<16xf32>
        %swap3A_216 = arith.index_cast %scan3A_172 : i32 to index
        %swap3A_217 = arith.constant 80 : index
        %swap3A_218 = tpu.vector_load %arg13[%swap3A_216, %swap3A_217] {strides = array<i32>} : memref<128x144xf32, #tpu.memory_space<vmem>>, vector<16xf32>,
        tpu.vector_store %arg13[%swap3A_216, %swap3A_217], %mul3A_215 {strides = array<i32>} : memref<128x144xf32, #tpu.memory_space<vmem>>, vector<16xf32>,
        %get3A_219 = arith.index_cast %scan3A_172 : i32 to index
        %get3A_220 = arith.constant 96 : index
        %get3A_221 = tpu.vector_load %arg13[%get3A_219, %get3A_220] {strides = array<i32>} : memref<128x144xf32, #tpu.memory_space<vmem>>, vector<16xf32>,
        %mul3A_222 = arith.mulf %get3A_221, %broadcast_in_dim3A_176 : vector<16xf32>
        %swap3A_223 = arith.index_cast %scan3A_172 : i32 to index
        %swap3A_224 = arith.constant 96 : index
        %swap3A_225 = tpu.vector_load %arg13[%swap3A_223, %swap3A_224] {strides = array<i32>} : memref<128x144xf32, #tpu.memory_space<vmem>>, vector<16xf32>,
        tpu.vector_store %arg13[%swap3A_223, %swap3A_224], %mul3A_222 {strides = array<i32>} : memref<128x144xf32, #tpu.memory_space<vmem>>, vector<16xf32>,
        %get3A_226 = arith.index_cast %scan3A_172 : i32 to index
        %get3A_227 = arith.constant 112 : index
        %get3A_228 = tpu.vector_load %arg13[%get3A_226, %get3A_227] {strides = array<i32>} : memref<128x144xf32, #tpu.memory_space<vmem>>, vector<16xf32>,
        %mul3A_229 = arith.mulf %get3A_228, %broadcast_in_dim3A_176 : vector<16xf32>
        %swap3A_230 = arith.index_cast %scan3A_172 : i32 to index
        %swap3A_231 = arith.constant 112 : index
        %swap3A_232 = tpu.vector_load %arg13[%swap3A_230, %swap3A_231] {strides = array<i32>} : memref<128x144xf32, #tpu.memory_space<vmem>>, vector<16xf32>,
        tpu.vector_store %arg13[%swap3A_230, %swap3A_231], %mul3A_229 {strides = array<i32>} : memref<128x144xf32, #tpu.memory_space<vmem>>, vector<16xf32>,
        %get3A_233 = arith.index_cast %scan3A_172 : i32 to index
        %get3A_234 = arith.constant 128 : index
        %get3A_235 = tpu.vector_load %arg13[%get3A_233, %get3A_234] {strides = array<i32>} : memref<128x144xf32, #tpu.memory_space<vmem>>, vector<16xf32>,
        %mul3A_236 = arith.mulf %get3A_235, %broadcast_in_dim3A_176 : vector<16xf32>
        %swap3A_237 = arith.index_cast %scan3A_172 : i32 to index
        %swap3A_238 = arith.constant 128 : index
        %swap3A_239 = tpu.vector_load %arg13[%swap3A_237, %swap3A_238] {strides = array<i32>} : memref<128x144xf32, #tpu.memory_space<vmem>>, vector<16xf32>,
        tpu.vector_store %arg13[%swap3A_237, %swap3A_238], %mul3A_236 {strides = array<i32>} : memref<128x144xf32, #tpu.memory_space<vmem>>, vector<16xf32>,
        %scan3A_240 = arith.constant 0 : i32
        %scan3A_241 = arith.constant 1 : i32
        %scan3A_242 = arith.addi %scan3A_172, %scan3A_241 : i32
        %get3A_243 = arith.index_cast %scan3A_242 : i32 to index
        %get3A_244 = tpu.vector_load %arg12[%get3A_243] {strides = array<i32>} : memref<144xf32, #tpu.memory_space<vmem>>, vector<16xf32>,
        %slice3A_245 = vector.extract_strided_slice %get3A_244 {offsets = [0], sizes = [1], strides = [1]} : vector<16xf32> to vector<1xf32>
        %squeeze3A_246 = vector.extract %slice3A_245[0] : f32 from vector<1xf32>
        %broadcast_in_dim3A_247 = vector.broadcast %squeeze3A_246 : f32 to vector<16xf32>
        %get3A_248 = arith.index_cast %scan3A_242 : i32 to index
        %get3A_249 = arith.constant 0 : index
        %get3A_250 = tpu.vector_load %arg13[%get3A_248, %get3A_249] {strides = array<i32>} : memref<128x144xf32, #tpu.memory_space<vmem>>, vector<16xf32>,
        %mul3A_251 = arith.mulf %get3A_250, %broadcast_in_dim3A_247 : vector<16xf32>
        %swap3A_252 = arith.index_cast %scan3A_242 : i32 to index
        %swap3A_253 = arith.constant 0 : index
        %swap3A_254 = tpu.vector_load %arg13[%swap3A_252, %swap3A_253] {strides = array<i32>} : memref<128x144xf32, #tpu.memory_space<vmem>>, vector<16xf32>,
        tpu.vector_store %arg13[%swap3A_252, %swap3A_253], %mul3A_251 {strides = array<i32>} : memref<128x144xf32, #tpu.memory_space<vmem>>, vector<16xf32>,
        %get3A_255 = arith.index_cast %scan3A_242 : i32 to index
        %get3A_256 = arith.constant 16 : index
        %get3A_257 = tpu.vector_load %arg13[%get3A_255, %get3A_256] {strides = array<i32>} : memref<128x144xf32, #tpu.memory_space<vmem>>, vector<16xf32>,
        %mul3A_258 = arith.mulf %get3A_257, %broadcast_in_dim3A_247 : vector<16xf32>
        %swap3A_259 = arith.index_cast %scan3A_242 : i32 to index
        %swap3A_260 = arith.constant 16 : index
        %swap3A_261 = tpu.vector_load %arg13[%swap3A_259, %swap3A_260] {strides = array<i32>} : memref<128x144xf32, #tpu.memory_space<vmem>>, vector<16xf32>,
        tpu.vector_store %arg13[%swap3A_259, %swap3A_260], %mul3A_258 {strides = array<i32>} : memref<128x144xf32, #tpu.memory_space<vmem>>, vector<16xf32>,
        %get3A_262 = arith.index_cast %scan3A_242 : i32 to index
        %get3A_263 = arith.constant 32 : index
        %get3A_264 = tpu.vector_load %arg13[%get3A_262, %get3A_263] {strides = array<i32>} : memref<128x144xf32, #tpu.memory_space<vmem>>, vector<16xf32>,
        %mul3A_265 = arith.mulf %get3A_264, %broadcast_in_dim3A_247 : vector<16xf32>
        %swap3A_266 = arith.index_cast %scan3A_242 : i32 to index
        %swap3A_267 = arith.constant 32 : index
        %swap3A_268 = tpu.vector_load %arg13[%swap3A_266, %swap3A_267] {strides = array<i32>} : memref<128x144xf32, #tpu.memory_space<vmem>>, vector<16xf32>,
        tpu.vector_store %arg13[%swap3A_266, %swap3A_267], %mul3A_265 {strides = array<i32>} : memref<128x144xf32, #tpu.memory_space<vmem>>, vector<16xf32>,
        %get3A_269 = arith.index_cast %scan3A_242 : i32 to index
        %get3A_270 = arith.constant 48 : index
        %get3A_271 = tpu.vector_load %arg13[%get3A_269, %get3A_270] {strides = array<i32>} : memref<128x144xf32, #tpu.memory_space<vmem>>, vector<16xf32>,
        %mul3A_272 = arith.mulf %get3A_271, %broadcast_in_dim3A_247 : vector<16xf32>
        %swap3A_273 = arith.index_cast %scan3A_242 : i32 to index
        %swap3A_274 = arith.constant 48 : index
        %swap3A_275 = tpu.vector_load %arg13[%swap3A_273, %swap3A_274] {strides = array<i32>} : memref<128x144xf32, #tpu.memory_space<vmem>>, vector<16xf32>,
        tpu.vector_store %arg13[%swap3A_273, %swap3A_274], %mul3A_272 {strides = array<i32>} : memref<128x144xf32, #tpu.memory_space<vmem>>, vector<16xf32>,
        %get3A_276 = arith.index_cast %scan3A_242 : i32 to index
        %get3A_277 = arith.constant 64 : index
        %get3A_278 = tpu.vector_load %arg13[%get3A_276, %get3A_277] {strides = array<i32>} : memref<128x144xf32, #tpu.memory_space<vmem>>, vector<16xf32>,
        %mul3A_279 = arith.mulf %get3A_278, %broadcast_in_dim3A_247 : vector<16xf32>
        %swap3A_280 = arith.index_cast %scan3A_242 : i32 to index
        %swap3A_281 = arith.constant 64 : index
        %swap3A_282 = tpu.vector_load %arg13[%swap3A_280, %swap3A_281] {strides = array<i32>} : memref<128x144xf32, #tpu.memory_space<vmem>>, vector<16xf32>,
        tpu.vector_store %arg13[%swap3A_280, %swap3A_281], %mul3A_279 {strides = array<i32>} : memref<128x144xf32, #tpu.memory_space<vmem>>, vector<16xf32>,
        %get3A_283 = arith.index_cast %scan3A_242 : i32 to index
        %get3A_284 = arith.constant 80 : index
        %get3A_285 = tpu.vector_load %arg13[%get3A_283, %get3A_284] {strides = array<i32>} : memref<128x144xf32, #tpu.memory_space<vmem>>, vector<16xf32>,
        %mul3A_286 = arith.mulf %get3A_285, %broadcast_in_dim3A_247 : vector<16xf32>
        %swap3A_287 = arith.index_cast %scan3A_242 : i32 to index
        %swap3A_288 = arith.constant 80 : index
        %swap3A_289 = tpu.vector_load %arg13[%swap3A_287, %swap3A_288] {strides = array<i32>} : memref<128x144xf32, #tpu.memory_space<vmem>>, vector<16xf32>,
        tpu.vector_store %arg13[%swap3A_287, %swap3A_288], %mul3A_286 {strides = array<i32>} : memref<128x144xf32, #tpu.memory_space<vmem>>, vector<16xf32>,
        %get3A_290 = arith.index_cast %scan3A_242 : i32 to index
        %get3A_291 = arith.constant 96 : index
        %get3A_292 = tpu.vector_load %arg13[%get3A_290, %get3A_291] {strides = array<i32>} : memref<128x144xf32, #tpu.memory_space<vmem>>, vector<16xf32>,
        %mul3A_293 = arith.mulf %get3A_292, %broadcast_in_dim3A_247 : vector<16xf32>
        %swap3A_294 = arith.index_cast %scan3A_242 : i32 to index
        %swap3A_295 = arith.constant 96 : index
        %swap3A_296 = tpu.vector_load %arg13[%swap3A_294, %swap3A_295] {strides = array<i32>} : memref<128x144xf32, #tpu.memory_space<vmem>>, vector<16xf32>,
        tpu.vector_store %arg13[%swap3A_294, %swap3A_295], %mul3A_293 {strides = array<i32>} : memref<128x144xf32, #tpu.memory_space<vmem>>, vector<16xf32>,
        %get3A_297 = arith.index_cast %scan3A_242 : i32 to index
        %get3A_298 = arith.constant 112 : index
        %get3A_299 = tpu.vector_load %arg13[%get3A_297, %get3A_298] {strides = array<i32>} : memref<128x144xf32, #tpu.memory_space<vmem>>, vector<16xf32>,
        %mul3A_300 = arith.mulf %get3A_299, %broadcast_in_dim3A_247 : vector<16xf32>
        %swap3A_301 = arith.index_cast %scan3A_242 : i32 to index
        %swap3A_302 = arith.constant 112 : index
        %swap3A_303 = tpu.vector_load %arg13[%swap3A_301, %swap3A_302] {strides = array<i32>} : memref<128x144xf32, #tpu.memory_space<vmem>>, vector<16xf32>,
        tpu.vector_store %arg13[%swap3A_301, %swap3A_302], %mul3A_300 {strides = array<i32>} : memref<128x144xf32, #tpu.memory_space<vmem>>, vector<16xf32>,
        %get3A_304 = arith.index_cast %scan3A_242 : i32 to index
        %get3A_305 = arith.constant 128 : index
        %get3A_306 = tpu.vector_load %arg13[%get3A_304, %get3A_305] {strides = array<i32>} : memref<128x144xf32, #tpu.memory_space<vmem>>, vector<16xf32>,
        %mul3A_307 = arith.mulf %get3A_306, %broadcast_in_dim3A_247 : vector<16xf32>
        %swap3A_308 = arith.index_cast %scan3A_242 : i32 to index
        %swap3A_309 = arith.constant 128 : index
        %swap3A_310 = tpu.vector_load %arg13[%swap3A_308, %swap3A_309] {strides = array<i32>} : memref<128x144xf32, #tpu.memory_space<vmem>>, vector<16xf32>,
        tpu.vector_store %arg13[%swap3A_308, %swap3A_309], %mul3A_307 {strides = array<i32>} : memref<128x144xf32, #tpu.memory_space<vmem>>, vector<16xf32>,
        %scan3A_311 = arith.constant 0 : i32
        %scan3A_312 = arith.constant 2 : i32
        %scan3A_313 = arith.addi %scan3A_172, %scan3A_312 : i32
        %get3A_314 = arith.index_cast %scan3A_313 : i32 to index
        %get3A_315 = tpu.vector_load %arg12[%get3A_314] {strides = array<i32>} : memref<144xf32, #tpu.memory_space<vmem>>, vector<16xf32>,
        %slice3A_316 = vector.extract_strided_slice %get3A_315 {offsets = [0], sizes = [1], strides = [1]} : vector<16xf32> to vector<1xf32>
        %squeeze3A_317 = vector.extract %slice3A_316[0] : f32 from vector<1xf32>
        %broadcast_in_dim3A_318 = vector.broadcast %squeeze3A_317 : f32 to vector<16xf32>
        %get3A_319 = arith.index_cast %scan3A_313 : i32 to index
        %get3A_320 = arith.constant 0 : index
        %get3A_321 = tpu.vector_load %arg13[%get3A_319, %get3A_320] {strides = array<i32>} : memref<128x144xf32, #tpu.memory_space<vmem>>, vector<16xf32>,
        %mul3A_322 = arith.mulf %get3A_321, %broadcast_in_dim3A_318 : vector<16xf32>
        %swap3A_323 = arith.index_cast %scan3A_313 : i32 to index
        %swap3A_324 = arith.constant 0 : index
        %swap3A_325 = tpu.vector_load %arg13[%swap3A_323, %swap3A_324] {strides = array<i32>} : memref<128x144xf32, #tpu.memory_space<vmem>>, vector<16xf32>,
        tpu.vector_store %arg13[%swap3A_323, %swap3A_324], %mul3A_322 {strides = array<i32>} : memref<128x144xf32, #tpu.memory_space<vmem>>, vector<16xf32>,
        %get3A_326 = arith.index_cast %scan3A_313 : i32 to index
        %get3A_327 = arith.constant 16 : index
        %get3A_328 = tpu.vector_load %arg13[%get3A_326, %get3A_327] {strides = array<i32>} : memref<128x144xf32, #tpu.memory_space<vmem>>, vector<16xf32>,
        %mul3A_329 = arith.mulf %get3A_328, %broadcast_in_dim3A_318 : vector<16xf32>
        %swap3A_330 = arith.index_cast %scan3A_313 : i32 to index
        %swap3A_331 = arith.constant 16 : index
        %swap3A_332 = tpu.vector_load %arg13[%swap3A_330, %swap3A_331] {strides = array<i32>} : memref<128x144xf32, #tpu.memory_space<vmem>>, vector<16xf32>,
        tpu.vector_store %arg13[%swap3A_330, %swap3A_331], %mul3A_329 {strides = array<i32>} : memref<128x144xf32, #tpu.memory_space<vmem>>, vector<16xf32>,
        %get3A_333 = arith.index_cast %scan3A_313 : i32 to index
        %get3A_334 = arith.constant 32 : index
        %get3A_335 = tpu.vector_load %arg13[%get3A_333, %get3A_334] {strides = array<i32>} : memref<128x144xf32, #tpu.memory_space<vmem>>, vector<16xf32>,
        %mul3A_336 = arith.mulf %get3A_335, %broadcast_in_dim3A_318 : vector<16xf32>
        %swap3A_337 = arith.index_cast %scan3A_313 : i32 to index
        %swap3A_338 = arith.constant 32 : index
        %swap3A_339 = tpu.vector_load %arg13[%swap3A_337, %swap3A_338] {strides = array<i32>} : memref<128x144xf32, #tpu.memory_space<vmem>>, vector<16xf32>,
        tpu.vector_store %arg13[%swap3A_337, %swap3A_338], %mul3A_336 {strides = array<i32>} : memref<128x144xf32, #tpu.memory_space<vmem>>, vector<16xf32>,
        %get3A_340 = arith.index_cast %scan3A_313 : i32 to index
        %get3A_341 = arith.constant 48 : index
        %get3A_342 = tpu.vector_load %arg13[%get3A_340, %get3A_341] {strides = array<i32>} : memref<128x144xf32, #tpu.memory_space<vmem>>, vector<16xf32>,
        %mul3A_343 = arith.mulf %get3A_342, %broadcast_in_dim3A_318 : vector<16xf32>
        %swap3A_344 = arith.index_cast %scan3A_313 : i32 to index
        %swap3A_345 = arith.constant 48 : index
        %swap3A_346 = tpu.vector_load %arg13[%swap3A_344, %swap3A_345] {strides = array<i32>} : memref<128x144xf32, #tpu.memory_space<vmem>>, vector<16xf32>,
        tpu.vector_store %arg13[%swap3A_344, %swap3A_345], %mul3A_343 {strides = array<i32>} : memref<128x144xf32, #tpu.memory_space<vmem>>, vector<16xf32>,
        %get3A_347 = arith.index_cast %scan3A_313 : i32 to index
        %get3A_348 = arith.constant 64 : index
        %get3A_349 = tpu.vector_load %arg13[%get3A_347, %get3A_348] {strides = array<i32>} : memref<128x144xf32, #tpu.memory_space<vmem>>, vector<16xf32>,
        %mul3A_350 = arith.mulf %get3A_349, %broadcast_in_dim3A_318 : vector<16xf32>
        %swap3A_351 = arith.index_cast %scan3A_313 : i32 to index
        %swap3A_352 = arith.constant 64 : index
        %swap3A_353 = tpu.vector_load %arg13[%swap3A_351, %swap3A_352] {strides = array<i32>} : memref<128x144xf32, #tpu.memory_space<vmem>>, vector<16xf32>,
        tpu.vector_store %arg13[%swap3A_351, %swap3A_352], %mul3A_350 {strides = array<i32>} : memref<128x144xf32, #tpu.memory_space<vmem>>, vector<16xf32>,
        %get3A_354 = arith.index_cast %scan3A_313 : i32 to index
        %get3A_355 = arith.constant 80 : index
        %get3A_356 = tpu.vector_load %arg13[%get3A_354, %get3A_355] {strides = array<i32>} : memref<128x144xf32, #tpu.memory_space<vmem>>, vector<16xf32>,
        %mul3A_357 = arith.mulf %get3A_356, %broadcast_in_dim3A_318 : vector<16xf32>
        %swap3A_358 = arith.index_cast %scan3A_313 : i32 to index
        %swap3A_359 = arith.constant 80 : index
        %swap3A_360 = tpu.vector_load %arg13[%swap3A_358, %swap3A_359] {strides = array<i32>} : memref<128x144xf32, #tpu.memory_space<vmem>>, vector<16xf32>,
        tpu.vector_store %arg13[%swap3A_358, %swap3A_359], %mul3A_357 {strides = array<i32>} : memref<128x144xf32, #tpu.memory_space<vmem>>, vector<16xf32>,
        %get3A_361 = arith.index_cast %scan3A_313 : i32 to index
        %get3A_362 = arith.constant 96 : index
        %get3A_363 = tpu.vector_load %arg13[%get3A_361, %get3A_362] {strides = array<i32>} : memref<128x144xf32, #tpu.memory_space<vmem>>, vector<16xf32>,
        %mul3A_364 = arith.mulf %get3A_363, %broadcast_in_dim3A_318 : vector<16xf32>
        %swap3A_365 = arith.index_cast %scan3A_313 : i32 to index
        %swap3A_366 = arith.constant 96 : index
        %swap3A_367 = tpu.vector_load %arg13[%swap3A_365, %swap3A_366] {strides = array<i32>} : memref<128x144xf32, #tpu.memory_space<vmem>>, vector<16xf32>,
        tpu.vector_store %arg13[%swap3A_365, %swap3A_366], %mul3A_364 {strides = array<i32>} : memref<128x144xf32, #tpu.memory_space<vmem>>, vector<16xf32>,
        %get3A_368 = arith.index_cast %scan3A_313 : i32 to index
        %get3A_369 = arith.constant 112 : index
        %get3A_370 = tpu.vector_load %arg13[%get3A_368, %get3A_369] {strides = array<i32>} : memref<128x144xf32, #tpu.memory_space<vmem>>, vector<16xf32>,
        %mul3A_371 = arith.mulf %get3A_370, %broadcast_in_dim3A_318 : vector<16xf32>
        %swap3A_372 = arith.index_cast %scan3A_313 : i32 to index
        %swap3A_373 = arith.constant 112 : index
        %swap3A_374 = tpu.vector_load %arg13[%swap3A_372, %swap3A_373] {strides = array<i32>} : memref<128x144xf32, #tpu.memory_space<vmem>>, vector<16xf32>,
        tpu.vector_store %arg13[%swap3A_372, %swap3A_373], %mul3A_371 {strides = array<i32>} : memref<128x144xf32, #tpu.memory_space<vmem>>, vector<16xf32>,
        %get3A_375 = arith.index_cast %scan3A_313 : i32 to index
        %get3A_376 = arith.constant 128 : index
        %get3A_377 = tpu.vector_load %arg13[%get3A_375, %get3A_376] {strides = array<i32>} : memref<128x144xf32, #tpu.memory_space<vmem>>, vector<16xf32>,
        %mul3A_378 = arith.mulf %get3A_377, %broadcast_in_dim3A_318 : vector<16xf32>
        %swap3A_379 = arith.index_cast %scan3A_313 : i32 to index
        %swap3A_380 = arith.constant 128 : index
        %swap3A_381 = tpu.vector_load %arg13[%swap3A_379, %swap3A_380] {strides = array<i32>} : memref<128x144xf32, #tpu.memory_space<vmem>>, vector<16xf32>,
        tpu.vector_store %arg13[%swap3A_379, %swap3A_380], %mul3A_378 {strides = array<i32>} : memref<128x144xf32, #tpu.memory_space<vmem>>, vector<16xf32>,
        %scan3A_382 = arith.constant 0 : i32
        %scan3A_383 = arith.constant 3 : i32
        %scan3A_384 = arith.addi %scan3A_172, %scan3A_383 : i32
        %get3A_385 = arith.index_cast %scan3A_384 : i32 to index
        %get3A_386 = tpu.vector_load %arg12[%get3A_385] {strides = array<i32>} : memref<144xf32, #tpu.memory_space<vmem>>, vector<16xf32>,
        %slice3A_387 = vector.extract_strided_slice %get3A_386 {offsets = [0], sizes = [1], strides = [1]} : vector<16xf32> to vector<1xf32>
        %squeeze3A_388 = vector.extract %slice3A_387[0] : f32 from vector<1xf32>
        %broadcast_in_dim3A_389 = vector.broadcast %squeeze3A_388 : f32 to vector<16xf32>
        %get3A_390 = arith.index_cast %scan3A_384 : i32 to index
        %get3A_391 = arith.constant 0 : index
        %get3A_392 = tpu.vector_load %arg13[%get3A_390, %get3A_391] {strides = array<i32>} : memref<128x144xf32, #tpu.memory_space<vmem>>, vector<16xf32>,
        %mul3A_393 = arith.mulf %get3A_392, %broadcast_in_dim3A_389 : vector<16xf32>
        %swap3A_394 = arith.index_cast %scan3A_384 : i32 to index
        %swap3A_395 = arith.constant 0 : index
        %swap3A_396 = tpu.vector_load %arg13[%swap3A_394, %swap3A_395] {strides = array<i32>} : memref<128x144xf32, #tpu.memory_space<vmem>>, vector<16xf32>,
        tpu.vector_store %arg13[%swap3A_394, %swap3A_395], %mul3A_393 {strides = array<i32>} : memref<128x144xf32, #tpu.memory_space<vmem>>, vector<16xf32>,
        %get3A_397 = arith.index_cast %scan3A_384 : i32 to index
        %get3A_398 = arith.constant 16 : index
        %get3A_399 = tpu.vector_load %arg13[%get3A_397, %get3A_398] {strides = array<i32>} : memref<128x144xf32, #tpu.memory_space<vmem>>, vector<16xf32>,
        %mul3A_400 = arith.mulf %get3A_399, %broadcast_in_dim3A_389 : vector<16xf32>
        %swap3A_401 = arith.index_cast %scan3A_384 : i32 to index
        %swap3A_402 = arith.constant 16 : index
        %swap3A_403 = tpu.vector_load %arg13[%swap3A_401, %swap3A_402] {strides = array<i32>} : memref<128x144xf32, #tpu.memory_space<vmem>>, vector<16xf32>,
        tpu.vector_store %arg13[%swap3A_401, %swap3A_402], %mul3A_400 {strides = array<i32>} : memref<128x144xf32, #tpu.memory_space<vmem>>, vector<16xf32>,
        %get3A_404 = arith.index_cast %scan3A_384 : i32 to index
        %get3A_405 = arith.constant 32 : index
        %get3A_406 = tpu.vector_load %arg13[%get3A_404, %get3A_405] {strides = array<i32>} : memref<128x144xf32, #tpu.memory_space<vmem>>, vector<16xf32>,
        %mul3A_407 = arith.mulf %get3A_406, %broadcast_in_dim3A_389 : vector<16xf32>
        %swap3A_408 = arith.index_cast %scan3A_384 : i32 to index
        %swap3A_409 = arith.constant 32 : index
        %swap3A_410 = tpu.vector_load %arg13[%swap3A_408, %swap3A_409] {strides = array<i32>} : memref<128x144xf32, #tpu.memory_space<vmem>>, vector<16xf32>,
        tpu.vector_store %arg13[%swap3A_408, %swap3A_409], %mul3A_407 {strides = array<i32>} : memref<128x144xf32, #tpu.memory_space<vmem>>, vector<16xf32>,
        %get3A_411 = arith.index_cast %scan3A_384 : i32 to index
        %get3A_412 = arith.constant 48 : index
        %get3A_413 = tpu.vector_load %arg13[%get3A_411, %get3A_412] {strides = array<i32>} : memref<128x144xf32, #tpu.memory_space<vmem>>, vector<16xf32>,
        %mul3A_414 = arith.mulf %get3A_413, %broadcast_in_dim3A_389 : vector<16xf32>
        %swap3A_415 = arith.index_cast %scan3A_384 : i32 to index
        %swap3A_416 = arith.constant 48 : index
        %swap3A_417 = tpu.vector_load %arg13[%swap3A_415, %swap3A_416] {strides = array<i32>} : memref<128x144xf32, #tpu.memory_space<vmem>>, vector<16xf32>,
        tpu.vector_store %arg13[%swap3A_415, %swap3A_416], %mul3A_414 {strides = array<i32>} : memref<128x144xf32, #tpu.memory_space<vmem>>, vector<16xf32>,
        %get3A_418 = arith.index_cast %scan3A_384 : i32 to index
        %get3A_419 = arith.constant 64 : index
        %get3A_420 = tpu.vector_load %arg13[%get3A_418, %get3A_419] {strides = array<i32>} : memref<128x144xf32, #tpu.memory_space<vmem>>, vector<16xf32>,
        %mul3A_421 = arith.mulf %get3A_420, %broadcast_in_dim3A_389 : vector<16xf32>
        %swap3A_422 = arith.index_cast %scan3A_384 : i32 to index
        %swap3A_423 = arith.constant 64 : index
        %swap3A_424 = tpu.vector_load %arg13[%swap3A_422, %swap3A_423] {strides = array<i32>} : memref<128x144xf32, #tpu.memory_space<vmem>>, vector<16xf32>,
        tpu.vector_store %arg13[%swap3A_422, %swap3A_423], %mul3A_421 {strides = array<i32>} : memref<128x144xf32, #tpu.memory_space<vmem>>, vector<16xf32>,
        %get3A_425 = arith.index_cast %scan3A_384 : i32 to index
        %get3A_426 = arith.constant 80 : index
        %get3A_427 = tpu.vector_load %arg13[%get3A_425, %get3A_426] {strides = array<i32>} : memref<128x144xf32, #tpu.memory_space<vmem>>, vector<16xf32>,
        %mul3A_428 = arith.mulf %get3A_427, %broadcast_in_dim3A_389 : vector<16xf32>
        %swap3A_429 = arith.index_cast %scan3A_384 : i32 to index
        %swap3A_430 = arith.constant 80 : index
        %swap3A_431 = tpu.vector_load %arg13[%swap3A_429, %swap3A_430] {strides = array<i32>} : memref<128x144xf32, #tpu.memory_space<vmem>>, vector<16xf32>,
        tpu.vector_store %arg13[%swap3A_429, %swap3A_430], %mul3A_428 {strides = array<i32>} : memref<128x144xf32, #tpu.memory_space<vmem>>, vector<16xf32>,
        %get3A_432 = arith.index_cast %scan3A_384 : i32 to index
        %get3A_433 = arith.constant 96 : index
        %get3A_434 = tpu.vector_load %arg13[%get3A_432, %get3A_433] {strides = array<i32>} : memref<128x144xf32, #tpu.memory_space<vmem>>, vector<16xf32>,
        %mul3A_435 = arith.mulf %get3A_434, %broadcast_in_dim3A_389 : vector<16xf32>
        %swap3A_436 = arith.index_cast %scan3A_384 : i32 to index
        %swap3A_437 = arith.constant 96 : index
        %swap3A_438 = tpu.vector_load %arg13[%swap3A_436, %swap3A_437] {strides = array<i32>} : memref<128x144xf32, #tpu.memory_space<vmem>>, vector<16xf32>,
        tpu.vector_store %arg13[%swap3A_436, %swap3A_437], %mul3A_435 {strides = array<i32>} : memref<128x144xf32, #tpu.memory_space<vmem>>, vector<16xf32>,
        %get3A_439 = arith.index_cast %scan3A_384 : i32 to index
        %get3A_440 = arith.constant 112 : index
        %get3A_441 = tpu.vector_load %arg13[%get3A_439, %get3A_440] {strides = array<i32>} : memref<128x144xf32, #tpu.memory_space<vmem>>, vector<16xf32>,
        %mul3A_442 = arith.mulf %get3A_441, %broadcast_in_dim3A_389 : vector<16xf32>
        %swap3A_443 = arith.index_cast %scan3A_384 : i32 to index
        %swap3A_444 = arith.constant 112 : index
        %swap3A_445 = tpu.vector_load %arg13[%swap3A_443, %swap3A_444] {strides = array<i32>} : memref<128x144xf32, #tpu.memory_space<vmem>>, vector<16xf32>,
        tpu.vector_store %arg13[%swap3A_443, %swap3A_444], %mul3A_442 {strides = array<i32>} : memref<128x144xf32, #tpu.memory_space<vmem>>, vector<16xf32>,
        %get3A_446 = arith.index_cast %scan3A_384 : i32 to index
        %get3A_447 = arith.constant 128 : index
        %get3A_448 = tpu.vector_load %arg13[%get3A_446, %get3A_447] {strides = array<i32>} : memref<128x144xf32, #tpu.memory_space<vmem>>, vector<16xf32>,
        %mul3A_449 = arith.mulf %get3A_448, %broadcast_in_dim3A_389 : vector<16xf32>
        %swap3A_450 = arith.index_cast %scan3A_384 : i32 to index
        %swap3A_451 = arith.constant 128 : index
        %swap3A_452 = tpu.vector_load %arg13[%swap3A_450, %swap3A_451] {strides = array<i32>} : memref<128x144xf32, #tpu.memory_space<vmem>>, vector<16xf32>,
        tpu.vector_store %arg13[%swap3A_450, %swap3A_451], %mul3A_449 {strides = array<i32>} : memref<128x144xf32, #tpu.memory_space<vmem>>, vector<16xf32>,
        %scan3A_453 = arith.constant 0 : i32
        %scan3A_454 = arith.constant 4 : i32
        %scan3A_455 = arith.addi %scan3A_172, %scan3A_454 : i32
        %get3A_456 = arith.index_cast %scan3A_455 : i32 to index
        %get3A_457 = tpu.vector_load %arg12[%get3A_456] {strides = array<i32>} : memref<144xf32, #tpu.memory_space<vmem>>, vector<16xf32>,
        %slice3A_458 = vector.extract_strided_slice %get3A_457 {offsets = [0], sizes = [1], strides = [1]} : vector<16xf32> to vector<1xf32>
        %squeeze3A_459 = vector.extract %slice3A_458[0] : f32 from vector<1xf32>
        %broadcast_in_dim3A_460 = vector.broadcast %squeeze3A_459 : f32 to vector<16xf32>
        %get3A_461 = arith.index_cast %scan3A_455 : i32 to index
        %get3A_462 = arith.constant 0 : index
        %get3A_463 = tpu.vector_load %arg13[%get3A_461, %get3A_462] {strides = array<i32>} : memref<128x144xf32, #tpu.memory_space<vmem>>, vector<16xf32>,
        %mul3A_464 = arith.mulf %get3A_463, %broadcast_in_dim3A_460 : vector<16xf32>
        %swap3A_465 = arith.index_cast %scan3A_455 : i32 to index
        %swap3A_466 = arith.constant 0 : index
        %swap3A_467 = tpu.vector_load %arg13[%swap3A_465, %swap3A_466] {strides = array<i32>} : memref<128x144xf32, #tpu.memory_space<vmem>>, vector<16xf32>,
        tpu.vector_store %arg13[%swap3A_465, %swap3A_466], %mul3A_464 {strides = array<i32>} : memref<128x144xf32, #tpu.memory_space<vmem>>, vector<16xf32>,
        %get3A_468 = arith.index_cast %scan3A_455 : i32 to index
        %get3A_469 = arith.constant 16 : index
        %get3A_470 = tpu.vector_load %arg13[%get3A_468, %get3A_469] {strides = array<i32>} : memref<128x144xf32, #tpu.memory_space<vmem>>, vector<16xf32>,
        %mul3A_471 = arith.mulf %get3A_470, %broadcast_in_dim3A_460 : vector<16xf32>
        %swap3A_472 = arith.index_cast %scan3A_455 : i32 to index
        %swap3A_473 = arith.constant 16 : index
        %swap3A_474 = tpu.vector_load %arg13[%swap3A_472, %swap3A_473] {strides = array<i32>} : memref<128x144xf32, #tpu.memory_space<vmem>>, vector<16xf32>,
        tpu.vector_store %arg13[%swap3A_472, %swap3A_473], %mul3A_471 {strides = array<i32>} : memref<128x144xf32, #tpu.memory_space<vmem>>, vector<16xf32>,
        %get3A_475 = arith.index_cast %scan3A_455 : i32 to index
        %get3A_476 = arith.constant 32 : index
        %get3A_477 = tpu.vector_load %arg13[%get3A_475, %get3A_476] {strides = array<i32>} : memref<128x144xf32, #tpu.memory_space<vmem>>, vector<16xf32>,
        %mul3A_478 = arith.mulf %get3A_477, %broadcast_in_dim3A_460 : vector<16xf32>
        %swap3A_479 = arith.index_cast %scan3A_455 : i32 to index
        %swap3A_480 = arith.constant 32 : index
        %swap3A_481 = tpu.vector_load %arg13[%swap3A_479, %swap3A_480] {strides = array<i32>} : memref<128x144xf32, #tpu.memory_space<vmem>>, vector<16xf32>,
        tpu.vector_store %arg13[%swap3A_479, %swap3A_480], %mul3A_478 {strides = array<i32>} : memref<128x144xf32, #tpu.memory_space<vmem>>, vector<16xf32>,
        %get3A_482 = arith.index_cast %scan3A_455 : i32 to index
        %get3A_483 = arith.constant 48 : index
        %get3A_484 = tpu.vector_load %arg13[%get3A_482, %get3A_483] {strides = array<i32>} : memref<128x144xf32, #tpu.memory_space<vmem>>, vector<16xf32>,
        %mul3A_485 = arith.mulf %get3A_484, %broadcast_in_dim3A_460 : vector<16xf32>
        %swap3A_486 = arith.index_cast %scan3A_455 : i32 to index
        %swap3A_487 = arith.constant 48 : index
        %swap3A_488 = tpu.vector_load %arg13[%swap3A_486, %swap3A_487] {strides = array<i32>} : memref<128x144xf32, #tpu.memory_space<vmem>>, vector<16xf32>,
        tpu.vector_store %arg13[%swap3A_486, %swap3A_487], %mul3A_485 {strides = array<i32>} : memref<128x144xf32, #tpu.memory_space<vmem>>, vector<16xf32>,
        %get3A_489 = arith.index_cast %scan3A_455 : i32 to index
        %get3A_490 = arith.constant 64 : index
        %get3A_491 = tpu.vector_load %arg13[%get3A_489, %get3A_490] {strides = array<i32>} : memref<128x144xf32, #tpu.memory_space<vmem>>, vector<16xf32>,
        %mul3A_492 = arith.mulf %get3A_491, %broadcast_in_dim3A_460 : vector<16xf32>
        %swap3A_493 = arith.index_cast %scan3A_455 : i32 to index
        %swap3A_494 = arith.constant 64 : index
        %swap3A_495 = tpu.vector_load %arg13[%swap3A_493, %swap3A_494] {strides = array<i32>} : memref<128x144xf32, #tpu.memory_space<vmem>>, vector<16xf32>,
        tpu.vector_store %arg13[%swap3A_493, %swap3A_494], %mul3A_492 {strides = array<i32>} : memref<128x144xf32, #tpu.memory_space<vmem>>, vector<16xf32>,
        %get3A_496 = arith.index_cast %scan3A_455 : i32 to index
        %get3A_497 = arith.constant 80 : index
        %get3A_498 = tpu.vector_load %arg13[%get3A_496, %get3A_497] {strides = array<i32>} : memref<128x144xf32, #tpu.memory_space<vmem>>, vector<16xf32>,
        %mul3A_499 = arith.mulf %get3A_498, %broadcast_in_dim3A_460 : vector<16xf32>
        %swap3A_500 = arith.index_cast %scan3A_455 : i32 to index
        %swap3A_501 = arith.constant 80 : index
        %swap3A_502 = tpu.vector_load %arg13[%swap3A_500, %swap3A_501] {strides = array<i32>} : memref<128x144xf32, #tpu.memory_space<vmem>>, vector<16xf32>,
        tpu.vector_store %arg13[%swap3A_500, %swap3A_501], %mul3A_499 {strides = array<i32>} : memref<128x144xf32, #tpu.memory_space<vmem>>, vector<16xf32>,
        %get3A_503 = arith.index_cast %scan3A_455 : i32 to index
        %get3A_504 = arith.constant 96 : index
        %get3A_505 = tpu.vector_load %arg13[%get3A_503, %get3A_504] {strides = array<i32>} : memref<128x144xf32, #tpu.memory_space<vmem>>, vector<16xf32>,
        %mul3A_506 = arith.mulf %get3A_505, %broadcast_in_dim3A_460 : vector<16xf32>
        %swap3A_507 = arith.index_cast %scan3A_455 : i32 to index
        %swap3A_508 = arith.constant 96 : index
        %swap3A_509 = tpu.vector_load %arg13[%swap3A_507, %swap3A_508] {strides = array<i32>} : memref<128x144xf32, #tpu.memory_space<vmem>>, vector<16xf32>,
        tpu.vector_store %arg13[%swap3A_507, %swap3A_508], %mul3A_506 {strides = array<i32>} : memref<128x144xf32, #tpu.memory_space<vmem>>, vector<16xf32>,
        %get3A_510 = arith.index_cast %scan3A_455 : i32 to index
        %get3A_511 = arith.constant 112 : index
        %get3A_512 = tpu.vector_load %arg13[%get3A_510, %get3A_511] {strides = array<i32>} : memref<128x144xf32, #tpu.memory_space<vmem>>, vector<16xf32>,
        %mul3A_513 = arith.mulf %get3A_512, %broadcast_in_dim3A_460 : vector<16xf32>
        %swap3A_514 = arith.index_cast %scan3A_455 : i32 to index
        %swap3A_515 = arith.constant 112 : index
        %swap3A_516 = tpu.vector_load %arg13[%swap3A_514, %swap3A_515] {strides = array<i32>} : memref<128x144xf32, #tpu.memory_space<vmem>>, vector<16xf32>,
        tpu.vector_store %arg13[%swap3A_514, %swap3A_515], %mul3A_513 {strides = array<i32>} : memref<128x144xf32, #tpu.memory_space<vmem>>, vector<16xf32>,
        %get3A_517 = arith.index_cast %scan3A_455 : i32 to index
        %get3A_518 = arith.constant 128 : index
        %get3A_519 = tpu.vector_load %arg13[%get3A_517, %get3A_518] {strides = array<i32>} : memref<128x144xf32, #tpu.memory_space<vmem>>, vector<16xf32>,
        %mul3A_520 = arith.mulf %get3A_519, %broadcast_in_dim3A_460 : vector<16xf32>
        %swap3A_521 = arith.index_cast %scan3A_455 : i32 to index
        %swap3A_522 = arith.constant 128 : index
        %swap3A_523 = tpu.vector_load %arg13[%swap3A_521, %swap3A_522] {strides = array<i32>} : memref<128x144xf32, #tpu.memory_space<vmem>>, vector<16xf32>,
        tpu.vector_store %arg13[%swap3A_521, %swap3A_522], %mul3A_520 {strides = array<i32>} : memref<128x144xf32, #tpu.memory_space<vmem>>, vector<16xf32>,
        %scan3A_524 = arith.constant 0 : i32
        %scan3A_525 = arith.constant 5 : i32
        %scan3A_526 = arith.addi %scan3A_172, %scan3A_525 : i32
        %get3A_527 = arith.index_cast %scan3A_526 : i32 to index
        %get3A_528 = tpu.vector_load %arg12[%get3A_527] {strides = array<i32>} : memref<144xf32, #tpu.memory_space<vmem>>, vector<16xf32>,
        %slice3A_529 = vector.extract_strided_slice %get3A_528 {offsets = [0], sizes = [1], strides = [1]} : vector<16xf32> to vector<1xf32>
        %squeeze3A_530 = vector.extract %slice3A_529[0] : f32 from vector<1xf32>
        %broadcast_in_dim3A_531 = vector.broadcast %squeeze3A_530 : f32 to vector<16xf32>
        %get3A_532 = arith.index_cast %scan3A_526 : i32 to index
        %get3A_533 = arith.constant 0 : index
        %get3A_534 = tpu.vector_load %arg13[%get3A_532, %get3A_533] {strides = array<i32>} : memref<128x144xf32, #tpu.memory_space<vmem>>, vector<16xf32>,
        %mul3A_535 = arith.mulf %get3A_534, %broadcast_in_dim3A_531 : vector<16xf32>
        %swap3A_536 = arith.index_cast %scan3A_526 : i32 to index
        %swap3A_537 = arith.constant 0 : index
        %swap3A_538 = tpu.vector_load %arg13[%swap3A_536, %swap3A_537] {strides = array<i32>} : memref<128x144xf32, #tpu.memory_space<vmem>>, vector<16xf32>,
        tpu.vector_store %arg13[%swap3A_536, %swap3A_537], %mul3A_535 {strides = array<i32>} : memref<128x144xf32, #tpu.memory_space<vmem>>, vector<16xf32>,
        %get3A_539 = arith.index_cast %scan3A_526 : i32 to index
        %get3A_540 = arith.constant 16 : index
        %get3A_541 = tpu.vector_load %arg13[%get3A_539, %get3A_540] {strides = array<i32>} : memref<128x144xf32, #tpu.memory_space<vmem>>, vector<16xf32>,
        %mul3A_542 = arith.mulf %get3A_541, %broadcast_in_dim3A_531 : vector<16xf32>
        %swap3A_543 = arith.index_cast %scan3A_526 : i32 to index
        %swap3A_544 = arith.constant 16 : index
        %swap3A_545 = tpu.vector_load %arg13[%swap3A_543, %swap3A_544] {strides = array<i32>} : memref<128x144xf32, #tpu.memory_space<vmem>>, vector<16xf32>,
        tpu.vector_store %arg13[%swap3A_543, %swap3A_544], %mul3A_542 {strides = array<i32>} : memref<128x144xf32, #tpu.memory_space<vmem>>, vector<16xf32>,
        %get3A_546 = arith.index_cast %scan3A_526 : i32 to index
        %get3A_547 = arith.constant 32 : index
        %get3A_548 = tpu.vector_load %arg13[%get3A_546, %get3A_547] {strides = array<i32>} : memref<128x144xf32, #tpu.memory_space<vmem>>, vector<16xf32>,
        %mul3A_549 = arith.mulf %get3A_548, %broadcast_in_dim3A_531 : vector<16xf32>
        %swap3A_550 = arith.index_cast %scan3A_526 : i32 to index
        %swap3A_551 = arith.constant 32 : index
        %swap3A_552 = tpu.vector_load %arg13[%swap3A_550, %swap3A_551] {strides = array<i32>} : memref<128x144xf32, #tpu.memory_space<vmem>>, vector<16xf32>,
        tpu.vector_store %arg13[%swap3A_550, %swap3A_551], %mul3A_549 {strides = array<i32>} : memref<128x144xf32, #tpu.memory_space<vmem>>, vector<16xf32>,
        %get3A_553 = arith.index_cast %scan3A_526 : i32 to index
        %get3A_554 = arith.constant 48 : index
        %get3A_555 = tpu.vector_load %arg13[%get3A_553, %get3A_554] {strides = array<i32>} : memref<128x144xf32, #tpu.memory_space<vmem>>, vector<16xf32>,
        %mul3A_556 = arith.mulf %get3A_555, %broadcast_in_dim3A_531 : vector<16xf32>
        %swap3A_557 = arith.index_cast %scan3A_526 : i32 to index
        %swap3A_558 = arith.constant 48 : index
        %swap3A_559 = tpu.vector_load %arg13[%swap3A_557, %swap3A_558] {strides = array<i32>} : memref<128x144xf32, #tpu.memory_space<vmem>>, vector<16xf32>,
        tpu.vector_store %arg13[%swap3A_557, %swap3A_558], %mul3A_556 {strides = array<i32>} : memref<128x144xf32, #tpu.memory_space<vmem>>, vector<16xf32>,
        %get3A_560 = arith.index_cast %scan3A_526 : i32 to index
        %get3A_561 = arith.constant 64 : index
        %get3A_562 = tpu.vector_load %arg13[%get3A_560, %get3A_561] {strides = array<i32>} : memref<128x144xf32, #tpu.memory_space<vmem>>, vector<16xf32>,
        %mul3A_563 = arith.mulf %get3A_562, %broadcast_in_dim3A_531 : vector<16xf32>
        %swap3A_564 = arith.index_cast %scan3A_526 : i32 to index
        %swap3A_565 = arith.constant 64 : index
        %swap3A_566 = tpu.vector_load %arg13[%swap3A_564, %swap3A_565] {strides = array<i32>} : memref<128x144xf32, #tpu.memory_space<vmem>>, vector<16xf32>,
        tpu.vector_store %arg13[%swap3A_564, %swap3A_565], %mul3A_563 {strides = array<i32>} : memref<128x144xf32, #tpu.memory_space<vmem>>, vector<16xf32>,
        %get3A_567 = arith.index_cast %scan3A_526 : i32 to index
        %get3A_568 = arith.constant 80 : index
        %get3A_569 = tpu.vector_load %arg13[%get3A_567, %get3A_568] {strides = array<i32>} : memref<128x144xf32, #tpu.memory_space<vmem>>, vector<16xf32>,
        %mul3A_570 = arith.mulf %get3A_569, %broadcast_in_dim3A_531 : vector<16xf32>
        %swap3A_571 = arith.index_cast %scan3A_526 : i32 to index
        %swap3A_572 = arith.constant 80 : index
        %swap3A_573 = tpu.vector_load %arg13[%swap3A_571, %swap3A_572] {strides = array<i32>} : memref<128x144xf32, #tpu.memory_space<vmem>>, vector<16xf32>,
        tpu.vector_store %arg13[%swap3A_571, %swap3A_572], %mul3A_570 {strides = array<i32>} : memref<128x144xf32, #tpu.memory_space<vmem>>, vector<16xf32>,
        %get3A_574 = arith.index_cast %scan3A_526 : i32 to index
        %get3A_575 = arith.constant 96 : index
        %get3A_576 = tpu.vector_load %arg13[%get3A_574, %get3A_575] {strides = array<i32>} : memref<128x144xf32, #tpu.memory_space<vmem>>, vector<16xf32>,
        %mul3A_577 = arith.mulf %get3A_576, %broadcast_in_dim3A_531 : vector<16xf32>
        %swap3A_578 = arith.index_cast %scan3A_526 : i32 to index
        %swap3A_579 = arith.constant 96 : index
        %swap3A_580 = tpu.vector_load %arg13[%swap3A_578, %swap3A_579] {strides = array<i32>} : memref<128x144xf32, #tpu.memory_space<vmem>>, vector<16xf32>,
        tpu.vector_store %arg13[%swap3A_578, %swap3A_579], %mul3A_577 {strides = array<i32>} : memref<128x144xf32, #tpu.memory_space<vmem>>, vector<16xf32>,
        %get3A_581 = arith.index_cast %scan3A_526 : i32 to index
        %get3A_582 = arith.constant 112 : index
        %get3A_583 = tpu.vector_load %arg13[%get3A_581, %get3A_582] {strides = array<i32>} : memref<128x144xf32, #tpu.memory_space<vmem>>, vector<16xf32>,
        %mul3A_584 = arith.mulf %get3A_583, %broadcast_in_dim3A_531 : vector<16xf32>
        %swap3A_585 = arith.index_cast %scan3A_526 : i32 to index
        %swap3A_586 = arith.constant 112 : index
        %swap3A_587 = tpu.vector_load %arg13[%swap3A_585, %swap3A_586] {strides = array<i32>} : memref<128x144xf32, #tpu.memory_space<vmem>>, vector<16xf32>,
        tpu.vector_store %arg13[%swap3A_585, %swap3A_586], %mul3A_584 {strides = array<i32>} : memref<128x144xf32, #tpu.memory_space<vmem>>, vector<16xf32>,
        %get3A_588 = arith.index_cast %scan3A_526 : i32 to index
        %get3A_589 = arith.constant 128 : index
        %get3A_590 = tpu.vector_load %arg13[%get3A_588, %get3A_589] {strides = array<i32>} : memref<128x144xf32, #tpu.memory_space<vmem>>, vector<16xf32>,
        %mul3A_591 = arith.mulf %get3A_590, %broadcast_in_dim3A_531 : vector<16xf32>
        %swap3A_592 = arith.index_cast %scan3A_526 : i32 to index
        %swap3A_593 = arith.constant 128 : index
        %swap3A_594 = tpu.vector_load %arg13[%swap3A_592, %swap3A_593] {strides = array<i32>} : memref<128x144xf32, #tpu.memory_space<vmem>>, vector<16xf32>,
        tpu.vector_store %arg13[%swap3A_592, %swap3A_593], %mul3A_591 {strides = array<i32>} : memref<128x144xf32, #tpu.memory_space<vmem>>, vector<16xf32>,
        %scan3A_595 = arith.constant 0 : i32
        %scan3A_596 = arith.constant 6 : i32
        %scan3A_597 = arith.addi %scan3A_172, %scan3A_596 : i32
        %get3A_598 = arith.index_cast %scan3A_597 : i32 to index
        %get3A_599 = tpu.vector_load %arg12[%get3A_598] {strides = array<i32>} : memref<144xf32, #tpu.memory_space<vmem>>, vector<16xf32>,
        %slice3A_600 = vector.extract_strided_slice %get3A_599 {offsets = [0], sizes = [1], strides = [1]} : vector<16xf32> to vector<1xf32>
        %squeeze3A_601 = vector.extract %slice3A_600[0] : f32 from vector<1xf32>
        %broadcast_in_dim3A_602 = vector.broadcast %squeeze3A_601 : f32 to vector<16xf32>
        %get3A_603 = arith.index_cast %scan3A_597 : i32 to index
        %get3A_604 = arith.constant 0 : index
        %get3A_605 = tpu.vector_load %arg13[%get3A_603, %get3A_604] {strides = array<i32>} : memref<128x144xf32, #tpu.memory_space<vmem>>, vector<16xf32>,
        %mul3A_606 = arith.mulf %get3A_605, %broadcast_in_dim3A_602 : vector<16xf32>
        %swap3A_607 = arith.index_cast %scan3A_597 : i32 to index
        %swap3A_608 = arith.constant 0 : index
        %swap3A_609 = tpu.vector_load %arg13[%swap3A_607, %swap3A_608] {strides = array<i32>} : memref<128x144xf32, #tpu.memory_space<vmem>>, vector<16xf32>,
        tpu.vector_store %arg13[%swap3A_607, %swap3A_608], %mul3A_606 {strides = array<i32>} : memref<128x144xf32, #tpu.memory_space<vmem>>, vector<16xf32>,
        %get3A_610 = arith.index_cast %scan3A_597 : i32 to index
        %get3A_611 = arith.constant 16 : index
        %get3A_612 = tpu.vector_load %arg13[%get3A_610, %get3A_611] {strides = array<i32>} : memref<128x144xf32, #tpu.memory_space<vmem>>, vector<16xf32>,
        %mul3A_613 = arith.mulf %get3A_612, %broadcast_in_dim3A_602 : vector<16xf32>
        %swap3A_614 = arith.index_cast %scan3A_597 : i32 to index
        %swap3A_615 = arith.constant 16 : index
        %swap3A_616 = tpu.vector_load %arg13[%swap3A_614, %swap3A_615] {strides = array<i32>} : memref<128x144xf32, #tpu.memory_space<vmem>>, vector<16xf32>,
        tpu.vector_store %arg13[%swap3A_614, %swap3A_615], %mul3A_613 {strides = array<i32>} : memref<128x144xf32, #tpu.memory_space<vmem>>, vector<16xf32>,
        %get3A_617 = arith.index_cast %scan3A_597 : i32 to index
        %get3A_618 = arith.constant 32 : index
        %get3A_619 = tpu.vector_load %arg13[%get3A_617, %get3A_618] {strides = array<i32>} : memref<128x144xf32, #tpu.memory_space<vmem>>, vector<16xf32>,
        %mul3A_620 = arith.mulf %get3A_619, %broadcast_in_dim3A_602 : vector<16xf32>
        %swap3A_621 = arith.index_cast %scan3A_597 : i32 to index
        %swap3A_622 = arith.constant 32 : index
        %swap3A_623 = tpu.vector_load %arg13[%swap3A_621, %swap3A_622] {strides = array<i32>} : memref<128x144xf32, #tpu.memory_space<vmem>>, vector<16xf32>,
        tpu.vector_store %arg13[%swap3A_621, %swap3A_622], %mul3A_620 {strides = array<i32>} : memref<128x144xf32, #tpu.memory_space<vmem>>, vector<16xf32>,
        %get3A_624 = arith.index_cast %scan3A_597 : i32 to index
        %get3A_625 = arith.constant 48 : index
        %get3A_626 = tpu.vector_load %arg13[%get3A_624, %get3A_625] {strides = array<i32>} : memref<128x144xf32, #tpu.memory_space<vmem>>, vector<16xf32>,
        %mul3A_627 = arith.mulf %get3A_626, %broadcast_in_dim3A_602 : vector<16xf32>
        %swap3A_628 = arith.index_cast %scan3A_597 : i32 to index
        %swap3A_629 = arith.constant 48 : index
        %swap3A_630 = tpu.vector_load %arg13[%swap3A_628, %swap3A_629] {strides = array<i32>} : memref<128x144xf32, #tpu.memory_space<vmem>>, vector<16xf32>,
        tpu.vector_store %arg13[%swap3A_628, %swap3A_629], %mul3A_627 {strides = array<i32>} : memref<128x144xf32, #tpu.memory_space<vmem>>, vector<16xf32>,
        %get3A_631 = arith.index_cast %scan3A_597 : i32 to index
        %get3A_632 = arith.constant 64 : index
        %get3A_633 = tpu.vector_load %arg13[%get3A_631, %get3A_632] {strides = array<i32>} : memref<128x144xf32, #tpu.memory_space<vmem>>, vector<16xf32>,
        %mul3A_634 = arith.mulf %get3A_633, %broadcast_in_dim3A_602 : vector<16xf32>
        %swap3A_635 = arith.index_cast %scan3A_597 : i32 to index
        %swap3A_636 = arith.constant 64 : index
        %swap3A_637 = tpu.vector_load %arg13[%swap3A_635, %swap3A_636] {strides = array<i32>} : memref<128x144xf32, #tpu.memory_space<vmem>>, vector<16xf32>,
        tpu.vector_store %arg13[%swap3A_635, %swap3A_636], %mul3A_634 {strides = array<i32>} : memref<128x144xf32, #tpu.memory_space<vmem>>, vector<16xf32>,
        %get3A_638 = arith.index_cast %scan3A_597 : i32 to index
        %get3A_639 = arith.constant 80 : index
        %get3A_640 = tpu.vector_load %arg13[%get3A_638, %get3A_639] {strides = array<i32>} : memref<128x144xf32, #tpu.memory_space<vmem>>, vector<16xf32>,
        %mul3A_641 = arith.mulf %get3A_640, %broadcast_in_dim3A_602 : vector<16xf32>
        %swap3A_642 = arith.index_cast %scan3A_597 : i32 to index
        %swap3A_643 = arith.constant 80 : index
        %swap3A_644 = tpu.vector_load %arg13[%swap3A_642, %swap3A_643] {strides = array<i32>} : memref<128x144xf32, #tpu.memory_space<vmem>>, vector<16xf32>,
        tpu.vector_store %arg13[%swap3A_642, %swap3A_643], %mul3A_641 {strides = array<i32>} : memref<128x144xf32, #tpu.memory_space<vmem>>, vector<16xf32>,
        %get3A_645 = arith.index_cast %scan3A_597 : i32 to index
        %get3A_646 = arith.constant 96 : index
        %get3A_647 = tpu.vector_load %arg13[%get3A_645, %get3A_646] {strides = array<i32>} : memref<128x144xf32, #tpu.memory_space<vmem>>, vector<16xf32>,
        %mul3A_648 = arith.mulf %get3A_647, %broadcast_in_dim3A_602 : vector<16xf32>
        %swap3A_649 = arith.index_cast %scan3A_597 : i32 to index
        %swap3A_650 = arith.constant 96 : index
        %swap3A_651 = tpu.vector_load %arg13[%swap3A_649, %swap3A_650] {strides = array<i32>} : memref<128x144xf32, #tpu.memory_space<vmem>>, vector<16xf32>,
        tpu.vector_store %arg13[%swap3A_649, %swap3A_650], %mul3A_648 {strides = array<i32>} : memref<128x144xf32, #tpu.memory_space<vmem>>, vector<16xf32>,
        %get3A_652 = arith.index_cast %scan3A_597 : i32 to index
        %get3A_653 = arith.constant 112 : index
        %get3A_654 = tpu.vector_load %arg13[%get3A_652, %get3A_653] {strides = array<i32>} : memref<128x144xf32, #tpu.memory_space<vmem>>, vector<16xf32>,
        %mul3A_655 = arith.mulf %get3A_654, %broadcast_in_dim3A_602 : vector<16xf32>
        %swap3A_656 = arith.index_cast %scan3A_597 : i32 to index
        %swap3A_657 = arith.constant 112 : index
        %swap3A_658 = tpu.vector_load %arg13[%swap3A_656, %swap3A_657] {strides = array<i32>} : memref<128x144xf32, #tpu.memory_space<vmem>>, vector<16xf32>,
        tpu.vector_store %arg13[%swap3A_656, %swap3A_657], %mul3A_655 {strides = array<i32>} : memref<128x144xf32, #tpu.memory_space<vmem>>, vector<16xf32>,
        %get3A_659 = arith.index_cast %scan3A_597 : i32 to index
        %get3A_660 = arith.constant 128 : index
        %get3A_661 = tpu.vector_load %arg13[%get3A_659, %get3A_660] {strides = array<i32>} : memref<128x144xf32, #tpu.memory_space<vmem>>, vector<16xf32>,
        %mul3A_662 = arith.mulf %get3A_661, %broadcast_in_dim3A_602 : vector<16xf32>
        %swap3A_663 = arith.index_cast %scan3A_597 : i32 to index
        %swap3A_664 = arith.constant 128 : index
        %swap3A_665 = tpu.vector_load %arg13[%swap3A_663, %swap3A_664] {strides = array<i32>} : memref<128x144xf32, #tpu.memory_space<vmem>>, vector<16xf32>,
        tpu.vector_store %arg13[%swap3A_663, %swap3A_664], %mul3A_662 {strides = array<i32>} : memref<128x144xf32, #tpu.memory_space<vmem>>, vector<16xf32>,
        %scan3A_666 = arith.constant 0 : i32
        %scan3A_667 = arith.constant 7 : i32
        %scan3A_668 = arith.addi %scan3A_172, %scan3A_667 : i32
        %get3A_669 = arith.index_cast %scan3A_668 : i32 to index
        %get3A_670 = tpu.vector_load %arg12[%get3A_669] {strides = array<i32>} : memref<144xf32, #tpu.memory_space<vmem>>, vector<16xf32>,
        %slice3A_671 = vector.extract_strided_slice %get3A_670 {offsets = [0], sizes = [1], strides = [1]} : vector<16xf32> to vector<1xf32>
        %squeeze3A_672 = vector.extract %slice3A_671[0] : f32 from vector<1xf32>
        %broadcast_in_dim3A_673 = vector.broadcast %squeeze3A_672 : f32 to vector<16xf32>
        %get3A_674 = arith.index_cast %scan3A_668 : i32 to index
        %get3A_675 = arith.constant 0 : index
        %get3A_676 = tpu.vector_load %arg13[%get3A_674, %get3A_675] {strides = array<i32>} : memref<128x144xf32, #tpu.memory_space<vmem>>, vector<16xf32>,
        %mul3A_677 = arith.mulf %get3A_676, %broadcast_in_dim3A_673 : vector<16xf32>
        %swap3A_678 = arith.index_cast %scan3A_668 : i32 to index
        %swap3A_679 = arith.constant 0 : index
        %swap3A_680 = tpu.vector_load %arg13[%swap3A_678, %swap3A_679] {strides = array<i32>} : memref<128x144xf32, #tpu.memory_space<vmem>>, vector<16xf32>,
        tpu.vector_store %arg13[%swap3A_678, %swap3A_679], %mul3A_677 {strides = array<i32>} : memref<128x144xf32, #tpu.memory_space<vmem>>, vector<16xf32>,
        %get3A_681 = arith.index_cast %scan3A_668 : i32 to index
        %get3A_682 = arith.constant 16 : index
        %get3A_683 = tpu.vector_load %arg13[%get3A_681, %get3A_682] {strides = array<i32>} : memref<128x144xf32, #tpu.memory_space<vmem>>, vector<16xf32>,
        %mul3A_684 = arith.mulf %get3A_683, %broadcast_in_dim3A_673 : vector<16xf32>
        %swap3A_685 = arith.index_cast %scan3A_668 : i32 to index
        %swap3A_686 = arith.constant 16 : index
        %swap3A_687 = tpu.vector_load %arg13[%swap3A_685, %swap3A_686] {strides = array<i32>} : memref<128x144xf32, #tpu.memory_space<vmem>>, vector<16xf32>,
        tpu.vector_store %arg13[%swap3A_685, %swap3A_686], %mul3A_684 {strides = array<i32>} : memref<128x144xf32, #tpu.memory_space<vmem>>, vector<16xf32>,
        %get3A_688 = arith.index_cast %scan3A_668 : i32 to index
        %get3A_689 = arith.constant 32 : index
        %get3A_690 = tpu.vector_load %arg13[%get3A_688, %get3A_689] {strides = array<i32>} : memref<128x144xf32, #tpu.memory_space<vmem>>, vector<16xf32>,
        %mul3A_691 = arith.mulf %get3A_690, %broadcast_in_dim3A_673 : vector<16xf32>
        %swap3A_692 = arith.index_cast %scan3A_668 : i32 to index
        %swap3A_693 = arith.constant 32 : index
        %swap3A_694 = tpu.vector_load %arg13[%swap3A_692, %swap3A_693] {strides = array<i32>} : memref<128x144xf32, #tpu.memory_space<vmem>>, vector<16xf32>,
        tpu.vector_store %arg13[%swap3A_692, %swap3A_693], %mul3A_691 {strides = array<i32>} : memref<128x144xf32, #tpu.memory_space<vmem>>, vector<16xf32>,
        %get3A_695 = arith.index_cast %scan3A_668 : i32 to index
        %get3A_696 = arith.constant 48 : index
        %get3A_697 = tpu.vector_load %arg13[%get3A_695, %get3A_696] {strides = array<i32>} : memref<128x144xf32, #tpu.memory_space<vmem>>, vector<16xf32>,
        %mul3A_698 = arith.mulf %get3A_697, %broadcast_in_dim3A_673 : vector<16xf32>
        %swap3A_699 = arith.index_cast %scan3A_668 : i32 to index
        %swap3A_700 = arith.constant 48 : index
        %swap3A_701 = tpu.vector_load %arg13[%swap3A_699, %swap3A_700] {strides = array<i32>} : memref<128x144xf32, #tpu.memory_space<vmem>>, vector<16xf32>,
        tpu.vector_store %arg13[%swap3A_699, %swap3A_700], %mul3A_698 {strides = array<i32>} : memref<128x144xf32, #tpu.memory_space<vmem>>, vector<16xf32>,
        %get3A_702 = arith.index_cast %scan3A_668 : i32 to index
        %get3A_703 = arith.constant 64 : index
        %get3A_704 = tpu.vector_load %arg13[%get3A_702, %get3A_703] {strides = array<i32>} : memref<128x144xf32, #tpu.memory_space<vmem>>, vector<16xf32>,
        %mul3A_705 = arith.mulf %get3A_704, %broadcast_in_dim3A_673 : vector<16xf32>
        %swap3A_706 = arith.index_cast %scan3A_668 : i32 to index
        %swap3A_707 = arith.constant 64 : index
        %swap3A_708 = tpu.vector_load %arg13[%swap3A_706, %swap3A_707] {strides = array<i32>} : memref<128x144xf32, #tpu.memory_space<vmem>>, vector<16xf32>,
        tpu.vector_store %arg13[%swap3A_706, %swap3A_707], %mul3A_705 {strides = array<i32>} : memref<128x144xf32, #tpu.memory_space<vmem>>, vector<16xf32>,
        %get3A_709 = arith.index_cast %scan3A_668 : i32 to index
        %get3A_710 = arith.constant 80 : index
        %get3A_711 = tpu.vector_load %arg13[%get3A_709, %get3A_710] {strides = array<i32>} : memref<128x144xf32, #tpu.memory_space<vmem>>, vector<16xf32>,
        %mul3A_712 = arith.mulf %get3A_711, %broadcast_in_dim3A_673 : vector<16xf32>
        %swap3A_713 = arith.index_cast %scan3A_668 : i32 to index
        %swap3A_714 = arith.constant 80 : index
        %swap3A_715 = tpu.vector_load %arg13[%swap3A_713, %swap3A_714] {strides = array<i32>} : memref<128x144xf32, #tpu.memory_space<vmem>>, vector<16xf32>,
        tpu.vector_store %arg13[%swap3A_713, %swap3A_714], %mul3A_712 {strides = array<i32>} : memref<128x144xf32, #tpu.memory_space<vmem>>, vector<16xf32>,
        %get3A_716 = arith.index_cast %scan3A_668 : i32 to index
        %get3A_717 = arith.constant 96 : index
        %get3A_718 = tpu.vector_load %arg13[%get3A_716, %get3A_717] {strides = array<i32>} : memref<128x144xf32, #tpu.memory_space<vmem>>, vector<16xf32>,
        %mul3A_719 = arith.mulf %get3A_718, %broadcast_in_dim3A_673 : vector<16xf32>
        %swap3A_720 = arith.index_cast %scan3A_668 : i32 to index
        %swap3A_721 = arith.constant 96 : index
        %swap3A_722 = tpu.vector_load %arg13[%swap3A_720, %swap3A_721] {strides = array<i32>} : memref<128x144xf32, #tpu.memory_space<vmem>>, vector<16xf32>,
        tpu.vector_store %arg13[%swap3A_720, %swap3A_721], %mul3A_719 {strides = array<i32>} : memref<128x144xf32, #tpu.memory_space<vmem>>, vector<16xf32>,
        %get3A_723 = arith.index_cast %scan3A_668 : i32 to index
        %get3A_724 = arith.constant 112 : index
        %get3A_725 = tpu.vector_load %arg13[%get3A_723, %get3A_724] {strides = array<i32>} : memref<128x144xf32, #tpu.memory_space<vmem>>, vector<16xf32>,
        %mul3A_726 = arith.mulf %get3A_725, %broadcast_in_dim3A_673 : vector<16xf32>
        %swap3A_727 = arith.index_cast %scan3A_668 : i32 to index
        %swap3A_728 = arith.constant 112 : index
        %swap3A_729 = tpu.vector_load %arg13[%swap3A_727, %swap3A_728] {strides = array<i32>} : memref<128x144xf32, #tpu.memory_space<vmem>>, vector<16xf32>,
        tpu.vector_store %arg13[%swap3A_727, %swap3A_728], %mul3A_726 {strides = array<i32>} : memref<128x144xf32, #tpu.memory_space<vmem>>, vector<16xf32>,
        %get3A_730 = arith.index_cast %scan3A_668 : i32 to index
        %get3A_731 = arith.constant 128 : index
        %get3A_732 = tpu.vector_load %arg13[%get3A_730, %get3A_731] {strides = array<i32>} : memref<128x144xf32, #tpu.memory_space<vmem>>, vector<16xf32>,
        %mul3A_733 = arith.mulf %get3A_732, %broadcast_in_dim3A_673 : vector<16xf32>
        %swap3A_734 = arith.index_cast %scan3A_668 : i32 to index
        %swap3A_735 = arith.constant 128 : index
        %swap3A_736 = tpu.vector_load %arg13[%swap3A_734, %swap3A_735] {strides = array<i32>} : memref<128x144xf32, #tpu.memory_space<vmem>>, vector<16xf32>,
        tpu.vector_store %arg13[%swap3A_734, %swap3A_735], %mul3A_733 {strides = array<i32>} : memref<128x144xf32, #tpu.memory_space<vmem>>, vector<16xf32>,
        %scan3A_737 = arith.constant 0 : i32
        %scan3A_738 = arith.constant 8 : i32
        %scan3A_739 = arith.addi %scan3A_172, %scan3A_738 : i32
        %get3A_740 = arith.index_cast %scan3A_739 : i32 to index
        %get3A_741 = tpu.vector_load %arg12[%get3A_740] {strides = array<i32>} : memref<144xf32, #tpu.memory_space<vmem>>, vector<16xf32>,
        %slice3A_742 = vector.extract_strided_slice %get3A_741 {offsets = [0], sizes = [1], strides = [1]} : vector<16xf32> to vector<1xf32>
        %squeeze3A_743 = vector.extract %slice3A_742[0] : f32 from vector<1xf32>
        %broadcast_in_dim3A_744 = vector.broadcast %squeeze3A_743 : f32 to vector<16xf32>
        %get3A_745 = arith.index_cast %scan3A_739 : i32 to index
        %get3A_746 = arith.constant 0 : index
        %get3A_747 = tpu.vector_load %arg13[%get3A_745, %get3A_746] {strides = array<i32>} : memref<128x144xf32, #tpu.memory_space<vmem>>, vector<16xf32>,
        %mul3A_748 = arith.mulf %get3A_747, %broadcast_in_dim3A_744 : vector<16xf32>
        %swap3A_749 = arith.index_cast %scan3A_739 : i32 to index
        %swap3A_750 = arith.constant 0 : index
        %swap3A_751 = tpu.vector_load %arg13[%swap3A_749, %swap3A_750] {strides = array<i32>} : memref<128x144xf32, #tpu.memory_space<vmem>>, vector<16xf32>,
        tpu.vector_store %arg13[%swap3A_749, %swap3A_750], %mul3A_748 {strides = array<i32>} : memref<128x144xf32, #tpu.memory_space<vmem>>, vector<16xf32>,
        %get3A_752 = arith.index_cast %scan3A_739 : i32 to index
        %get3A_753 = arith.constant 16 : index
        %get3A_754 = tpu.vector_load %arg13[%get3A_752, %get3A_753] {strides = array<i32>} : memref<128x144xf32, #tpu.memory_space<vmem>>, vector<16xf32>,
        %mul3A_755 = arith.mulf %get3A_754, %broadcast_in_dim3A_744 : vector<16xf32>
        %swap3A_756 = arith.index_cast %scan3A_739 : i32 to index
        %swap3A_757 = arith.constant 16 : index
        %swap3A_758 = tpu.vector_load %arg13[%swap3A_756, %swap3A_757] {strides = array<i32>} : memref<128x144xf32, #tpu.memory_space<vmem>>, vector<16xf32>,
        tpu.vector_store %arg13[%swap3A_756, %swap3A_757], %mul3A_755 {strides = array<i32>} : memref<128x144xf32, #tpu.memory_space<vmem>>, vector<16xf32>,
        %get3A_759 = arith.index_cast %scan3A_739 : i32 to index
        %get3A_760 = arith.constant 32 : index
        %get3A_761 = tpu.vector_load %arg13[%get3A_759, %get3A_760] {strides = array<i32>} : memref<128x144xf32, #tpu.memory_space<vmem>>, vector<16xf32>,
        %mul3A_762 = arith.mulf %get3A_761, %broadcast_in_dim3A_744 : vector<16xf32>
        %swap3A_763 = arith.index_cast %scan3A_739 : i32 to index
        %swap3A_764 = arith.constant 32 : index
        %swap3A_765 = tpu.vector_load %arg13[%swap3A_763, %swap3A_764] {strides = array<i32>} : memref<128x144xf32, #tpu.memory_space<vmem>>, vector<16xf32>,
        tpu.vector_store %arg13[%swap3A_763, %swap3A_764], %mul3A_762 {strides = array<i32>} : memref<128x144xf32, #tpu.memory_space<vmem>>, vector<16xf32>,
        %get3A_766 = arith.index_cast %scan3A_739 : i32 to index
        %get3A_767 = arith.constant 48 : index
        %get3A_768 = tpu.vector_load %arg13[%get3A_766, %get3A_767] {strides = array<i32>} : memref<128x144xf32, #tpu.memory_space<vmem>>, vector<16xf32>,
        %mul3A_769 = arith.mulf %get3A_768, %broadcast_in_dim3A_744 : vector<16xf32>
        %swap3A_770 = arith.index_cast %scan3A_739 : i32 to index
        %swap3A_771 = arith.constant 48 : index
        %swap3A_772 = tpu.vector_load %arg13[%swap3A_770, %swap3A_771] {strides = array<i32>} : memref<128x144xf32, #tpu.memory_space<vmem>>, vector<16xf32>,
        tpu.vector_store %arg13[%swap3A_770, %swap3A_771], %mul3A_769 {strides = array<i32>} : memref<128x144xf32, #tpu.memory_space<vmem>>, vector<16xf32>,
        %get3A_773 = arith.index_cast %scan3A_739 : i32 to index
        %get3A_774 = arith.constant 64 : index
        %get3A_775 = tpu.vector_load %arg13[%get3A_773, %get3A_774] {strides = array<i32>} : memref<128x144xf32, #tpu.memory_space<vmem>>, vector<16xf32>,
        %mul3A_776 = arith.mulf %get3A_775, %broadcast_in_dim3A_744 : vector<16xf32>
        %swap3A_777 = arith.index_cast %scan3A_739 : i32 to index
        %swap3A_778 = arith.constant 64 : index
        %swap3A_779 = tpu.vector_load %arg13[%swap3A_777, %swap3A_778] {strides = array<i32>} : memref<128x144xf32, #tpu.memory_space<vmem>>, vector<16xf32>,
        tpu.vector_store %arg13[%swap3A_777, %swap3A_778], %mul3A_776 {strides = array<i32>} : memref<128x144xf32, #tpu.memory_space<vmem>>, vector<16xf32>,
        %get3A_780 = arith.index_cast %scan3A_739 : i32 to index
        %get3A_781 = arith.constant 80 : index
        %get3A_782 = tpu.vector_load %arg13[%get3A_780, %get3A_781] {strides = array<i32>} : memref<128x144xf32, #tpu.memory_space<vmem>>, vector<16xf32>,
        %mul3A_783 = arith.mulf %get3A_782, %broadcast_in_dim3A_744 : vector<16xf32>
        %swap3A_784 = arith.index_cast %scan3A_739 : i32 to index
        %swap3A_785 = arith.constant 80 : index
        %swap3A_786 = tpu.vector_load %arg13[%swap3A_784, %swap3A_785] {strides = array<i32>} : memref<128x144xf32, #tpu.memory_space<vmem>>, vector<16xf32>,
        tpu.vector_store %arg13[%swap3A_784, %swap3A_785], %mul3A_783 {strides = array<i32>} : memref<128x144xf32, #tpu.memory_space<vmem>>, vector<16xf32>,
        %get3A_787 = arith.index_cast %scan3A_739 : i32 to index
        %get3A_788 = arith.constant 96 : index
        %get3A_789 = tpu.vector_load %arg13[%get3A_787, %get3A_788] {strides = array<i32>} : memref<128x144xf32, #tpu.memory_space<vmem>>, vector<16xf32>,
        %mul3A_790 = arith.mulf %get3A_789, %broadcast_in_dim3A_744 : vector<16xf32>
        %swap3A_791 = arith.index_cast %scan3A_739 : i32 to index
        %swap3A_792 = arith.constant 96 : index
        %swap3A_793 = tpu.vector_load %arg13[%swap3A_791, %swap3A_792] {strides = array<i32>} : memref<128x144xf32, #tpu.memory_space<vmem>>, vector<16xf32>,
        tpu.vector_store %arg13[%swap3A_791, %swap3A_792], %mul3A_790 {strides = array<i32>} : memref<128x144xf32, #tpu.memory_space<vmem>>, vector<16xf32>,
        %get3A_794 = arith.index_cast %scan3A_739 : i32 to index
        %get3A_795 = arith.constant 112 : index
        %get3A_796 = tpu.vector_load %arg13[%get3A_794, %get3A_795] {strides = array<i32>} : memref<128x144xf32, #tpu.memory_space<vmem>>, vector<16xf32>,
        %mul3A_797 = arith.mulf %get3A_796, %broadcast_in_dim3A_744 : vector<16xf32>
        %swap3A_798 = arith.index_cast %scan3A_739 : i32 to index
        %swap3A_799 = arith.constant 112 : index
        %swap3A_800 = tpu.vector_load %arg13[%swap3A_798, %swap3A_799] {strides = array<i32>} : memref<128x144xf32, #tpu.memory_space<vmem>>, vector<16xf32>,
        tpu.vector_store %arg13[%swap3A_798, %swap3A_799], %mul3A_797 {strides = array<i32>} : memref<128x144xf32, #tpu.memory_space<vmem>>, vector<16xf32>,
        %get3A_801 = arith.index_cast %scan3A_739 : i32 to index
        %get3A_802 = arith.constant 128 : index
        %get3A_803 = tpu.vector_load %arg13[%get3A_801, %get3A_802] {strides = array<i32>} : memref<128x144xf32, #tpu.memory_space<vmem>>, vector<16xf32>,
        %mul3A_804 = arith.mulf %get3A_803, %broadcast_in_dim3A_744 : vector<16xf32>
        %swap3A_805 = arith.index_cast %scan3A_739 : i32 to index
        %swap3A_806 = arith.constant 128 : index
        %swap3A_807 = tpu.vector_load %arg13[%swap3A_805, %swap3A_806] {strides = array<i32>} : memref<128x144xf32, #tpu.memory_space<vmem>>, vector<16xf32>,
        tpu.vector_store %arg13[%swap3A_805, %swap3A_806], %mul3A_804 {strides = array<i32>} : memref<128x144xf32, #tpu.memory_space<vmem>>, vector<16xf32>,
        %scan3A_808 = arith.constant 0 : i32
        %scan3A_809 = arith.constant 9 : i32
        %scan3A_810 = arith.addi %scan3A_172, %scan3A_809 : i32
        %get3A_811 = arith.index_cast %scan3A_810 : i32 to index
        %get3A_812 = tpu.vector_load %arg12[%get3A_811] {strides = array<i32>} : memref<144xf32, #tpu.memory_space<vmem>>, vector<16xf32>,
        %slice3A_813 = vector.extract_strided_slice %get3A_812 {offsets = [0], sizes = [1], strides = [1]} : vector<16xf32> to vector<1xf32>
        %squeeze3A_814 = vector.extract %slice3A_813[0] : f32 from vector<1xf32>
        %broadcast_in_dim3A_815 = vector.broadcast %squeeze3A_814 : f32 to vector<16xf32>
        %get3A_816 = arith.index_cast %scan3A_810 : i32 to index
        %get3A_817 = arith.constant 0 : index
        %get3A_818 = tpu.vector_load %arg13[%get3A_816, %get3A_817] {strides = array<i32>} : memref<128x144xf32, #tpu.memory_space<vmem>>, vector<16xf32>,
        %mul3A_819 = arith.mulf %get3A_818, %broadcast_in_dim3A_815 : vector<16xf32>
        %swap3A_820 = arith.index_cast %scan3A_810 : i32 to index
        %swap3A_821 = arith.constant 0 : index
        %swap3A_822 = tpu.vector_load %arg13[%swap3A_820, %swap3A_821] {strides = array<i32>} : memref<128x144xf32, #tpu.memory_space<vmem>>, vector<16xf32>,
        tpu.vector_store %arg13[%swap3A_820, %swap3A_821], %mul3A_819 {strides = array<i32>} : memref<128x144xf32, #tpu.memory_space<vmem>>, vector<16xf32>,
        %get3A_823 = arith.index_cast %scan3A_810 : i32 to index
        %get3A_824 = arith.constant 16 : index
        %get3A_825 = tpu.vector_load %arg13[%get3A_823, %get3A_824] {strides = array<i32>} : memref<128x144xf32, #tpu.memory_space<vmem>>, vector<16xf32>,
        %mul3A_826 = arith.mulf %get3A_825, %broadcast_in_dim3A_815 : vector<16xf32>
        %swap3A_827 = arith.index_cast %scan3A_810 : i32 to index
        %swap3A_828 = arith.constant 16 : index
        %swap3A_829 = tpu.vector_load %arg13[%swap3A_827, %swap3A_828] {strides = array<i32>} : memref<128x144xf32, #tpu.memory_space<vmem>>, vector<16xf32>,
        tpu.vector_store %arg13[%swap3A_827, %swap3A_828], %mul3A_826 {strides = array<i32>} : memref<128x144xf32, #tpu.memory_space<vmem>>, vector<16xf32>,
        %get3A_830 = arith.index_cast %scan3A_810 : i32 to index
        %get3A_831 = arith.constant 32 : index
        %get3A_832 = tpu.vector_load %arg13[%get3A_830, %get3A_831] {strides = array<i32>} : memref<128x144xf32, #tpu.memory_space<vmem>>, vector<16xf32>,
        %mul3A_833 = arith.mulf %get3A_832, %broadcast_in_dim3A_815 : vector<16xf32>
        %swap3A_834 = arith.index_cast %scan3A_810 : i32 to index
        %swap3A_835 = arith.constant 32 : index
        %swap3A_836 = tpu.vector_load %arg13[%swap3A_834, %swap3A_835] {strides = array<i32>} : memref<128x144xf32, #tpu.memory_space<vmem>>, vector<16xf32>,
        tpu.vector_store %arg13[%swap3A_834, %swap3A_835], %mul3A_833 {strides = array<i32>} : memref<128x144xf32, #tpu.memory_space<vmem>>, vector<16xf32>,
        %get3A_837 = arith.index_cast %scan3A_810 : i32 to index
        %get3A_838 = arith.constant 48 : index
        %get3A_839 = tpu.vector_load %arg13[%get3A_837, %get3A_838] {strides = array<i32>} : memref<128x144xf32, #tpu.memory_space<vmem>>, vector<16xf32>,
        %mul3A_840 = arith.mulf %get3A_839, %broadcast_in_dim3A_815 : vector<16xf32>
        %swap3A_841 = arith.index_cast %scan3A_810 : i32 to index
        %swap3A_842 = arith.constant 48 : index
        %swap3A_843 = tpu.vector_load %arg13[%swap3A_841, %swap3A_842] {strides = array<i32>} : memref<128x144xf32, #tpu.memory_space<vmem>>, vector<16xf32>,
        tpu.vector_store %arg13[%swap3A_841, %swap3A_842], %mul3A_840 {strides = array<i32>} : memref<128x144xf32, #tpu.memory_space<vmem>>, vector<16xf32>,
        %get3A_844 = arith.index_cast %scan3A_810 : i32 to index
        %get3A_845 = arith.constant 64 : index
        %get3A_846 = tpu.vector_load %arg13[%get3A_844, %get3A_845] {strides = array<i32>} : memref<128x144xf32, #tpu.memory_space<vmem>>, vector<16xf32>,
        %mul3A_847 = arith.mulf %get3A_846, %broadcast_in_dim3A_815 : vector<16xf32>
        %swap3A_848 = arith.index_cast %scan3A_810 : i32 to index
        %swap3A_849 = arith.constant 64 : index
        %swap3A_850 = tpu.vector_load %arg13[%swap3A_848, %swap3A_849] {strides = array<i32>} : memref<128x144xf32, #tpu.memory_space<vmem>>, vector<16xf32>,
        tpu.vector_store %arg13[%swap3A_848, %swap3A_849], %mul3A_847 {strides = array<i32>} : memref<128x144xf32, #tpu.memory_space<vmem>>, vector<16xf32>,
        %get3A_851 = arith.index_cast %scan3A_810 : i32 to index
        %get3A_852 = arith.constant 80 : index
        %get3A_853 = tpu.vector_load %arg13[%get3A_851, %get3A_852] {strides = array<i32>} : memref<128x144xf32, #tpu.memory_space<vmem>>, vector<16xf32>,
        %mul3A_854 = arith.mulf %get3A_853, %broadcast_in_dim3A_815 : vector<16xf32>
        %swap3A_855 = arith.index_cast %scan3A_810 : i32 to index
        %swap3A_856 = arith.constant 80 : index
        %swap3A_857 = tpu.vector_load %arg13[%swap3A_855, %swap3A_856] {strides = array<i32>} : memref<128x144xf32, #tpu.memory_space<vmem>>, vector<16xf32>,
        tpu.vector_store %arg13[%swap3A_855, %swap3A_856], %mul3A_854 {strides = array<i32>} : memref<128x144xf32, #tpu.memory_space<vmem>>, vector<16xf32>,
        %get3A_858 = arith.index_cast %scan3A_810 : i32 to index
        %get3A_859 = arith.constant 96 : index
        %get3A_860 = tpu.vector_load %arg13[%get3A_858, %get3A_859] {strides = array<i32>} : memref<128x144xf32, #tpu.memory_space<vmem>>, vector<16xf32>,
        %mul3A_861 = arith.mulf %get3A_860, %broadcast_in_dim3A_815 : vector<16xf32>
        %swap3A_862 = arith.index_cast %scan3A_810 : i32 to index
        %swap3A_863 = arith.constant 96 : index
        %swap3A_864 = tpu.vector_load %arg13[%swap3A_862, %swap3A_863] {strides = array<i32>} : memref<128x144xf32, #tpu.memory_space<vmem>>, vector<16xf32>,
        tpu.vector_store %arg13[%swap3A_862, %swap3A_863], %mul3A_861 {strides = array<i32>} : memref<128x144xf32, #tpu.memory_space<vmem>>, vector<16xf32>,
        %get3A_865 = arith.index_cast %scan3A_810 : i32 to index
        %get3A_866 = arith.constant 112 : index
        %get3A_867 = tpu.vector_load %arg13[%get3A_865, %get3A_866] {strides = array<i32>} : memref<128x144xf32, #tpu.memory_space<vmem>>, vector<16xf32>,
        %mul3A_868 = arith.mulf %get3A_867, %broadcast_in_dim3A_815 : vector<16xf32>
        %swap3A_869 = arith.index_cast %scan3A_810 : i32 to index
        %swap3A_870 = arith.constant 112 : index
        %swap3A_871 = tpu.vector_load %arg13[%swap3A_869, %swap3A_870] {strides = array<i32>} : memref<128x144xf32, #tpu.memory_space<vmem>>, vector<16xf32>,
        tpu.vector_store %arg13[%swap3A_869, %swap3A_870], %mul3A_868 {strides = array<i32>} : memref<128x144xf32, #tpu.memory_space<vmem>>, vector<16xf32>,
        %get3A_872 = arith.index_cast %scan3A_810 : i32 to index
        %get3A_873 = arith.constant 128 : index
        %get3A_874 = tpu.vector_load %arg13[%get3A_872, %get3A_873] {strides = array<i32>} : memref<128x144xf32, #tpu.memory_space<vmem>>, vector<16xf32>,
        %mul3A_875 = arith.mulf %get3A_874, %broadcast_in_dim3A_815 : vector<16xf32>
        %swap3A_876 = arith.index_cast %scan3A_810 : i32 to index
        %swap3A_877 = arith.constant 128 : index
        %swap3A_878 = tpu.vector_load %arg13[%swap3A_876, %swap3A_877] {strides = array<i32>} : memref<128x144xf32, #tpu.memory_space<vmem>>, vector<16xf32>,
        tpu.vector_store %arg13[%swap3A_876, %swap3A_877], %mul3A_875 {strides = array<i32>} : memref<128x144xf32, #tpu.memory_space<vmem>>, vector<16xf32>,
        %scan3A_879 = arith.constant 0 : i32
        %scan3A_880 = arith.constant 10 : i32
        %scan3A_881 = arith.addi %scan3A_172, %scan3A_880 : i32
        %get3A_882 = arith.index_cast %scan3A_881 : i32 to index
        %get3A_883 = tpu.vector_load %arg12[%get3A_882] {strides = array<i32>} : memref<144xf32, #tpu.memory_space<vmem>>, vector<16xf32>,
        %slice3A_884 = vector.extract_strided_slice %get3A_883 {offsets = [0], sizes = [1], strides = [1]} : vector<16xf32> to vector<1xf32>
        %squeeze3A_885 = vector.extract %slice3A_884[0] : f32 from vector<1xf32>
        %broadcast_in_dim3A_886 = vector.broadcast %squeeze3A_885 : f32 to vector<16xf32>
        %get3A_887 = arith.index_cast %scan3A_881 : i32 to index
        %get3A_888 = arith.constant 0 : index
        %get3A_889 = tpu.vector_load %arg13[%get3A_887, %get3A_888] {strides = array<i32>} : memref<128x144xf32, #tpu.memory_space<vmem>>, vector<16xf32>,
        %mul3A_890 = arith.mulf %get3A_889, %broadcast_in_dim3A_886 : vector<16xf32>
        %swap3A_891 = arith.index_cast %scan3A_881 : i32 to index
        %swap3A_892 = arith.constant 0 : index
        %swap3A_893 = tpu.vector_load %arg13[%swap3A_891, %swap3A_892] {strides = array<i32>} : memref<128x144xf32, #tpu.memory_space<vmem>>, vector<16xf32>,
        tpu.vector_store %arg13[%swap3A_891, %swap3A_892], %mul3A_890 {strides = array<i32>} : memref<128x144xf32, #tpu.memory_space<vmem>>, vector<16xf32>,
        %get3A_894 = arith.index_cast %scan3A_881 : i32 to index
        %get3A_895 = arith.constant 16 : index
        %get3A_896 = tpu.vector_load %arg13[%get3A_894, %get3A_895] {strides = array<i32>} : memref<128x144xf32, #tpu.memory_space<vmem>>, vector<16xf32>,
        %mul3A_897 = arith.mulf %get3A_896, %broadcast_in_dim3A_886 : vector<16xf32>
        %swap3A_898 = arith.index_cast %scan3A_881 : i32 to index
        %swap3A_899 = arith.constant 16 : index
        %swap3A_900 = tpu.vector_load %arg13[%swap3A_898, %swap3A_899] {strides = array<i32>} : memref<128x144xf32, #tpu.memory_space<vmem>>, vector<16xf32>,
        tpu.vector_store %arg13[%swap3A_898, %swap3A_899], %mul3A_897 {strides = array<i32>} : memref<128x144xf32, #tpu.memory_space<vmem>>, vector<16xf32>,
        %get3A_901 = arith.index_cast %scan3A_881 : i32 to index
        %get3A_902 = arith.constant 32 : index
        %get3A_903 = tpu.vector_load %arg13[%get3A_901, %get3A_902] {strides = array<i32>} : memref<128x144xf32, #tpu.memory_space<vmem>>, vector<16xf32>,
        %mul3A_904 = arith.mulf %get3A_903, %broadcast_in_dim3A_886 : vector<16xf32>
        %swap3A_905 = arith.index_cast %scan3A_881 : i32 to index
        %swap3A_906 = arith.constant 32 : index
        %swap3A_907 = tpu.vector_load %arg13[%swap3A_905, %swap3A_906] {strides = array<i32>} : memref<128x144xf32, #tpu.memory_space<vmem>>, vector<16xf32>,
        tpu.vector_store %arg13[%swap3A_905, %swap3A_906], %mul3A_904 {strides = array<i32>} : memref<128x144xf32, #tpu.memory_space<vmem>>, vector<16xf32>,
        %get3A_908 = arith.index_cast %scan3A_881 : i32 to index
        %get3A_909 = arith.constant 48 : index
        %get3A_910 = tpu.vector_load %arg13[%get3A_908, %get3A_909] {strides = array<i32>} : memref<128x144xf32, #tpu.memory_space<vmem>>, vector<16xf32>,
        %mul3A_911 = arith.mulf %get3A_910, %broadcast_in_dim3A_886 : vector<16xf32>
        %swap3A_912 = arith.index_cast %scan3A_881 : i32 to index
        %swap3A_913 = arith.constant 48 : index
        %swap3A_914 = tpu.vector_load %arg13[%swap3A_912, %swap3A_913] {strides = array<i32>} : memref<128x144xf32, #tpu.memory_space<vmem>>, vector<16xf32>,
        tpu.vector_store %arg13[%swap3A_912, %swap3A_913], %mul3A_911 {strides = array<i32>} : memref<128x144xf32, #tpu.memory_space<vmem>>, vector<16xf32>,
        %get3A_915 = arith.index_cast %scan3A_881 : i32 to index
        %get3A_916 = arith.constant 64 : index
        %get3A_917 = tpu.vector_load %arg13[%get3A_915, %get3A_916] {strides = array<i32>} : memref<128x144xf32, #tpu.memory_space<vmem>>, vector<16xf32>,
        %mul3A_918 = arith.mulf %get3A_917, %broadcast_in_dim3A_886 : vector<16xf32>
        %swap3A_919 = arith.index_cast %scan3A_881 : i32 to index
        %swap3A_920 = arith.constant 64 : index
        %swap3A_921 = tpu.vector_load %arg13[%swap3A_919, %swap3A_920] {strides = array<i32>} : memref<128x144xf32, #tpu.memory_space<vmem>>, vector<16xf32>,
        tpu.vector_store %arg13[%swap3A_919, %swap3A_920], %mul3A_918 {strides = array<i32>} : memref<128x144xf32, #tpu.memory_space<vmem>>, vector<16xf32>,
        %get3A_922 = arith.index_cast %scan3A_881 : i32 to index
        %get3A_923 = arith.constant 80 : index
        %get3A_924 = tpu.vector_load %arg13[%get3A_922, %get3A_923] {strides = array<i32>} : memref<128x144xf32, #tpu.memory_space<vmem>>, vector<16xf32>,
        %mul3A_925 = arith.mulf %get3A_924, %broadcast_in_dim3A_886 : vector<16xf32>
        %swap3A_926 = arith.index_cast %scan3A_881 : i32 to index
        %swap3A_927 = arith.constant 80 : index
        %swap3A_928 = tpu.vector_load %arg13[%swap3A_926, %swap3A_927] {strides = array<i32>} : memref<128x144xf32, #tpu.memory_space<vmem>>, vector<16xf32>,
        tpu.vector_store %arg13[%swap3A_926, %swap3A_927], %mul3A_925 {strides = array<i32>} : memref<128x144xf32, #tpu.memory_space<vmem>>, vector<16xf32>,
        %get3A_929 = arith.index_cast %scan3A_881 : i32 to index
        %get3A_930 = arith.constant 96 : index
        %get3A_931 = tpu.vector_load %arg13[%get3A_929, %get3A_930] {strides = array<i32>} : memref<128x144xf32, #tpu.memory_space<vmem>>, vector<16xf32>,
        %mul3A_932 = arith.mulf %get3A_931, %broadcast_in_dim3A_886 : vector<16xf32>
        %swap3A_933 = arith.index_cast %scan3A_881 : i32 to index
        %swap3A_934 = arith.constant 96 : index
        %swap3A_935 = tpu.vector_load %arg13[%swap3A_933, %swap3A_934] {strides = array<i32>} : memref<128x144xf32, #tpu.memory_space<vmem>>, vector<16xf32>,
        tpu.vector_store %arg13[%swap3A_933, %swap3A_934], %mul3A_932 {strides = array<i32>} : memref<128x144xf32, #tpu.memory_space<vmem>>, vector<16xf32>,
        %get3A_936 = arith.index_cast %scan3A_881 : i32 to index
        %get3A_937 = arith.constant 112 : index
        %get3A_938 = tpu.vector_load %arg13[%get3A_936, %get3A_937] {strides = array<i32>} : memref<128x144xf32, #tpu.memory_space<vmem>>, vector<16xf32>,
        %mul3A_939 = arith.mulf %get3A_938, %broadcast_in_dim3A_886 : vector<16xf32>
        %swap3A_940 = arith.index_cast %scan3A_881 : i32 to index
        %swap3A_941 = arith.constant 112 : index
        %swap3A_942 = tpu.vector_load %arg13[%swap3A_940, %swap3A_941] {strides = array<i32>} : memref<128x144xf32, #tpu.memory_space<vmem>>, vector<16xf32>,
        tpu.vector_store %arg13[%swap3A_940, %swap3A_941], %mul3A_939 {strides = array<i32>} : memref<128x144xf32, #tpu.memory_space<vmem>>, vector<16xf32>,
        %get3A_943 = arith.index_cast %scan3A_881 : i32 to index
        %get3A_944 = arith.constant 128 : index
        %get3A_945 = tpu.vector_load %arg13[%get3A_943, %get3A_944] {strides = array<i32>} : memref<128x144xf32, #tpu.memory_space<vmem>>, vector<16xf32>,
        %mul3A_946 = arith.mulf %get3A_945, %broadcast_in_dim3A_886 : vector<16xf32>
        %swap3A_947 = arith.index_cast %scan3A_881 : i32 to index
        %swap3A_948 = arith.constant 128 : index
        %swap3A_949 = tpu.vector_load %arg13[%swap3A_947, %swap3A_948] {strides = array<i32>} : memref<128x144xf32, #tpu.memory_space<vmem>>, vector<16xf32>,
        tpu.vector_store %arg13[%swap3A_947, %swap3A_948], %mul3A_946 {strides = array<i32>} : memref<128x144xf32, #tpu.memory_space<vmem>>, vector<16xf32>,
        %scan3A_950 = arith.constant 0 : i32
        %scan3A_951 = arith.constant 11 : i32
        %scan3A_952 = arith.addi %scan3A_172, %scan3A_951 : i32
        %get3A_953 = arith.index_cast %scan3A_952 : i32 to index
        %get3A_954 = tpu.vector_load %arg12[%get3A_953] {strides = array<i32>} : memref<144xf32, #tpu.memory_space<vmem>>, vector<16xf32>,
        %slice3A_955 = vector.extract_strided_slice %get3A_954 {offsets = [0], sizes = [1], strides = [1]} : vector<16xf32> to vector<1xf32>
        %squeeze3A_956 = vector.extract %slice3A_955[0] : f32 from vector<1xf32>
        %broadcast_in_dim3A_957 = vector.broadcast %squeeze3A_956 : f32 to vector<16xf32>
        %get3A_958 = arith.index_cast %scan3A_952 : i32 to index
        %get3A_959 = arith.constant 0 : index
        %get3A_960 = tpu.vector_load %arg13[%get3A_958, %get3A_959] {strides = array<i32>} : memref<128x144xf32, #tpu.memory_space<vmem>>, vector<16xf32>,
        %mul3A_961 = arith.mulf %get3A_960, %broadcast_in_dim3A_957 : vector<16xf32>
        %swap3A_962 = arith.index_cast %scan3A_952 : i32 to index
        %swap3A_963 = arith.constant 0 : index
        %swap3A_964 = tpu.vector_load %arg13[%swap3A_962, %swap3A_963] {strides = array<i32>} : memref<128x144xf32, #tpu.memory_space<vmem>>, vector<16xf32>,
        tpu.vector_store %arg13[%swap3A_962, %swap3A_963], %mul3A_961 {strides = array<i32>} : memref<128x144xf32, #tpu.memory_space<vmem>>, vector<16xf32>,
        %get3A_965 = arith.index_cast %scan3A_952 : i32 to index
        %get3A_966 = arith.constant 16 : index
        %get3A_967 = tpu.vector_load %arg13[%get3A_965, %get3A_966] {strides = array<i32>} : memref<128x144xf32, #tpu.memory_space<vmem>>, vector<16xf32>,
        %mul3A_968 = arith.mulf %get3A_967, %broadcast_in_dim3A_957 : vector<16xf32>
        %swap3A_969 = arith.index_cast %scan3A_952 : i32 to index
        %swap3A_970 = arith.constant 16 : index
        %swap3A_971 = tpu.vector_load %arg13[%swap3A_969, %swap3A_970] {strides = array<i32>} : memref<128x144xf32, #tpu.memory_space<vmem>>, vector<16xf32>,
        tpu.vector_store %arg13[%swap3A_969, %swap3A_970], %mul3A_968 {strides = array<i32>} : memref<128x144xf32, #tpu.memory_space<vmem>>, vector<16xf32>,
        %get3A_972 = arith.index_cast %scan3A_952 : i32 to index
        %get3A_973 = arith.constant 32 : index
        %get3A_974 = tpu.vector_load %arg13[%get3A_972, %get3A_973] {strides = array<i32>} : memref<128x144xf32, #tpu.memory_space<vmem>>, vector<16xf32>,
        %mul3A_975 = arith.mulf %get3A_974, %broadcast_in_dim3A_957 : vector<16xf32>
        %swap3A_976 = arith.index_cast %scan3A_952 : i32 to index
        %swap3A_977 = arith.constant 32 : index
        %swap3A_978 = tpu.vector_load %arg13[%swap3A_976, %swap3A_977] {strides = array<i32>} : memref<128x144xf32, #tpu.memory_space<vmem>>, vector<16xf32>,
        tpu.vector_store %arg13[%swap3A_976, %swap3A_977], %mul3A_975 {strides = array<i32>} : memref<128x144xf32, #tpu.memory_space<vmem>>, vector<16xf32>,
        %get3A_979 = arith.index_cast %scan3A_952 : i32 to index
        %get3A_980 = arith.constant 48 : index
        %get3A_981 = tpu.vector_load %arg13[%get3A_979, %get3A_980] {strides = array<i32>} : memref<128x144xf32, #tpu.memory_space<vmem>>, vector<16xf32>,
        %mul3A_982 = arith.mulf %get3A_981, %broadcast_in_dim3A_957 : vector<16xf32>
        %swap3A_983 = arith.index_cast %scan3A_952 : i32 to index
        %swap3A_984 = arith.constant 48 : index
        %swap3A_985 = tpu.vector_load %arg13[%swap3A_983, %swap3A_984] {strides = array<i32>} : memref<128x144xf32, #tpu.memory_space<vmem>>, vector<16xf32>,
        tpu.vector_store %arg13[%swap3A_983, %swap3A_984], %mul3A_982 {strides = array<i32>} : memref<128x144xf32, #tpu.memory_space<vmem>>, vector<16xf32>,
        %get3A_986 = arith.index_cast %scan3A_952 : i32 to index
        %get3A_987 = arith.constant 64 : index
        %get3A_988 = tpu.vector_load %arg13[%get3A_986, %get3A_987] {strides = array<i32>} : memref<128x144xf32, #tpu.memory_space<vmem>>, vector<16xf32>,
        %mul3A_989 = arith.mulf %get3A_988, %broadcast_in_dim3A_957 : vector<16xf32>
        %swap3A_990 = arith.index_cast %scan3A_952 : i32 to index
        %swap3A_991 = arith.constant 64 : index
        %swap3A_992 = tpu.vector_load %arg13[%swap3A_990, %swap3A_991] {strides = array<i32>} : memref<128x144xf32, #tpu.memory_space<vmem>>, vector<16xf32>,
        tpu.vector_store %arg13[%swap3A_990, %swap3A_991], %mul3A_989 {strides = array<i32>} : memref<128x144xf32, #tpu.memory_space<vmem>>, vector<16xf32>,
        %get3A_993 = arith.index_cast %scan3A_952 : i32 to index
        %get3A_994 = arith.constant 80 : index
        %get3A_995 = tpu.vector_load %arg13[%get3A_993, %get3A_994] {strides = array<i32>} : memref<128x144xf32, #tpu.memory_space<vmem>>, vector<16xf32>,
        %mul3A_996 = arith.mulf %get3A_995, %broadcast_in_dim3A_957 : vector<16xf32>
        %swap3A_997 = arith.index_cast %scan3A_952 : i32 to index
        %swap3A_998 = arith.constant 80 : index
        %swap3A_999 = tpu.vector_load %arg13[%swap3A_997, %swap3A_998] {strides = array<i32>} : memref<128x144xf32, #tpu.memory_space<vmem>>, vector<16xf32>,
        tpu.vector_store %arg13[%swap3A_997, %swap3A_998], %mul3A_996 {strides = array<i32>} : memref<128x144xf32, #tpu.memory_space<vmem>>, vector<16xf32>,
        %get3A_1000 = arith.index_cast %scan3A_952 : i32 to index
        %get3A_1001 = arith.constant 96 : index
        %get3A_1002 = tpu.vector_load %arg13[%get3A_1000, %get3A_1001] {strides = array<i32>} : memref<128x144xf32, #tpu.memory_space<vmem>>, vector<16xf32>,
        %mul3A_1003 = arith.mulf %get3A_1002, %broadcast_in_dim3A_957 : vector<16xf32>
        %swap3A_1004 = arith.index_cast %scan3A_952 : i32 to index
        %swap3A_1005 = arith.constant 96 : index
        %swap3A_1006 = tpu.vector_load %arg13[%swap3A_1004, %swap3A_1005] {strides = array<i32>} : memref<128x144xf32, #tpu.memory_space<vmem>>, vector<16xf32>,
        tpu.vector_store %arg13[%swap3A_1004, %swap3A_1005], %mul3A_1003 {strides = array<i32>} : memref<128x144xf32, #tpu.memory_space<vmem>>, vector<16xf32>,
        %get3A_1007 = arith.index_cast %scan3A_952 : i32 to index
        %get3A_1008 = arith.constant 112 : index
        %get3A_1009 = tpu.vector_load %arg13[%get3A_1007, %get3A_1008] {strides = array<i32>} : memref<128x144xf32, #tpu.memory_space<vmem>>, vector<16xf32>,
        %mul3A_1010 = arith.mulf %get3A_1009, %broadcast_in_dim3A_957 : vector<16xf32>
        %swap3A_1011 = arith.index_cast %scan3A_952 : i32 to index
        %swap3A_1012 = arith.constant 112 : index
        %swap3A_1013 = tpu.vector_load %arg13[%swap3A_1011, %swap3A_1012] {strides = array<i32>} : memref<128x144xf32, #tpu.memory_space<vmem>>, vector<16xf32>,
        tpu.vector_store %arg13[%swap3A_1011, %swap3A_1012], %mul3A_1010 {strides = array<i32>} : memref<128x144xf32, #tpu.memory_space<vmem>>, vector<16xf32>,
        %get3A_1014 = arith.index_cast %scan3A_952 : i32 to index
        %get3A_1015 = arith.constant 128 : index
        %get3A_1016 = tpu.vector_load %arg13[%get3A_1014, %get3A_1015] {strides = array<i32>} : memref<128x144xf32, #tpu.memory_space<vmem>>, vector<16xf32>,
        %mul3A_1017 = arith.mulf %get3A_1016, %broadcast_in_dim3A_957 : vector<16xf32>
        %swap3A_1018 = arith.index_cast %scan3A_952 : i32 to index
        %swap3A_1019 = arith.constant 128 : index
        %swap3A_1020 = tpu.vector_load %arg13[%swap3A_1018, %swap3A_1019] {strides = array<i32>} : memref<128x144xf32, #tpu.memory_space<vmem>>, vector<16xf32>,
        tpu.vector_store %arg13[%swap3A_1018, %swap3A_1019], %mul3A_1017 {strides = array<i32>} : memref<128x144xf32, #tpu.memory_space<vmem>>, vector<16xf32>,
        %scan3A_1021 = arith.constant 0 : i32
        %scan3A_1022 = arith.constant 12 : i32
        %scan3A_1023 = arith.addi %scan3A_172, %scan3A_1022 : i32
        %get3A_1024 = arith.index_cast %scan3A_1023 : i32 to index
        %get3A_1025 = tpu.vector_load %arg12[%get3A_1024] {strides = array<i32>} : memref<144xf32, #tpu.memory_space<vmem>>, vector<16xf32>,
        %slice3A_1026 = vector.extract_strided_slice %get3A_1025 {offsets = [0], sizes = [1], strides = [1]} : vector<16xf32> to vector<1xf32>
        %squeeze3A_1027 = vector.extract %slice3A_1026[0] : f32 from vector<1xf32>
        %broadcast_in_dim3A_1028 = vector.broadcast %squeeze3A_1027 : f32 to vector<16xf32>
        %get3A_1029 = arith.index_cast %scan3A_1023 : i32 to index
        %get3A_1030 = arith.constant 0 : index
        %get3A_1031 = tpu.vector_load %arg13[%get3A_1029, %get3A_1030] {strides = array<i32>} : memref<128x144xf32, #tpu.memory_space<vmem>>, vector<16xf32>,
        %mul3A_1032 = arith.mulf %get3A_1031, %broadcast_in_dim3A_1028 : vector<16xf32>
        %swap3A_1033 = arith.index_cast %scan3A_1023 : i32 to index
        %swap3A_1034 = arith.constant 0 : index
        %swap3A_1035 = tpu.vector_load %arg13[%swap3A_1033, %swap3A_1034] {strides = array<i32>} : memref<128x144xf32, #tpu.memory_space<vmem>>, vector<16xf32>,
        tpu.vector_store %arg13[%swap3A_1033, %swap3A_1034], %mul3A_1032 {strides = array<i32>} : memref<128x144xf32, #tpu.memory_space<vmem>>, vector<16xf32>,
        %get3A_1036 = arith.index_cast %scan3A_1023 : i32 to index
        %get3A_1037 = arith.constant 16 : index
        %get3A_1038 = tpu.vector_load %arg13[%get3A_1036, %get3A_1037] {strides = array<i32>} : memref<128x144xf32, #tpu.memory_space<vmem>>, vector<16xf32>,
        %mul3A_1039 = arith.mulf %get3A_1038, %broadcast_in_dim3A_1028 : vector<16xf32>
        %swap3A_1040 = arith.index_cast %scan3A_1023 : i32 to index
        %swap3A_1041 = arith.constant 16 : index
        %swap3A_1042 = tpu.vector_load %arg13[%swap3A_1040, %swap3A_1041] {strides = array<i32>} : memref<128x144xf32, #tpu.memory_space<vmem>>, vector<16xf32>,
        tpu.vector_store %arg13[%swap3A_1040, %swap3A_1041], %mul3A_1039 {strides = array<i32>} : memref<128x144xf32, #tpu.memory_space<vmem>>, vector<16xf32>,
        %get3A_1043 = arith.index_cast %scan3A_1023 : i32 to index
        %get3A_1044 = arith.constant 32 : index
        %get3A_1045 = tpu.vector_load %arg13[%get3A_1043, %get3A_1044] {strides = array<i32>} : memref<128x144xf32, #tpu.memory_space<vmem>>, vector<16xf32>,
        %mul3A_1046 = arith.mulf %get3A_1045, %broadcast_in_dim3A_1028 : vector<16xf32>
        %swap3A_1047 = arith.index_cast %scan3A_1023 : i32 to index
        %swap3A_1048 = arith.constant 32 : index
        %swap3A_1049 = tpu.vector_load %arg13[%swap3A_1047, %swap3A_1048] {strides = array<i32>} : memref<128x144xf32, #tpu.memory_space<vmem>>, vector<16xf32>,
        tpu.vector_store %arg13[%swap3A_1047, %swap3A_1048], %mul3A_1046 {strides = array<i32>} : memref<128x144xf32, #tpu.memory_space<vmem>>, vector<16xf32>,
        %get3A_1050 = arith.index_cast %scan3A_1023 : i32 to index
        %get3A_1051 = arith.constant 48 : index
        %get3A_1052 = tpu.vector_load %arg13[%get3A_1050, %get3A_1051] {strides = array<i32>} : memref<128x144xf32, #tpu.memory_space<vmem>>, vector<16xf32>,
        %mul3A_1053 = arith.mulf %get3A_1052, %broadcast_in_dim3A_1028 : vector<16xf32>
        %swap3A_1054 = arith.index_cast %scan3A_1023 : i32 to index
        %swap3A_1055 = arith.constant 48 : index
        %swap3A_1056 = tpu.vector_load %arg13[%swap3A_1054, %swap3A_1055] {strides = array<i32>} : memref<128x144xf32, #tpu.memory_space<vmem>>, vector<16xf32>,
        tpu.vector_store %arg13[%swap3A_1054, %swap3A_1055], %mul3A_1053 {strides = array<i32>} : memref<128x144xf32, #tpu.memory_space<vmem>>, vector<16xf32>,
        %get3A_1057 = arith.index_cast %scan3A_1023 : i32 to index
        %get3A_1058 = arith.constant 64 : index
        %get3A_1059 = tpu.vector_load %arg13[%get3A_1057, %get3A_1058] {strides = array<i32>} : memref<128x144xf32, #tpu.memory_space<vmem>>, vector<16xf32>,
        %mul3A_1060 = arith.mulf %get3A_1059, %broadcast_in_dim3A_1028 : vector<16xf32>
        %swap3A_1061 = arith.index_cast %scan3A_1023 : i32 to index
        %swap3A_1062 = arith.constant 64 : index
        %swap3A_1063 = tpu.vector_load %arg13[%swap3A_1061, %swap3A_1062] {strides = array<i32>} : memref<128x144xf32, #tpu.memory_space<vmem>>, vector<16xf32>,
        tpu.vector_store %arg13[%swap3A_1061, %swap3A_1062], %mul3A_1060 {strides = array<i32>} : memref<128x144xf32, #tpu.memory_space<vmem>>, vector<16xf32>,
        %get3A_1064 = arith.index_cast %scan3A_1023 : i32 to index
        %get3A_1065 = arith.constant 80 : index
        %get3A_1066 = tpu.vector_load %arg13[%get3A_1064, %get3A_1065] {strides = array<i32>} : memref<128x144xf32, #tpu.memory_space<vmem>>, vector<16xf32>,
        %mul3A_1067 = arith.mulf %get3A_1066, %broadcast_in_dim3A_1028 : vector<16xf32>
        %swap3A_1068 = arith.index_cast %scan3A_1023 : i32 to index
        %swap3A_1069 = arith.constant 80 : index
        %swap3A_1070 = tpu.vector_load %arg13[%swap3A_1068, %swap3A_1069] {strides = array<i32>} : memref<128x144xf32, #tpu.memory_space<vmem>>, vector<16xf32>,
        tpu.vector_store %arg13[%swap3A_1068, %swap3A_1069], %mul3A_1067 {strides = array<i32>} : memref<128x144xf32, #tpu.memory_space<vmem>>, vector<16xf32>,
        %get3A_1071 = arith.index_cast %scan3A_1023 : i32 to index
        %get3A_1072 = arith.constant 96 : index
        %get3A_1073 = tpu.vector_load %arg13[%get3A_1071, %get3A_1072] {strides = array<i32>} : memref<128x144xf32, #tpu.memory_space<vmem>>, vector<16xf32>,
        %mul3A_1074 = arith.mulf %get3A_1073, %broadcast_in_dim3A_1028 : vector<16xf32>
        %swap3A_1075 = arith.index_cast %scan3A_1023 : i32 to index
        %swap3A_1076 = arith.constant 96 : index
        %swap3A_1077 = tpu.vector_load %arg13[%swap3A_1075, %swap3A_1076] {strides = array<i32>} : memref<128x144xf32, #tpu.memory_space<vmem>>, vector<16xf32>,
        tpu.vector_store %arg13[%swap3A_1075, %swap3A_1076], %mul3A_1074 {strides = array<i32>} : memref<128x144xf32, #tpu.memory_space<vmem>>, vector<16xf32>,
        %get3A_1078 = arith.index_cast %scan3A_1023 : i32 to index
        %get3A_1079 = arith.constant 112 : index
        %get3A_1080 = tpu.vector_load %arg13[%get3A_1078, %get3A_1079] {strides = array<i32>} : memref<128x144xf32, #tpu.memory_space<vmem>>, vector<16xf32>,
        %mul3A_1081 = arith.mulf %get3A_1080, %broadcast_in_dim3A_1028 : vector<16xf32>
        %swap3A_1082 = arith.index_cast %scan3A_1023 : i32 to index
        %swap3A_1083 = arith.constant 112 : index
        %swap3A_1084 = tpu.vector_load %arg13[%swap3A_1082, %swap3A_1083] {strides = array<i32>} : memref<128x144xf32, #tpu.memory_space<vmem>>, vector<16xf32>,
        tpu.vector_store %arg13[%swap3A_1082, %swap3A_1083], %mul3A_1081 {strides = array<i32>} : memref<128x144xf32, #tpu.memory_space<vmem>>, vector<16xf32>,
        %get3A_1085 = arith.index_cast %scan3A_1023 : i32 to index
        %get3A_1086 = arith.constant 128 : index
        %get3A_1087 = tpu.vector_load %arg13[%get3A_1085, %get3A_1086] {strides = array<i32>} : memref<128x144xf32, #tpu.memory_space<vmem>>, vector<16xf32>,
        %mul3A_1088 = arith.mulf %get3A_1087, %broadcast_in_dim3A_1028 : vector<16xf32>
        %swap3A_1089 = arith.index_cast %scan3A_1023 : i32 to index
        %swap3A_1090 = arith.constant 128 : index
        %swap3A_1091 = tpu.vector_load %arg13[%swap3A_1089, %swap3A_1090] {strides = array<i32>} : memref<128x144xf32, #tpu.memory_space<vmem>>, vector<16xf32>,
        tpu.vector_store %arg13[%swap3A_1089, %swap3A_1090], %mul3A_1088 {strides = array<i32>} : memref<128x144xf32, #tpu.memory_space<vmem>>, vector<16xf32>,
        %scan3A_1092 = arith.constant 0 : i32
        %scan3A_1093 = arith.constant 13 : i32
        %scan3A_1094 = arith.addi %scan3A_172, %scan3A_1093 : i32
        %get3A_1095 = arith.index_cast %scan3A_1094 : i32 to index
        %get3A_1096 = tpu.vector_load %arg12[%get3A_1095] {strides = array<i32>} : memref<144xf32, #tpu.memory_space<vmem>>, vector<16xf32>,
        %slice3A_1097 = vector.extract_strided_slice %get3A_1096 {offsets = [0], sizes = [1], strides = [1]} : vector<16xf32> to vector<1xf32>
        %squeeze3A_1098 = vector.extract %slice3A_1097[0] : f32 from vector<1xf32>
        %broadcast_in_dim3A_1099 = vector.broadcast %squeeze3A_1098 : f32 to vector<16xf32>
        %get3A_1100 = arith.index_cast %scan3A_1094 : i32 to index
        %get3A_1101 = arith.constant 0 : index
        %get3A_1102 = tpu.vector_load %arg13[%get3A_1100, %get3A_1101] {strides = array<i32>} : memref<128x144xf32, #tpu.memory_space<vmem>>, vector<16xf32>,
        %mul3A_1103 = arith.mulf %get3A_1102, %broadcast_in_dim3A_1099 : vector<16xf32>
        %swap3A_1104 = arith.index_cast %scan3A_1094 : i32 to index
        %swap3A_1105 = arith.constant 0 : index
        %swap3A_1106 = tpu.vector_load %arg13[%swap3A_1104, %swap3A_1105] {strides = array<i32>} : memref<128x144xf32, #tpu.memory_space<vmem>>, vector<16xf32>,
        tpu.vector_store %arg13[%swap3A_1104, %swap3A_1105], %mul3A_1103 {strides = array<i32>} : memref<128x144xf32, #tpu.memory_space<vmem>>, vector<16xf32>,
        %get3A_1107 = arith.index_cast %scan3A_1094 : i32 to index
        %get3A_1108 = arith.constant 16 : index
        %get3A_1109 = tpu.vector_load %arg13[%get3A_1107, %get3A_1108] {strides = array<i32>} : memref<128x144xf32, #tpu.memory_space<vmem>>, vector<16xf32>,
        %mul3A_1110 = arith.mulf %get3A_1109, %broadcast_in_dim3A_1099 : vector<16xf32>
        %swap3A_1111 = arith.index_cast %scan3A_1094 : i32 to index
        %swap3A_1112 = arith.constant 16 : index
        %swap3A_1113 = tpu.vector_load %arg13[%swap3A_1111, %swap3A_1112] {strides = array<i32>} : memref<128x144xf32, #tpu.memory_space<vmem>>, vector<16xf32>,
        tpu.vector_store %arg13[%swap3A_1111, %swap3A_1112], %mul3A_1110 {strides = array<i32>} : memref<128x144xf32, #tpu.memory_space<vmem>>, vector<16xf32>,
        %get3A_1114 = arith.index_cast %scan3A_1094 : i32 to index
        %get3A_1115 = arith.constant 32 : index
        %get3A_1116 = tpu.vector_load %arg13[%get3A_1114, %get3A_1115] {strides = array<i32>} : memref<128x144xf32, #tpu.memory_space<vmem>>, vector<16xf32>,
        %mul3A_1117 = arith.mulf %get3A_1116, %broadcast_in_dim3A_1099 : vector<16xf32>
        %swap3A_1118 = arith.index_cast %scan3A_1094 : i32 to index
        %swap3A_1119 = arith.constant 32 : index
        %swap3A_1120 = tpu.vector_load %arg13[%swap3A_1118, %swap3A_1119] {strides = array<i32>} : memref<128x144xf32, #tpu.memory_space<vmem>>, vector<16xf32>,
        tpu.vector_store %arg13[%swap3A_1118, %swap3A_1119], %mul3A_1117 {strides = array<i32>} : memref<128x144xf32, #tpu.memory_space<vmem>>, vector<16xf32>,
        %get3A_1121 = arith.index_cast %scan3A_1094 : i32 to index
        %get3A_1122 = arith.constant 48 : index
        %get3A_1123 = tpu.vector_load %arg13[%get3A_1121, %get3A_1122] {strides = array<i32>} : memref<128x144xf32, #tpu.memory_space<vmem>>, vector<16xf32>,
        %mul3A_1124 = arith.mulf %get3A_1123, %broadcast_in_dim3A_1099 : vector<16xf32>
        %swap3A_1125 = arith.index_cast %scan3A_1094 : i32 to index
        %swap3A_1126 = arith.constant 48 : index
        %swap3A_1127 = tpu.vector_load %arg13[%swap3A_1125, %swap3A_1126] {strides = array<i32>} : memref<128x144xf32, #tpu.memory_space<vmem>>, vector<16xf32>,
        tpu.vector_store %arg13[%swap3A_1125, %swap3A_1126], %mul3A_1124 {strides = array<i32>} : memref<128x144xf32, #tpu.memory_space<vmem>>, vector<16xf32>,
        %get3A_1128 = arith.index_cast %scan3A_1094 : i32 to index
        %get3A_1129 = arith.constant 64 : index
        %get3A_1130 = tpu.vector_load %arg13[%get3A_1128, %get3A_1129] {strides = array<i32>} : memref<128x144xf32, #tpu.memory_space<vmem>>, vector<16xf32>,
        %mul3A_1131 = arith.mulf %get3A_1130, %broadcast_in_dim3A_1099 : vector<16xf32>
        %swap3A_1132 = arith.index_cast %scan3A_1094 : i32 to index
        %swap3A_1133 = arith.constant 64 : index
        %swap3A_1134 = tpu.vector_load %arg13[%swap3A_1132, %swap3A_1133] {strides = array<i32>} : memref<128x144xf32, #tpu.memory_space<vmem>>, vector<16xf32>,
        tpu.vector_store %arg13[%swap3A_1132, %swap3A_1133], %mul3A_1131 {strides = array<i32>} : memref<128x144xf32, #tpu.memory_space<vmem>>, vector<16xf32>,
        %get3A_1135 = arith.index_cast %scan3A_1094 : i32 to index
        %get3A_1136 = arith.constant 80 : index
        %get3A_1137 = tpu.vector_load %arg13[%get3A_1135, %get3A_1136] {strides = array<i32>} : memref<128x144xf32, #tpu.memory_space<vmem>>, vector<16xf32>,
        %mul3A_1138 = arith.mulf %get3A_1137, %broadcast_in_dim3A_1099 : vector<16xf32>
        %swap3A_1139 = arith.index_cast %scan3A_1094 : i32 to index
        %swap3A_1140 = arith.constant 80 : index
        %swap3A_1141 = tpu.vector_load %arg13[%swap3A_1139, %swap3A_1140] {strides = array<i32>} : memref<128x144xf32, #tpu.memory_space<vmem>>, vector<16xf32>,
        tpu.vector_store %arg13[%swap3A_1139, %swap3A_1140], %mul3A_1138 {strides = array<i32>} : memref<128x144xf32, #tpu.memory_space<vmem>>, vector<16xf32>,
        %get3A_1142 = arith.index_cast %scan3A_1094 : i32 to index
        %get3A_1143 = arith.constant 96 : index
        %get3A_1144 = tpu.vector_load %arg13[%get3A_1142, %get3A_1143] {strides = array<i32>} : memref<128x144xf32, #tpu.memory_space<vmem>>, vector<16xf32>,
        %mul3A_1145 = arith.mulf %get3A_1144, %broadcast_in_dim3A_1099 : vector<16xf32>
        %swap3A_1146 = arith.index_cast %scan3A_1094 : i32 to index
        %swap3A_1147 = arith.constant 96 : index
        %swap3A_1148 = tpu.vector_load %arg13[%swap3A_1146, %swap3A_1147] {strides = array<i32>} : memref<128x144xf32, #tpu.memory_space<vmem>>, vector<16xf32>,
        tpu.vector_store %arg13[%swap3A_1146, %swap3A_1147], %mul3A_1145 {strides = array<i32>} : memref<128x144xf32, #tpu.memory_space<vmem>>, vector<16xf32>,
        %get3A_1149 = arith.index_cast %scan3A_1094 : i32 to index
        %get3A_1150 = arith.constant 112 : index
        %get3A_1151 = tpu.vector_load %arg13[%get3A_1149, %get3A_1150] {strides = array<i32>} : memref<128x144xf32, #tpu.memory_space<vmem>>, vector<16xf32>,
        %mul3A_1152 = arith.mulf %get3A_1151, %broadcast_in_dim3A_1099 : vector<16xf32>
        %swap3A_1153 = arith.index_cast %scan3A_1094 : i32 to index
        %swap3A_1154 = arith.constant 112 : index
        %swap3A_1155 = tpu.vector_load %arg13[%swap3A_1153, %swap3A_1154] {strides = array<i32>} : memref<128x144xf32, #tpu.memory_space<vmem>>, vector<16xf32>,
        tpu.vector_store %arg13[%swap3A_1153, %swap3A_1154], %mul3A_1152 {strides = array<i32>} : memref<128x144xf32, #tpu.memory_space<vmem>>, vector<16xf32>,
        %get3A_1156 = arith.index_cast %scan3A_1094 : i32 to index
        %get3A_1157 = arith.constant 128 : index
        %get3A_1158 = tpu.vector_load %arg13[%get3A_1156, %get3A_1157] {strides = array<i32>} : memref<128x144xf32, #tpu.memory_space<vmem>>, vector<16xf32>,
        %mul3A_1159 = arith.mulf %get3A_1158, %broadcast_in_dim3A_1099 : vector<16xf32>
        %swap3A_1160 = arith.index_cast %scan3A_1094 : i32 to index
        %swap3A_1161 = arith.constant 128 : index
        %swap3A_1162 = tpu.vector_load %arg13[%swap3A_1160, %swap3A_1161] {strides = array<i32>} : memref<128x144xf32, #tpu.memory_space<vmem>>, vector<16xf32>,
        tpu.vector_store %arg13[%swap3A_1160, %swap3A_1161], %mul3A_1159 {strides = array<i32>} : memref<128x144xf32, #tpu.memory_space<vmem>>, vector<16xf32>,
        %scan3A_1163 = arith.constant 0 : i32
        %scan3A_1164 = arith.constant 14 : i32
        %scan3A_1165 = arith.addi %scan3A_172, %scan3A_1164 : i32
        %get3A_1166 = arith.index_cast %scan3A_1165 : i32 to index
        %get3A_1167 = tpu.vector_load %arg12[%get3A_1166] {strides = array<i32>} : memref<144xf32, #tpu.memory_space<vmem>>, vector<16xf32>,
        %slice3A_1168 = vector.extract_strided_slice %get3A_1167 {offsets = [0], sizes = [1], strides = [1]} : vector<16xf32> to vector<1xf32>
        %squeeze3A_1169 = vector.extract %slice3A_1168[0] : f32 from vector<1xf32>
        %broadcast_in_dim3A_1170 = vector.broadcast %squeeze3A_1169 : f32 to vector<16xf32>
        %get3A_1171 = arith.index_cast %scan3A_1165 : i32 to index
        %get3A_1172 = arith.constant 0 : index
        %get3A_1173 = tpu.vector_load %arg13[%get3A_1171, %get3A_1172] {strides = array<i32>} : memref<128x144xf32, #tpu.memory_space<vmem>>, vector<16xf32>,
        %mul3A_1174 = arith.mulf %get3A_1173, %broadcast_in_dim3A_1170 : vector<16xf32>
        %swap3A_1175 = arith.index_cast %scan3A_1165 : i32 to index
        %swap3A_1176 = arith.constant 0 : index
        %swap3A_1177 = tpu.vector_load %arg13[%swap3A_1175, %swap3A_1176] {strides = array<i32>} : memref<128x144xf32, #tpu.memory_space<vmem>>, vector<16xf32>,
        tpu.vector_store %arg13[%swap3A_1175, %swap3A_1176], %mul3A_1174 {strides = array<i32>} : memref<128x144xf32, #tpu.memory_space<vmem>>, vector<16xf32>,
        %get3A_1178 = arith.index_cast %scan3A_1165 : i32 to index
        %get3A_1179 = arith.constant 16 : index
        %get3A_1180 = tpu.vector_load %arg13[%get3A_1178, %get3A_1179] {strides = array<i32>} : memref<128x144xf32, #tpu.memory_space<vmem>>, vector<16xf32>,
        %mul3A_1181 = arith.mulf %get3A_1180, %broadcast_in_dim3A_1170 : vector<16xf32>
        %swap3A_1182 = arith.index_cast %scan3A_1165 : i32 to index
        %swap3A_1183 = arith.constant 16 : index
        %swap3A_1184 = tpu.vector_load %arg13[%swap3A_1182, %swap3A_1183] {strides = array<i32>} : memref<128x144xf32, #tpu.memory_space<vmem>>, vector<16xf32>,
        tpu.vector_store %arg13[%swap3A_1182, %swap3A_1183], %mul3A_1181 {strides = array<i32>} : memref<128x144xf32, #tpu.memory_space<vmem>>, vector<16xf32>,
        %get3A_1185 = arith.index_cast %scan3A_1165 : i32 to index
        %get3A_1186 = arith.constant 32 : index
        %get3A_1187 = tpu.vector_load %arg13[%get3A_1185, %get3A_1186] {strides = array<i32>} : memref<128x144xf32, #tpu.memory_space<vmem>>, vector<16xf32>,
        %mul3A_1188 = arith.mulf %get3A_1187, %broadcast_in_dim3A_1170 : vector<16xf32>
        %swap3A_1189 = arith.index_cast %scan3A_1165 : i32 to index
        %swap3A_1190 = arith.constant 32 : index
        %swap3A_1191 = tpu.vector_load %arg13[%swap3A_1189, %swap3A_1190] {strides = array<i32>} : memref<128x144xf32, #tpu.memory_space<vmem>>, vector<16xf32>,
        tpu.vector_store %arg13[%swap3A_1189, %swap3A_1190], %mul3A_1188 {strides = array<i32>} : memref<128x144xf32, #tpu.memory_space<vmem>>, vector<16xf32>,
        %get3A_1192 = arith.index_cast %scan3A_1165 : i32 to index
        %get3A_1193 = arith.constant 48 : index
        %get3A_1194 = tpu.vector_load %arg13[%get3A_1192, %get3A_1193] {strides = array<i32>} : memref<128x144xf32, #tpu.memory_space<vmem>>, vector<16xf32>,
        %mul3A_1195 = arith.mulf %get3A_1194, %broadcast_in_dim3A_1170 : vector<16xf32>
        %swap3A_1196 = arith.index_cast %scan3A_1165 : i32 to index
        %swap3A_1197 = arith.constant 48 : index
        %swap3A_1198 = tpu.vector_load %arg13[%swap3A_1196, %swap3A_1197] {strides = array<i32>} : memref<128x144xf32, #tpu.memory_space<vmem>>, vector<16xf32>,
        tpu.vector_store %arg13[%swap3A_1196, %swap3A_1197], %mul3A_1195 {strides = array<i32>} : memref<128x144xf32, #tpu.memory_space<vmem>>, vector<16xf32>,
        %get3A_1199 = arith.index_cast %scan3A_1165 : i32 to index
        %get3A_1200 = arith.constant 64 : index
        %get3A_1201 = tpu.vector_load %arg13[%get3A_1199, %get3A_1200] {strides = array<i32>} : memref<128x144xf32, #tpu.memory_space<vmem>>, vector<16xf32>,
        %mul3A_1202 = arith.mulf %get3A_1201, %broadcast_in_dim3A_1170 : vector<16xf32>
        %swap3A_1203 = arith.index_cast %scan3A_1165 : i32 to index
        %swap3A_1204 = arith.constant 64 : index
        %swap3A_1205 = tpu.vector_load %arg13[%swap3A_1203, %swap3A_1204] {strides = array<i32>} : memref<128x144xf32, #tpu.memory_space<vmem>>, vector<16xf32>,
        tpu.vector_store %arg13[%swap3A_1203, %swap3A_1204], %mul3A_1202 {strides = array<i32>} : memref<128x144xf32, #tpu.memory_space<vmem>>, vector<16xf32>,
        %get3A_1206 = arith.index_cast %scan3A_1165 : i32 to index
        %get3A_1207 = arith.constant 80 : index
        %get3A_1208 = tpu.vector_load %arg13[%get3A_1206, %get3A_1207] {strides = array<i32>} : memref<128x144xf32, #tpu.memory_space<vmem>>, vector<16xf32>,
        %mul3A_1209 = arith.mulf %get3A_1208, %broadcast_in_dim3A_1170 : vector<16xf32>
        %swap3A_1210 = arith.index_cast %scan3A_1165 : i32 to index
        %swap3A_1211 = arith.constant 80 : index
        %swap3A_1212 = tpu.vector_load %arg13[%swap3A_1210, %swap3A_1211] {strides = array<i32>} : memref<128x144xf32, #tpu.memory_space<vmem>>, vector<16xf32>,
        tpu.vector_store %arg13[%swap3A_1210, %swap3A_1211], %mul3A_1209 {strides = array<i32>} : memref<128x144xf32, #tpu.memory_space<vmem>>, vector<16xf32>,
        %get3A_1213 = arith.index_cast %scan3A_1165 : i32 to index
        %get3A_1214 = arith.constant 96 : index
        %get3A_1215 = tpu.vector_load %arg13[%get3A_1213, %get3A_1214] {strides = array<i32>} : memref<128x144xf32, #tpu.memory_space<vmem>>, vector<16xf32>,
        %mul3A_1216 = arith.mulf %get3A_1215, %broadcast_in_dim3A_1170 : vector<16xf32>
        %swap3A_1217 = arith.index_cast %scan3A_1165 : i32 to index
        %swap3A_1218 = arith.constant 96 : index
        %swap3A_1219 = tpu.vector_load %arg13[%swap3A_1217, %swap3A_1218] {strides = array<i32>} : memref<128x144xf32, #tpu.memory_space<vmem>>, vector<16xf32>,
        tpu.vector_store %arg13[%swap3A_1217, %swap3A_1218], %mul3A_1216 {strides = array<i32>} : memref<128x144xf32, #tpu.memory_space<vmem>>, vector<16xf32>,
        %get3A_1220 = arith.index_cast %scan3A_1165 : i32 to index
        %get3A_1221 = arith.constant 112 : index
        %get3A_1222 = tpu.vector_load %arg13[%get3A_1220, %get3A_1221] {strides = array<i32>} : memref<128x144xf32, #tpu.memory_space<vmem>>, vector<16xf32>,
        %mul3A_1223 = arith.mulf %get3A_1222, %broadcast_in_dim3A_1170 : vector<16xf32>
        %swap3A_1224 = arith.index_cast %scan3A_1165 : i32 to index
        %swap3A_1225 = arith.constant 112 : index
        %swap3A_1226 = tpu.vector_load %arg13[%swap3A_1224, %swap3A_1225] {strides = array<i32>} : memref<128x144xf32, #tpu.memory_space<vmem>>, vector<16xf32>,
        tpu.vector_store %arg13[%swap3A_1224, %swap3A_1225], %mul3A_1223 {strides = array<i32>} : memref<128x144xf32, #tpu.memory_space<vmem>>, vector<16xf32>,
        %get3A_1227 = arith.index_cast %scan3A_1165 : i32 to index
        %get3A_1228 = arith.constant 128 : index
        %get3A_1229 = tpu.vector_load %arg13[%get3A_1227, %get3A_1228] {strides = array<i32>} : memref<128x144xf32, #tpu.memory_space<vmem>>, vector<16xf32>,
        %mul3A_1230 = arith.mulf %get3A_1229, %broadcast_in_dim3A_1170 : vector<16xf32>
        %swap3A_1231 = arith.index_cast %scan3A_1165 : i32 to index
        %swap3A_1232 = arith.constant 128 : index
        %swap3A_1233 = tpu.vector_load %arg13[%swap3A_1231, %swap3A_1232] {strides = array<i32>} : memref<128x144xf32, #tpu.memory_space<vmem>>, vector<16xf32>,
        tpu.vector_store %arg13[%swap3A_1231, %swap3A_1232], %mul3A_1230 {strides = array<i32>} : memref<128x144xf32, #tpu.memory_space<vmem>>, vector<16xf32>,
        %scan3A_1234 = arith.constant 0 : i32
        %scan3A_1235 = arith.constant 15 : i32
        %scan3A_1236 = arith.addi %scan3A_172, %scan3A_1235 : i32
        %get3A_1237 = arith.index_cast %scan3A_1236 : i32 to index
        %get3A_1238 = tpu.vector_load %arg12[%get3A_1237] {strides = array<i32>} : memref<144xf32, #tpu.memory_space<vmem>>, vector<16xf32>,
        %slice3A_1239 = vector.extract_strided_slice %get3A_1238 {offsets = [0], sizes = [1], strides = [1]} : vector<16xf32> to vector<1xf32>
        %squeeze3A_1240 = vector.extract %slice3A_1239[0] : f32 from vector<1xf32>
        %broadcast_in_dim3A_1241 = vector.broadcast %squeeze3A_1240 : f32 to vector<16xf32>
        %get3A_1242 = arith.index_cast %scan3A_1236 : i32 to index
        %get3A_1243 = arith.constant 0 : index
        %get3A_1244 = tpu.vector_load %arg13[%get3A_1242, %get3A_1243] {strides = array<i32>} : memref<128x144xf32, #tpu.memory_space<vmem>>, vector<16xf32>,
        %mul3A_1245 = arith.mulf %get3A_1244, %broadcast_in_dim3A_1241 : vector<16xf32>
        %swap3A_1246 = arith.index_cast %scan3A_1236 : i32 to index
        %swap3A_1247 = arith.constant 0 : index
        %swap3A_1248 = tpu.vector_load %arg13[%swap3A_1246, %swap3A_1247] {strides = array<i32>} : memref<128x144xf32, #tpu.memory_space<vmem>>, vector<16xf32>,
        tpu.vector_store %arg13[%swap3A_1246, %swap3A_1247], %mul3A_1245 {strides = array<i32>} : memref<128x144xf32, #tpu.memory_space<vmem>>, vector<16xf32>,
        %get3A_1249 = arith.index_cast %scan3A_1236 : i32 to index
        %get3A_1250 = arith.constant 16 : index
        %get3A_1251 = tpu.vector_load %arg13[%get3A_1249, %get3A_1250] {strides = array<i32>} : memref<128x144xf32, #tpu.memory_space<vmem>>, vector<16xf32>,
        %mul3A_1252 = arith.mulf %get3A_1251, %broadcast_in_dim3A_1241 : vector<16xf32>
        %swap3A_1253 = arith.index_cast %scan3A_1236 : i32 to index
        %swap3A_1254 = arith.constant 16 : index
        %swap3A_1255 = tpu.vector_load %arg13[%swap3A_1253, %swap3A_1254] {strides = array<i32>} : memref<128x144xf32, #tpu.memory_space<vmem>>, vector<16xf32>,
        tpu.vector_store %arg13[%swap3A_1253, %swap3A_1254], %mul3A_1252 {strides = array<i32>} : memref<128x144xf32, #tpu.memory_space<vmem>>, vector<16xf32>,
        %get3A_1256 = arith.index_cast %scan3A_1236 : i32 to index
        %get3A_1257 = arith.constant 32 : index
        %get3A_1258 = tpu.vector_load %arg13[%get3A_1256, %get3A_1257] {strides = array<i32>} : memref<128x144xf32, #tpu.memory_space<vmem>>, vector<16xf32>,
        %mul3A_1259 = arith.mulf %get3A_1258, %broadcast_in_dim3A_1241 : vector<16xf32>
        %swap3A_1260 = arith.index_cast %scan3A_1236 : i32 to index
        %swap3A_1261 = arith.constant 32 : index
        %swap3A_1262 = tpu.vector_load %arg13[%swap3A_1260, %swap3A_1261] {strides = array<i32>} : memref<128x144xf32, #tpu.memory_space<vmem>>, vector<16xf32>,
        tpu.vector_store %arg13[%swap3A_1260, %swap3A_1261], %mul3A_1259 {strides = array<i32>} : memref<128x144xf32, #tpu.memory_space<vmem>>, vector<16xf32>,
        %get3A_1263 = arith.index_cast %scan3A_1236 : i32 to index
        %get3A_1264 = arith.constant 48 : index
        %get3A_1265 = tpu.vector_load %arg13[%get3A_1263, %get3A_1264] {strides = array<i32>} : memref<128x144xf32, #tpu.memory_space<vmem>>, vector<16xf32>,
        %mul3A_1266 = arith.mulf %get3A_1265, %broadcast_in_dim3A_1241 : vector<16xf32>
        %swap3A_1267 = arith.index_cast %scan3A_1236 : i32 to index
        %swap3A_1268 = arith.constant 48 : index
        %swap3A_1269 = tpu.vector_load %arg13[%swap3A_1267, %swap3A_1268] {strides = array<i32>} : memref<128x144xf32, #tpu.memory_space<vmem>>, vector<16xf32>,
        tpu.vector_store %arg13[%swap3A_1267, %swap3A_1268], %mul3A_1266 {strides = array<i32>} : memref<128x144xf32, #tpu.memory_space<vmem>>, vector<16xf32>,
        %get3A_1270 = arith.index_cast %scan3A_1236 : i32 to index
        %get3A_1271 = arith.constant 64 : index
        %get3A_1272 = tpu.vector_load %arg13[%get3A_1270, %get3A_1271] {strides = array<i32>} : memref<128x144xf32, #tpu.memory_space<vmem>>, vector<16xf32>,
        %mul3A_1273 = arith.mulf %get3A_1272, %broadcast_in_dim3A_1241 : vector<16xf32>
        %swap3A_1274 = arith.index_cast %scan3A_1236 : i32 to index
        %swap3A_1275 = arith.constant 64 : index
        %swap3A_1276 = tpu.vector_load %arg13[%swap3A_1274, %swap3A_1275] {strides = array<i32>} : memref<128x144xf32, #tpu.memory_space<vmem>>, vector<16xf32>,
        tpu.vector_store %arg13[%swap3A_1274, %swap3A_1275], %mul3A_1273 {strides = array<i32>} : memref<128x144xf32, #tpu.memory_space<vmem>>, vector<16xf32>,
        %get3A_1277 = arith.index_cast %scan3A_1236 : i32 to index
        %get3A_1278 = arith.constant 80 : index
        %get3A_1279 = tpu.vector_load %arg13[%get3A_1277, %get3A_1278] {strides = array<i32>} : memref<128x144xf32, #tpu.memory_space<vmem>>, vector<16xf32>,
        %mul3A_1280 = arith.mulf %get3A_1279, %broadcast_in_dim3A_1241 : vector<16xf32>
        %swap3A_1281 = arith.index_cast %scan3A_1236 : i32 to index
        %swap3A_1282 = arith.constant 80 : index
        %swap3A_1283 = tpu.vector_load %arg13[%swap3A_1281, %swap3A_1282] {strides = array<i32>} : memref<128x144xf32, #tpu.memory_space<vmem>>, vector<16xf32>,
        tpu.vector_store %arg13[%swap3A_1281, %swap3A_1282], %mul3A_1280 {strides = array<i32>} : memref<128x144xf32, #tpu.memory_space<vmem>>, vector<16xf32>,
        %get3A_1284 = arith.index_cast %scan3A_1236 : i32 to index
        %get3A_1285 = arith.constant 96 : index
        %get3A_1286 = tpu.vector_load %arg13[%get3A_1284, %get3A_1285] {strides = array<i32>} : memref<128x144xf32, #tpu.memory_space<vmem>>, vector<16xf32>,
        %mul3A_1287 = arith.mulf %get3A_1286, %broadcast_in_dim3A_1241 : vector<16xf32>
        %swap3A_1288 = arith.index_cast %scan3A_1236 : i32 to index
        %swap3A_1289 = arith.constant 96 : index
        %swap3A_1290 = tpu.vector_load %arg13[%swap3A_1288, %swap3A_1289] {strides = array<i32>} : memref<128x144xf32, #tpu.memory_space<vmem>>, vector<16xf32>,
        tpu.vector_store %arg13[%swap3A_1288, %swap3A_1289], %mul3A_1287 {strides = array<i32>} : memref<128x144xf32, #tpu.memory_space<vmem>>, vector<16xf32>,
        %get3A_1291 = arith.index_cast %scan3A_1236 : i32 to index
        %get3A_1292 = arith.constant 112 : index
        %get3A_1293 = tpu.vector_load %arg13[%get3A_1291, %get3A_1292] {strides = array<i32>} : memref<128x144xf32, #tpu.memory_space<vmem>>, vector<16xf32>,
        %mul3A_1294 = arith.mulf %get3A_1293, %broadcast_in_dim3A_1241 : vector<16xf32>
        %swap3A_1295 = arith.index_cast %scan3A_1236 : i32 to index
        %swap3A_1296 = arith.constant 112 : index
        %swap3A_1297 = tpu.vector_load %arg13[%swap3A_1295, %swap3A_1296] {strides = array<i32>} : memref<128x144xf32, #tpu.memory_space<vmem>>, vector<16xf32>,
        tpu.vector_store %arg13[%swap3A_1295, %swap3A_1296], %mul3A_1294 {strides = array<i32>} : memref<128x144xf32, #tpu.memory_space<vmem>>, vector<16xf32>,
        %get3A_1298 = arith.index_cast %scan3A_1236 : i32 to index
        %get3A_1299 = arith.constant 128 : index
        %get3A_1300 = tpu.vector_load %arg13[%get3A_1298, %get3A_1299] {strides = array<i32>} : memref<128x144xf32, #tpu.memory_space<vmem>>, vector<16xf32>,
        %mul3A_1301 = arith.mulf %get3A_1300, %broadcast_in_dim3A_1241 : vector<16xf32>
        %swap3A_1302 = arith.index_cast %scan3A_1236 : i32 to index
        %swap3A_1303 = arith.constant 128 : index
        %swap3A_1304 = tpu.vector_load %arg13[%swap3A_1302, %swap3A_1303] {strides = array<i32>} : memref<128x144xf32, #tpu.memory_space<vmem>>, vector<16xf32>,
        tpu.vector_store %arg13[%swap3A_1302, %swap3A_1303], %mul3A_1301 {strides = array<i32>} : memref<128x144xf32, #tpu.memory_space<vmem>>, vector<16xf32>,
        %scan3A_1305 = arith.constant 0 : i32
        scf.yield %scan3A_1305 : i32
      }
      %scan3A_170 = arith.constant 128 : i32
      "tpu.region"() ({
        %run_scoped3A = tpu.sem_alloc : memref<!tpu.dma_semaphore, #tpu.memory_space<semaphore_mem>>
        %dma_start3A_172 = arith.constant 0 : i32
        %dma_start3A_173 = arith.constant 0 : i32
        %dma_start3A_174 = tpu.memref_slice %arg14[%dma_start3A_172, %dma_start3A_173] : memref<10016x144xf32, #tpu.memory_space<vmem_shared>> -> memref<10016x144xf32, #tpu.memory_space<vmem_shared>>
        tpu.enqueue_indirect_dma source(%arg13 : memref<128x144xf32, #tpu.memory_space<vmem>>) target(%dma_start3A_174 : memref<10016x144xf32, #tpu.memory_space<vmem_shared>>) offsets(%arg11 : memref<128xi32, #tpu.memory_space<vmem>>) semaphore(%run_scoped3A : memref<!tpu.dma_semaphore, #tpu.memory_space<semaphore_mem>>) {add = true}
        %dma_wait3A_175 = arith.constant 0 : i32
        %dma_wait3A_176 = arith.constant 0 : i32
        %dma_wait3A_177 = tpu.memref_slice %arg14[%dma_wait3A_175, %dma_wait3A_176] : memref<10016x144xf32, #tpu.memory_space<vmem_shared>> -> memref<10016x144xf32, #tpu.memory_space<vmem_shared>>
        tpu.wait_indirect_dma semaphore(%run_scoped3A : memref<!tpu.dma_semaphore, #tpu.memory_space<semaphore_mem>>) src(%arg13 : memref<128x144xf32, #tpu.memory_space<vmem>>) dst(%dma_wait3A_177 : memref<10016x144xf32, #tpu.memory_space<vmem_shared>>)
        tpu.yield
      }) : () -> ()
      %scan3A_171 = arith.constant 0 : i32
      scf.yield %scan3A_171 : i32
    }
    %scan3A_26 = arith.constant 81 : i32
    %barrier3A_27 = arith.constant 0 : index
    tpu.barrier barrier_id(%barrier3A_27)
    "tpu.region"() ({
      %run_scoped3A = tpu.sem_alloc : memref<!tpu.dma_semaphore, #tpu.memory_space<semaphore_mem>>
      %dma_start3A = arith.constant 0 : i32
      %dma_start3A_28 = arith.constant 0 : i32
      %dma_start3A_29 = tpu.memref_slice %arg7[%arg0, %dma_start3A, %dma_start3A_28] : memref<2x10240x144xf32, #tpu.memory_space<hbm>> -> memref<1x10240x144xf32, #tpu.memory_space<hbm>>
      %dma_start3A_30 = tpu.memref_squeeze %dma_start3A_29 : memref<1x10240x144xf32, #tpu.memory_space<hbm>> -> memref<10240x144xf32, #tpu.memory_space<hbm>>
      %dma_start3A_31 = arith.constant 0 : i32
      %dma_start3A_32 = tpu.memref_slice %dma_start3A_30[%mul3A_9, %dma_start3A_31] : memref<10240x144xf32, #tpu.memory_space<hbm>> -> memref<626x144xf32, #tpu.memory_space<hbm>>
      %dma_start3A_33 = arith.constant 0 : i32
      %dma_start3A_34 = tpu.memref_slice %arg14[%mul3A_9, %dma_start3A_33] : memref<10016x144xf32, #tpu.memory_space<vmem_shared>> -> memref<626x144xf32, #tpu.memory_space<vmem_shared>>
      tpu.enqueue_dma source(%dma_start3A_34 : memref<626x144xf32, #tpu.memory_space<vmem_shared>>) target(%dma_start3A_32 : memref<626x144xf32, #tpu.memory_space<hbm>>) target_semaphore(%run_scoped3A : memref<!tpu.dma_semaphore, #tpu.memory_space<semaphore_mem>>)
      %dma_wait3A = arith.constant 0 : i32
      %dma_wait3A_35 = arith.constant 0 : i32
      %dma_wait3A_36 = tpu.memref_slice %arg7[%arg0, %dma_wait3A, %dma_wait3A_35] : memref<2x10240x144xf32, #tpu.memory_space<hbm>> -> memref<1x10240x144xf32, #tpu.memory_space<hbm>>
      %dma_wait3A_37 = tpu.memref_squeeze %dma_wait3A_36 : memref<1x10240x144xf32, #tpu.memory_space<hbm>> -> memref<10240x144xf32, #tpu.memory_space<hbm>>
      %dma_wait3A_38 = arith.constant 0 : i32
      %dma_wait3A_39 = tpu.memref_slice %dma_wait3A_37[%mul3A_9, %dma_wait3A_38] : memref<10240x144xf32, #tpu.memory_space<hbm>> -> memref<626x144xf32, #tpu.memory_space<hbm>>
      %dma_wait3A_40 = arith.constant 0 : i32
      %dma_wait3A_41 = tpu.memref_slice %arg14[%mul3A_9, %dma_wait3A_40] : memref<10016x144xf32, #tpu.memory_space<vmem_shared>> -> memref<626x144xf32, #tpu.memory_space<vmem_shared>>
      tpu.wait_dma2 semaphore(%run_scoped3A : memref<!tpu.dma_semaphore, #tpu.memory_space<semaphore_mem>>) src(%dma_wait3A_41 : memref<626x144xf32, #tpu.memory_space<vmem_shared>>) dst(%dma_wait3A_39 : memref<626x144xf32, #tpu.memory_space<hbm>>)
      tpu.yield
    }) : () -> ()
    return
  }
}

module attributes {stable_mosaic.version = 14 : i64} {
  func.func @_head_body(%arg0: i32, %arg1: memref<1024x128xf32, #tpu.memory_space<vmem>>, %arg2: memref<128x128xf32, #tpu.memory_space<vmem>>, %arg3: memref<1x128xf32, #tpu.memory_space<vmem>>, %arg4: memref<1x128xf32, #tpu.memory_space<vmem>>, %arg5: memref<1024x144xf32, #tpu.memory_space<vmem>>, %arg6: memref<8x128xf32, #tpu.memory_space<vmem>>, %arg7: memref<8x128xf32, #tpu.memory_space<vmem>>) attributes {dimension_semantics = [#tpu.dimension_semantics<arbitrary>], iteration_bounds = array<i64: 10>, scalar_prefetch = 0 : i64, scratch_operands = 0 : i64, tpu.core_type = #tpu.core_type<tc>, window_params = [{transform_indices = @transform_0, window_bounds = array<i64: 1024, 128>}, {pipeline_mode = #tpu.pipeline_mode<synchronous>, transform_indices = @transform_1, window_bounds = array<i64: 128, 128>}, {pipeline_mode = #tpu.pipeline_mode<synchronous>, transform_indices = @transform_2, window_bounds = array<i64: 1, 128>}, {pipeline_mode = #tpu.pipeline_mode<synchronous>, transform_indices = @transform_3, window_bounds = array<i64: 1, 128>}, {transform_indices = @transform_4, window_bounds = array<i64: 1024, 144>}, {transform_indices = @transform_5, window_bounds = array<i64: 8, 128>}, {transform_indices = @transform_6, window_bounds = array<i64: 8, 128>}]} {
    %get3A = arith.constant 0 : index
    %get3A_0 = arith.constant 0 : index
    %get3A_1 = vector.load %arg1[%get3A, %get3A_0] : memref<1024x128xf32, #tpu.memory_space<vmem>>, vector<1024x128xf32>
    %get3A_2 = arith.constant 0 : index
    %get3A_3 = arith.constant 0 : index
    %get3A_4 = vector.load %arg2[%get3A_2, %get3A_3] : memref<128x128xf32, #tpu.memory_space<vmem>>, vector<128x128xf32>
    %dot_general3A = arith.constant dense<0.000000e+00> : vector<1024x128xf32>
    %dot_general3A_5 = tpu.matmul %get3A_1, %get3A_4, %dot_general3A {dimension_numbers = #tpu.dot_dimension_numbers<[1], [0], [0], [1], [0, 0, 1, 1], [], []>, transpose_lhs_hint = false} : vector<1024x128xf32>, vector<128x128xf32>, vector<1024x128xf32> -> vector<1024x128xf32>
    %iota3A = tpu.iota {dimensions = array<i32: 1>} : vector<1024x16xi32>
    %eq3A = arith.constant 0 : i32
    %eq3A_6 = vector.broadcast %eq3A : i32 to vector<1024x16xi32>
    %eq3A_7 = arith.cmpi eq, %iota3A, %eq3A_6 : vector<1024x16xi32>
    %convert_element_type3A = arith.extui %eq3A_7 : vector<1024x16xi1> to vector<1024x16xi32>
    %convert_element_type3A_8 = arith.sitofp %convert_element_type3A : vector<1024x16xi32> to vector<1024x16xf32>
    %concatenate3A = tpu.concatenate %dot_general3A_5, %convert_element_type3A_8 in 1 : vector<1024x128xf32>, vector<1024x16xf32> -> vector<1024x144xf32>
    %swap3A = arith.constant 0 : index
    %swap3A_9 = arith.constant 0 : index
    %swap3A_10 = vector.load %arg5[%swap3A, %swap3A_9] : memref<1024x144xf32, #tpu.memory_space<vmem>>, vector<1024x144xf32>
    tpu.vector_store %arg5[%swap3A, %swap3A_9], %concatenate3A {strides = array<i32>} : memref<1024x144xf32, #tpu.memory_space<vmem>>, vector<1024x144xf32>,
    %get3A_11 = arith.constant 0 : index
    %get3A_12 = arith.constant 0 : index
    %get3A_13 = vector.load %arg3[%get3A_11, %get3A_12] : memref<1x128xf32, #tpu.memory_space<vmem>>, vector<1x128xf32>
    %mul3A = vector.broadcast %get3A_13 : vector<1x128xf32> to vector<1024x128xf32>
    %mul3A_14 = arith.mulf %dot_general3A_5, %mul3A : vector<1024x128xf32>
    %reduce_sum3A = arith.constant dense<0.000000e+00> : vector<1024xf32>
    %reduce_sum3A_15 = vector.multi_reduction <add>, %mul3A_14, %reduce_sum3A [1] : vector<1024x128xf32> to vector<1024xf32>
    %get3A_16 = arith.constant 0 : index
    %get3A_17 = arith.constant 0 : index
    %get3A_18 = vector.load %arg4[%get3A_16, %get3A_17] : memref<1x128xf32, #tpu.memory_space<vmem>>, vector<1x128xf32>
    %mul3A_19 = vector.broadcast %get3A_18 : vector<1x128xf32> to vector<1024x128xf32>
    %mul3A_20 = arith.mulf %dot_general3A_5, %mul3A_19 : vector<1024x128xf32>
    %reduce_sum3A_21 = arith.constant dense<0.000000e+00> : vector<1024xf32>
    %reduce_sum3A_22 = vector.multi_reduction <add>, %mul3A_20, %reduce_sum3A_21 [1] : vector<1024x128xf32> to vector<1024xf32>
    %reshape3A = vector.shape_cast %reduce_sum3A_15 : vector<1024xf32> to vector<8x128xf32>
    %swap3A_23 = arith.constant 0 : index
    %swap3A_24 = arith.constant 0 : index
    %swap3A_25 = vector.load %arg6[%swap3A_23, %swap3A_24] : memref<8x128xf32, #tpu.memory_space<vmem>>, vector<8x128xf32>
    tpu.vector_store %arg6[%swap3A_23, %swap3A_24], %reshape3A {strides = array<i32>} : memref<8x128xf32, #tpu.memory_space<vmem>>, vector<8x128xf32>,
    %reshape3A_26 = vector.shape_cast %reduce_sum3A_22 : vector<1024xf32> to vector<8x128xf32>
    %swap3A_27 = arith.constant 0 : index
    %swap3A_28 = arith.constant 0 : index
    %swap3A_29 = vector.load %arg7[%swap3A_27, %swap3A_28] : memref<8x128xf32, #tpu.memory_space<vmem>>, vector<8x128xf32>
    tpu.vector_store %arg7[%swap3A_27, %swap3A_28], %reshape3A_26 {strides = array<i32>} : memref<8x128xf32, #tpu.memory_space<vmem>>, vector<8x128xf32>,
    return
  }
  func.func @transform_0(%arg0: i32) -> (i32, i32) {
    %c0_i32 = arith.constant 0 : i32
    %c0_i32_0 = arith.constant 0 : i32
    return %arg0, %c0_i32 : i32, i32
  }
  func.func @transform_1(%arg0: i32) -> (i32, i32) {
    %c0_i32 = arith.constant 0 : i32
    %c0_i32_0 = arith.constant 0 : i32
    %c0_i32_1 = arith.constant 0 : i32
    return %c0_i32, %c0_i32_0 : i32, i32
  }
  func.func @transform_2(%arg0: i32) -> (i32, i32) {
    %c0_i32 = arith.constant 0 : i32
    %c0_i32_0 = arith.constant 0 : i32
    %c0_i32_1 = arith.constant 0 : i32
    return %c0_i32, %c0_i32_0 : i32, i32
  }
  func.func @transform_3(%arg0: i32) -> (i32, i32) {
    %c0_i32 = arith.constant 0 : i32
    %c0_i32_0 = arith.constant 0 : i32
    %c0_i32_1 = arith.constant 0 : i32
    return %c0_i32, %c0_i32_0 : i32, i32
  }
  func.func @transform_4(%arg0: i32) -> (i32, i32) {
    %c0_i32 = arith.constant 0 : i32
    %c0_i32_0 = arith.constant 0 : i32
    return %arg0, %c0_i32 : i32, i32
  }
  func.func @transform_5(%arg0: i32) -> (i32, i32) {
    %c0_i32 = arith.constant 0 : i32
    %c0_i32_0 = arith.constant 0 : i32
    return %arg0, %c0_i32 : i32, i32
  }
  func.func @transform_6(%arg0: i32) -> (i32, i32) {
    %c0_i32 = arith.constant 0 : i32
    %c0_i32_0 = arith.constant 0 : i32
    return %arg0, %c0_i32 : i32, i32
  }
}

module attributes {stable_mosaic.version = 14 : i64} {
  func.func @_tail_body(%arg0: i32, %arg1: memref<2x1024x144xf32, #tpu.memory_space<vmem>>, %arg2: memref<64x1024xf32, #tpu.memory_space<vmem>>, %arg3: memref<1x128xf32, #tpu.memory_space<vmem>>, %arg4: memref<128x128xf32, #tpu.memory_space<vmem>>, %arg5: memref<1x128xf32, #tpu.memory_space<vmem>>, %arg6: memref<64x128xf32, #tpu.memory_space<vmem>>, %arg7: memref<64x128xf32, #tpu.memory_space<vmem>>, %arg8: memref<64x128xf32, #tpu.memory_space<vmem>>) attributes {dimension_semantics = [#tpu.dimension_semantics<arbitrary>], iteration_bounds = array<i64: 10>, scalar_prefetch = 0 : i64, scratch_operands = 2 : i64, tpu.core_type = #tpu.core_type<tc>, window_params = [{transform_indices = @transform_0, window_bounds = array<i64: 2, 1024, 144>}, {transform_indices = @transform_1, window_bounds = array<i64: 64, 1024>}, {pipeline_mode = #tpu.pipeline_mode<synchronous>, transform_indices = @transform_2, window_bounds = array<i64: 1, 128>}, {pipeline_mode = #tpu.pipeline_mode<synchronous>, transform_indices = @transform_3, window_bounds = array<i64: 128, 128>}, {pipeline_mode = #tpu.pipeline_mode<synchronous>, transform_indices = @transform_4, window_bounds = array<i64: 1, 128>}, {pipeline_mode = #tpu.pipeline_mode<synchronous>, transform_indices = @transform_5, window_bounds = array<i64: 64, 128>}]} {
    %get3A = arith.constant 0 : index
    %get3A_0 = arith.constant 0 : index
    %get3A_1 = arith.constant 0 : index
    %get3A_2 = vector.load %arg1[%get3A, %get3A_0, %get3A_1] : memref<2x1024x144xf32, #tpu.memory_space<vmem>>, vector<1x1024x144xf32>
    %get3A_3 = vector.shape_cast %get3A_2 : vector<1x1024x144xf32> to vector<1024x144xf32>
    %get3A_4 = arith.constant 1 : index
    %get3A_5 = arith.constant 0 : index
    %get3A_6 = arith.constant 0 : index
    %get3A_7 = vector.load %arg1[%get3A_4, %get3A_5, %get3A_6] : memref<2x1024x144xf32, #tpu.memory_space<vmem>>, vector<1x1024x144xf32>
    %get3A_8 = vector.shape_cast %get3A_7 : vector<1x1024x144xf32> to vector<1024x144xf32>
    %add3A = arith.addf %get3A_3, %get3A_8 : vector<1024x144xf32>
    %slice3A = vector.extract_strided_slice %add3A {offsets = [0, 128], sizes = [1024, 1], strides = [1, 1]} : vector<1024x144xf32> to vector<1024x1xf32>
    %slice3A_9 = vector.extract_strided_slice %add3A {offsets = [0, 0], sizes = [1024, 128], strides = [1, 1]} : vector<1024x144xf32> to vector<1024x128xf32>
    %max3A = arith.constant 1.000000e-30 : f32
    %max3A_10 = vector.broadcast %max3A : f32 to vector<1024x1xf32>
    %max3A_11 = arith.maximumf %slice3A, %max3A_10 : vector<1024x1xf32>
    %div3A = vector.broadcast %max3A_11 : vector<1024x1xf32> to vector<1024x128xf32>
    %div3A_12 = arith.divf %slice3A_9, %div3A : vector<1024x128xf32>
    %get3A_13 = arith.constant 0 : index
    %get3A_14 = arith.constant 0 : index
    %get3A_15 = vector.load %arg3[%get3A_13, %get3A_14] : memref<1x128xf32, #tpu.memory_space<vmem>>, vector<1x128xf32>
    %add3A_16 = vector.broadcast %get3A_15 : vector<1x128xf32> to vector<1024x128xf32>
    %add3A_17 = arith.addf %div3A_12, %add3A_16 : vector<1024x128xf32>
    %ge3A = arith.constant 0.000000e+00 : f32
    %ge3A_18 = vector.broadcast %ge3A : f32 to vector<1024x128xf32>
    %ge3A_19 = arith.cmpf oge, %add3A_17, %ge3A_18 : vector<1024x128xf32>
    %mul3A = arith.constant 0.00999999977 : f32
    %mul3A_20 = vector.broadcast %mul3A : f32 to vector<1024x128xf32>
    %mul3A_21 = arith.mulf %mul3A_20, %add3A_17 : vector<1024x128xf32>
    %select_n3A = arith.select %ge3A_19, %add3A_17, %mul3A_21 : vector<1024x128xi1>, vector<1024x128xf32>
    %mul3A_22 = arith.constant 1024 : i32
    %mul3A_23 = arith.muli %arg0, %mul3A_22 : i32
    %iota3A = tpu.iota {dimensions = array<i32: 0>} : vector<1024x1xi32>
    %add3A_24 = vector.broadcast %mul3A_23 : i32 to vector<1024x1xi32>
    %add3A_25 = arith.addi %add3A_24, %iota3A : vector<1024x1xi32>
    %lt3A = arith.constant 10000 : i32
    %lt3A_26 = vector.broadcast %lt3A : i32 to vector<1024x1xi32>
    %lt3A_27 = arith.cmpi slt, %add3A_25, %lt3A_26 : vector<1024x1xi32>
    %jit3A = arith.constant 0.000000e+00 : f32
    %broadcast_in_dim3A = vector.shape_cast %lt3A_27 : vector<1024x1xi1> to vector<1024x1xi1>
    %broadcast_in_dim3A_28 = vector.broadcast %broadcast_in_dim3A : vector<1024x1xi1> to vector<1024x128xi1>
    %broadcast_in_dim3A_29 = vector.broadcast %jit3A : f32 to vector<1024x128xf32>
    %select_n3A_30 = arith.select %broadcast_in_dim3A_28, %select_n3A, %broadcast_in_dim3A_29 : vector<1024x128xi1>, vector<1024x128xf32>
    %get3A_31 = arith.constant 0 : index
    %get3A_32 = arith.constant 0 : index
    %get3A_33 = vector.load %arg2[%get3A_31, %get3A_32] : memref<64x1024xf32, #tpu.memory_space<vmem>>, vector<64x1024xf32>
    %dot_general3A = arith.constant dense<0.000000e+00> : vector<64x128xf32>
    %dot_general3A_34 = tpu.matmul %get3A_33, %select_n3A_30, %dot_general3A {dimension_numbers = #tpu.dot_dimension_numbers<[1], [0], [0], [1], [0, 0, 1, 1], [], []>, transpose_lhs_hint = false} : vector<64x1024xf32>, vector<1024x128xf32>, vector<64x128xf32> -> vector<64x128xf32>
    %broadcast_in_dim3A_35 = arith.constant 1.000000e+00 : f32
    %broadcast_in_dim3A_36 = vector.broadcast %broadcast_in_dim3A_35 : f32 to vector<1024x128xf32>
    %dot_general3A_37 = arith.constant dense<0.000000e+00> : vector<64x128xf32>
    %dot_general3A_38 = tpu.matmul %get3A_33, %broadcast_in_dim3A_36, %dot_general3A_37 {dimension_numbers = #tpu.dot_dimension_numbers<[1], [0], [0], [1], [0, 0, 1, 1], [], []>, transpose_lhs_hint = false} : vector<64x1024xf32>, vector<1024x128xf32>, vector<64x128xf32> -> vector<64x128xf32>
    %eq3A = arith.constant 0 : i32
    %eq3A_39 = arith.cmpi eq, %arg0, %eq3A : i32
    %convert_element_type3A = arith.extui %eq3A_39 : i1 to i32
    %cond3A = arith.constant 0 : i32
    %cond3A_40 = arith.cmpi ne, %convert_element_type3A, %cond3A : i32
    scf.if %cond3A_40 {
      %swap3A = arith.constant 0 : index
      %swap3A_50 = arith.constant 0 : index
      %swap3A_51 = vector.load %arg7[%swap3A, %swap3A_50] : memref<64x128xf32, #tpu.memory_space<vmem>>, vector<64x128xf32>
      tpu.vector_store %arg7[%swap3A, %swap3A_50], %dot_general3A_34 {strides = array<i32>} : memref<64x128xf32, #tpu.memory_space<vmem>>, vector<64x128xf32>,
      %swap3A_52 = arith.constant 0 : index
      %swap3A_53 = arith.constant 0 : index
      %swap3A_54 = vector.load %arg8[%swap3A_52, %swap3A_53] : memref<64x128xf32, #tpu.memory_space<vmem>>, vector<64x128xf32>
      tpu.vector_store %arg8[%swap3A_52, %swap3A_53], %dot_general3A_38 {strides = array<i32>} : memref<64x128xf32, #tpu.memory_space<vmem>>, vector<64x128xf32>,
    } else {
    }
    %gt3A = arith.constant 0 : i32
    %gt3A_41 = arith.cmpi sgt, %arg0, %gt3A : i32
    %convert_element_type3A_42 = arith.extui %gt3A_41 : i1 to i32
    %cond3A_43 = arith.constant 0 : i32
    %cond3A_44 = arith.cmpi ne, %convert_element_type3A_42, %cond3A_43 : i32
    scf.if %cond3A_44 {
      %get3A_50 = arith.constant 0 : index
      %get3A_51 = arith.constant 0 : index
      %get3A_52 = vector.load %arg7[%get3A_50, %get3A_51] : memref<64x128xf32, #tpu.memory_space<vmem>>, vector<64x128xf32>
      %add3A_53 = arith.addf %get3A_52, %dot_general3A_34 : vector<64x128xf32>
      %swap3A = arith.constant 0 : index
      %swap3A_54 = arith.constant 0 : index
      %swap3A_55 = vector.load %arg7[%swap3A, %swap3A_54] : memref<64x128xf32, #tpu.memory_space<vmem>>, vector<64x128xf32>
      tpu.vector_store %arg7[%swap3A, %swap3A_54], %add3A_53 {strides = array<i32>} : memref<64x128xf32, #tpu.memory_space<vmem>>, vector<64x128xf32>,
      %get3A_56 = arith.constant 0 : index
      %get3A_57 = arith.constant 0 : index
      %get3A_58 = vector.load %arg8[%get3A_56, %get3A_57] : memref<64x128xf32, #tpu.memory_space<vmem>>, vector<64x128xf32>
      %add3A_59 = arith.addf %get3A_58, %dot_general3A_38 : vector<64x128xf32>
      %swap3A_60 = arith.constant 0 : index
      %swap3A_61 = arith.constant 0 : index
      %swap3A_62 = vector.load %arg8[%swap3A_60, %swap3A_61] : memref<64x128xf32, #tpu.memory_space<vmem>>, vector<64x128xf32>
      tpu.vector_store %arg8[%swap3A_60, %swap3A_61], %add3A_59 {strides = array<i32>} : memref<64x128xf32, #tpu.memory_space<vmem>>, vector<64x128xf32>,
    } else {
    }
    %eq3A_45 = arith.constant 9 : i32
    %eq3A_46 = arith.cmpi eq, %arg0, %eq3A_45 : i32
    %convert_element_type3A_47 = arith.extui %eq3A_46 : i1 to i32
    %cond3A_48 = arith.constant 0 : i32
    %cond3A_49 = arith.cmpi ne, %convert_element_type3A_47, %cond3A_48 : i32
    scf.if %cond3A_49 {
      %get3A_50 = arith.constant 0 : index
      %get3A_51 = arith.constant 0 : index
      %get3A_52 = vector.load %arg7[%get3A_50, %get3A_51] : memref<64x128xf32, #tpu.memory_space<vmem>>, vector<64x128xf32>
      %get3A_53 = arith.constant 0 : index
      %get3A_54 = arith.constant 0 : index
      %get3A_55 = vector.load %arg8[%get3A_53, %get3A_54] : memref<64x128xf32, #tpu.memory_space<vmem>>, vector<64x128xf32>
      %max3A_56 = arith.constant 1.000000e+00 : f32
      %max3A_57 = vector.broadcast %max3A_56 : f32 to vector<64x128xf32>
      %max3A_58 = arith.maximumf %get3A_55, %max3A_57 : vector<64x128xf32>
      %div3A_59 = arith.divf %get3A_52, %max3A_58 : vector<64x128xf32>
      %get3A_60 = arith.constant 0 : index
      %get3A_61 = arith.constant 0 : index
      %get3A_62 = vector.load %arg4[%get3A_60, %get3A_61] : memref<128x128xf32, #tpu.memory_space<vmem>>, vector<128x128xf32>
      %dot_general3A_63 = arith.constant dense<0.000000e+00> : vector<64x128xf32>
      %dot_general3A_64 = tpu.matmul %div3A_59, %get3A_62, %dot_general3A_63 {dimension_numbers = #tpu.dot_dimension_numbers<[1], [0], [0], [1], [0, 0, 1, 1], [], []>, transpose_lhs_hint = false} : vector<64x128xf32>, vector<128x128xf32>, vector<64x128xf32> -> vector<64x128xf32>
      %get3A_65 = arith.constant 0 : index
      %get3A_66 = arith.constant 0 : index
      %get3A_67 = vector.load %arg5[%get3A_65, %get3A_66] : memref<1x128xf32, #tpu.memory_space<vmem>>, vector<1x128xf32>
      %add3A_68 = vector.broadcast %get3A_67 : vector<1x128xf32> to vector<64x128xf32>
      %add3A_69 = arith.addf %dot_general3A_64, %add3A_68 : vector<64x128xf32>
      %swap3A = arith.constant 0 : index
      %swap3A_70 = arith.constant 0 : index
      %swap3A_71 = vector.load %arg6[%swap3A, %swap3A_70] : memref<64x128xf32, #tpu.memory_space<vmem>>, vector<64x128xf32>
      tpu.vector_store %arg6[%swap3A, %swap3A_70], %add3A_69 {strides = array<i32>} : memref<64x128xf32, #tpu.memory_space<vmem>>, vector<64x128xf32>,
    } else {
    }
    return
  }
  func.func @transform_0(%arg0: i32) -> (i32, i32, i32) {
    %c0_i32 = arith.constant 0 : i32
    %c0_i32_0 = arith.constant 0 : i32
    %c0_i32_1 = arith.constant 0 : i32
    return %c0_i32, %arg0, %c0_i32_0 : i32, i32, i32
  }
  func.func @transform_1(%arg0: i32) -> (i32, i32) {
    %c0_i32 = arith.constant 0 : i32
    %c0_i32_0 = arith.constant 0 : i32
    return %c0_i32, %arg0 : i32, i32
  }
  func.func @transform_2(%arg0: i32) -> (i32, i32) {
    %c0_i32 = arith.constant 0 : i32
    %c0_i32_0 = arith.constant 0 : i32
    %c0_i32_1 = arith.constant 0 : i32
    return %c0_i32, %c0_i32_0 : i32, i32
  }
  func.func @transform_3(%arg0: i32) -> (i32, i32) {
    %c0_i32 = arith.constant 0 : i32
    %c0_i32_0 = arith.constant 0 : i32
    %c0_i32_1 = arith.constant 0 : i32
    return %c0_i32, %c0_i32_0 : i32, i32
  }
  func.func @transform_4(%arg0: i32) -> (i32, i32) {
    %c0_i32 = arith.constant 0 : i32
    %c0_i32_0 = arith.constant 0 : i32
    %c0_i32_1 = arith.constant 0 : i32
    return %c0_i32, %c0_i32_0 : i32, i32
  }
  func.func @transform_5(%arg0: i32) -> (i32, i32) {
    %c0_i32 = arith.constant 0 : i32
    %c0_i32_0 = arith.constant 0 : i32
    %c0_i32_1 = arith.constant 0 : i32
    return %c0_i32, %c0_i32_0 : i32, i32
  }
}

</mosaic_0001>

<sc_bundles>
// kernel: kernel.5.cloned.1.call-start
scs
__scs_entry_jumppad:
0x0: {  	(pc) =	sbr.rel $0x88, $3  }
0x1: {  	(tag) =	ssettag $0x0;
	lr =	simm.s32 $0x1  }
0x2: {  	[smem:$0x3F98] =	sst lr;
	_ =	strace $0xD0000000  }
0x3: {  	_ = 	snop  }
0x4: {  	_ = 	snop  }
0x5: {  	_ = 	snop  }
0x6: {  	_ = 	snop  }
0x7: {  	_ = 	snop  }
__scs_overlays_trampoline_lowered:
0x8: {  	[smem:$0x3FA7] =	sst s0  }
0x9: {  	[smem:$0x3FA8] =	sst s1  }
0xa: {  	[smem:$0x3FA9] =	sst s2  }
0xb: {  	[smem:$0x3FAA] =	sst s3  }
0xc: {  	[smem:$0x3FAB] =	sst s4  }
0xd: {  	[smem:$0x3FAC] =	sst s5  }
0xe: {  	[smem:$0x3FAD] =	sst s6  }
0xf: {  	[smem:$0x3FAE] =	sst s7  }
0x10: {  	[smem:$0x3FAF] =	sst s8  }
0x11: {  	[smem:$0x3FB0] =	sst s9;
	s0 =	simm.s32 @!p0 $0x0  }
0x12: {  	s1 =	sld [smem:$0x3F96];
	s0 =	simm.s32 @p0 $0x1  }
0x13: {  	[smem:$0x3FB1] =	sst s0;
	s0 =	simm.s32 @!p1 $0x0  }
0x14: {  	s2 =	sld [smem:$0x3F95];
	s0 =	simm.s32 @p1 $0x1  }
0x15: {  	[smem:$0x3FB2] =	sst s0;
	s0 =	simm.s32 @!p2 $0x0  }
0x16: {  	s3 =	sld [smem:$0x3FDB];
	s0 =	simm.s32 @p2 $0x1  }
0x17: {  	s4 =	simm.s32 $0x1BF5;
	[smem:$0x3FB4] =	sst s0  }
0x18: {  	s0 =	sld [smem:$0x3F97];
	_ =	swait.ge [sflag:s4], $0x0  }
0x19: {  	s7 =	sld [smem:$0x3F98]  }
0x1a: {  	s8 =	sadd.s32 $0xFFFFE003, lr  }
0x1b: {  	s9 =	sadd.s32 $0xFFFFFEF7, lr;
	s5 =	simm.s32 $0xFFFFFFFF;
	p2 =	slt.u32 s8, $0xFFFFF086  }
0x1c: {  	p1 =	slt.u32 s9, $0xF7A;
	s5 =	simm.s32 @!p2 $0x0  }
0x1d: {  	s5 =	simm.s32 @p1 $0x1;
	p0 =	seq.s32 s7, s2  }
0x1e: {  	s7 =	smul.u32 @!p0 $0xF7A, s2;
	p2 =	seq.s32 @!p0 s5, $0x0  }
0x1f: {  	s9 =	smul.u32 $0xF7A, s1;
	s8 =	simm.s32 @!p0 $0x1BF5;
	p2 =	por !p2, p0  }
0x20: {  	[sflag:s8] =	ssyncset.s32 @!p0 $0xFFFFF086;
	s6 =	sadd.s32 @!p0 s3, s7;
	s7 =	simm.s32 @!p0 $0x108  }
0x21: {  	s3 =	sadd.s32 s3, s9;
	s6 =	sadd.s32 @!p0 $0x88, s6;
	s7 =	simm.s32 @p2 $0x1082  }
0x22: {  	[simem:s7], [sflag:s8] =	dma.local @!p0 [hbm:s6], $0xF7A  }
0x23: {  	s9 =	sor.u32 $0xD0000000, s2;
	s6 =	simm.s32 $0x108;
	_ =	swait.ge @!p0 [sflag:s8], $0x0  }
0x24: {  	s3 =	sadd.s32 $0x88, s3;
	s6 =	simm.s32 @!p1 $0x1082;
	[sflag:s4] =	ssyncset.s32 $0xFFFFF086  }
0x25: {  	[simem:s6], [sflag:s4] =	dma.local [hbm:s3], $0xF7A  }
0x26: {  	[smem:$0x3F98] =	sst s1;
	(tag) =	ssettag s2;
	_ =	strace s9  }
0x27: {  	s1 =	sld [smem:$0x3FA8]  }
0x28: {  	s2 =	sld [smem:$0x3FA9]  }
0x29: {  	s4 =	sld [smem:$0x3FAB]  }
0x2a: {  	p0 =	seq.s32 s5, $0x0;
	s5 =	sld [smem:$0x3FAC]  }
0x2b: {  	s6 =	sld [smem:$0x3FAD]  }
0x2c: {  	s7 =	sld [smem:$0x3FAE]  }
0x2d: {  	s3 =	simm.s32 $0x108;
	s8 =	sld [smem:$0x3FAF]  }
0x2e: {  	s3 =	simm.s32 @!p0 $0x1082;
	s9 =	sld [smem:$0x3FB0]  }
0x2f: {  	lr =	sadd.s32 s0, s3;
	s0 =	sld [smem:$0x3FA7]  }
0x30: {  	s3 =	sld [smem:$0x3FAA]  }
0x31: {  	[smem:$0x3FB3] =	sst s10  }
0x32: {  	s10 =	sld [smem:$0x3FB1];
	_ =	sdelay $0x3  }
0x33: {  	p0 =	seq.s32 s10, $0x1;
	s10 =	sld [smem:$0x3FB3];
	_ =	sdelay $0x3  }
0x34: {  	[smem:$0x3FB3] =	sst s10  }
0x35: {  	s10 =	sld [smem:$0x3FB2];
	_ =	sdelay $0x3  }
0x36: {  	p1 =	seq.s32 s10, $0x1;
	s10 =	sld [smem:$0x3FB3];
	_ =	sdelay $0x3  }
0x37: {  	[smem:$0x3FB3] =	sst s10  }
0x38: {  	s10 =	sld [smem:$0x3FB4]  }
0x39: {  	_ = 	snop;
	(pc) =	sbr.ind lr, $3  }
0x3a: {  	_ = 	snop  }
0x3b: {  	_ = 	snop  }
0x3c: {  	p2 =	seq.s32 s10, $0x1;
	s10 =	sld [smem:$0x3FB3]  }
0x3d: {  	_ =	shalt  }
0x3e: {  	_ =	shalt  }
0x3f: {  	_ =	shalt  }
0x40: {  	_ =	shalt  }
0x41: {  	_ =	shalt  }
0x42: {  	_ =	shalt  }
0x43: {  	_ =	shalt  }
0x44: {  	_ =	shalt  }
0x45: {  	_ =	shalt  }
0x46: {  	_ =	shalt  }
0x47: {  	_ =	shalt  }
0x48: {  	_ =	shalt  }
0x49: {  	_ =	shalt  }
0x4a: {  	_ =	shalt  }
0x4b: {  	_ =	shalt  }
0x4c: {  	_ =	shalt  }
0x4d: {  	_ =	shalt  }
0x4e: {  	_ =	shalt  }
0x4f: {  	_ =	shalt  }
0x50: {  	_ =	shalt  }
0x51: {  	_ =	shalt  }
0x52: {  	_ =	shalt  }
0x53: {  	_ =	shalt  }
0x54: {  	_ =	shalt  }
0x55: {  	_ =	shalt  }
0x56: {  	_ =	shalt  }
0x57: {  	_ =	shalt  }
0x58: {  	_ =	shalt  }
0x59: {  	_ =	shalt  }
0x5a: {  	_ =	shalt  }
0x5b: {  	_ =	shalt  }
0x5c: {  	_ =	shalt  }
0x5d: {  	_ =	shalt  }
0x5e: {  	_ =	shalt  }
0x5f: {  	_ =	shalt  }
0x60: {  	_ =	shalt  }
0x61: {  	_ =	shalt  }
0x62: {  	_ =	shalt  }
0x63: {  	_ =	shalt  }
0x64: {  	_ =	shalt  }
0x65: {  	_ =	shalt  }
0x66: {  	_ =	shalt  }
0x67: {  	_ =	shalt  }
0x68: {  	_ =	shalt  }
0x69: {  	_ =	shalt  }
0x6a: {  	_ =	shalt  }
0x6b: {  	_ =	shalt  }
0x6c: {  	_ =	shalt  }
0x6d: {  	_ =	shalt  }
0x6e: {  	_ =	shalt  }
0x6f: {  	_ =	shalt  }
0x70: {  	_ =	shalt  }
0x71: {  	_ =	shalt  }
0x72: {  	_ =	shalt  }
0x73: {  	_ =	shalt  }
0x74: {  	_ =	shalt  }
0x75: {  	_ =	shalt  }
0x76: {  	_ =	shalt  }
0x77: {  	_ =	shalt  }
0x78: {  	_ =	shalt  }
0x79: {  	_ =	shalt  }
0x7a: {  	_ =	shalt  }
0x7b: {  	_ =	shalt  }
0x7c: {  	_ =	shalt  }
0x7d: {  	_ =	shalt  }
0x7e: {  	_ =	shalt  }
0x7f: {  	_ =	shalt  }
0x80: {  	_ =	shalt  }
0x81: {  	_ =	shalt  }
0x82: {  	_ =	shalt  }
0x83: {  	_ =	shalt  }
0x84: {  	_ =	shalt  }
0x85: {  	_ =	shalt  }
0x86: {  	_ =	shalt  }
0x87: {  	_ =	shalt  }
.Lfunc_end0:
.L_simem_size_0:
called_computation_lowered:
.L_overlay_start_0:
0x88: {  	s2 =	sld [smem:$0x3FD9]  }
0x89: {  	s3 =	sld [smem:$0x3FFE];
	_ =	sdelay $0x1  }
0x8a: {  	s1 =	srdreg.scid  }
0x8b: {  	s0 =	sand.u32 $0x1, s1  }
0x8c: {  	s16 =	sshll.u32 s0, $0xA;
	s2 =	sadd.s32 s3, s2  }
0x8d: {  	s2 =	sadd.s32 s2, s16  }
0x8e: {  	[smem:$0x3FBF] =	sst s2  }
0x8f: {  	_ = 	snop  }
0x90: {  	(tm) =	ssettm $0x1  }
0x91: {  	s17 =	sld [smem:$0x3FFB];
	_ =	sdelay $0x3  }
0x92: {  	_ =	strace s17  }
0x93: {  	s2 =	sld [smem:$0x3FFC];
	_ =	sdelay $0x3  }
0x94: {  	_ =	strace s2  }
0x95: {  	s2 =	sld [smem:$0x3FFD];
	_ =	sdelay $0x3  }
0x96: {  	_ =	strace s2  }
0x97: {  	_ =	strace $0x8FFFFFFF  }
0x98: {  	s18 =	sld [smem:$0x3FDB];
	_ =	sdelay $0x1  }
0x99: {  	s19 =	simm.s32 $_scs_section_size  }
0x9a: {  	s4 =	simm.s32 $_size__tile_overlayer_lowered;
	s5 =	simm.s32 $_tile_overlayer_lowered  }
0x9b: {  	s22 =	simm.s32 $0x1BFF;
	s21 =	sshll.u32 s5, $0x1;
	s2 =	sadd.s32 s19, s18  }
0x9c: {  	s6 =	simm.s32 $0x0;
	s20 =	sshll.u32 s4, $0x1;
	s4 =	sadd.s32 s21, s2  }
0x9d: {  	[timem:s6], [sflag:s22] =	dma.local [hbm:s4], s20  }
0x9e: {  	_ =	swait.ge [sflag:s22], s20  }
0x9f: {  	s3 =	ssub.s32 $0x0, s20;
	[sflag:s22] =	ssyncset.done $0x0  }
0xa0: {  	[sflag:s22] =	ssyncadd.s32 s3;
	_ =	sdelay $0x1  }
0xa1: {  	s23 =	simm.s32 $0x1B8B  }
0xa2: {  	_ =	swait.ge [sflag:s23], $0x1  }
0xa3: {  	[sflag:s23] =	ssyncset.done $0x0  }
0xa4: {  	s25 =	simm.s32 $0x1B8E;
	s24 =	sld [smem:$0x3FFE];
	[sflag:s23] =	ssyncadd.s32 $0xFFFFFFFF  }
0xa5: {  	s26 =	simm.s32 $execute0_lowered;
	[smem:$0x3FD2] =	sst s25  }
0xa6: {  	s4 =	sshll.u32 s26, $0x1;
	_ =	strace $0x80000046;
	[dreg:$0x1] =	wrdreg $0xFFFFFFFF  }
0xa7: {  	s28 =	simm.s32 $_size_execute0_lowered;
	s2 =	sadd.s32 s2, s4;
	[dreg:$0x0] =	wrdreg $0x0  }
0xa8: {  	s4 =	sshll.u32 s28, $0x1;
	[dreg:$0x2] =	wrdreg s2  }
0xa9: {  	[dreg:$0x3] =	wrdreg s4  }
0xaa: {  	[dreg:$0x4] =	wrdreg $0xC0  }
0xab: {  	_ =	task [dreg:s6], $0x5FFFF  }
0xac: {  	[dreg:$0x1] =	wrdreg $0xFFFFFFFF  }
0xad: {  	[dreg:$0x0] =	wrdreg $0x60  }
0xae: {  	[dreg:$0x2] =	wrdreg s24  }
0xaf: {  	[dreg:$0x3] =	wrdreg $0x97D00  }
0xb0: {  	[dreg:$0x4] =	wrdreg $0x9  }
0xb1: {  	_ =	task.clear_ibuf [dreg:s6], $0x5FFFF;
	_ =	strace $0x90000046  }
0xb2: {  	s29 =	simm.s32 $0x9;
	_ =	strace $0x80000048  }
0xb3: {  	_ =	swait.ge [sflag:s29], $0x1  }
0xb4: {  	[sflag:s29] =	ssyncadd.s32 $0xFFFFFFFF  }
0xb5: {  	_ =	strace $0x90000048  }
0xb6: {  	_ =	sfence  }
0xb7: {  	s30 =	sld [smem:$0x0];
	_ =	sdelay $0x2  }
0xb8: {  	s31 =	sshll.u32 s1, $0xD;
	s1 =	sshrl.u32 s1, $0x2  }
0xb9: {  	s3 =	sand.u32 $0x4000, s31;
	s1 =	sadd.s32 s1, s30  }
0xba: {  	s0 =	sor.u32 s3, s0;
	s1 =	sshll.u32 s1, $0x11  }
0xbb: {  	s0 =	sor.u32 s1, s0  }
0xbc: {  	s0 =	sadd.s32 $0x8F2B, s0  }
0xbd: {  	[sflag:s0] =	ssyncadd.remote.s32 $0x1  }
0xbe: {  	_ =	sfence.sel $0xFFFF  }
0xbf: {  	[dreg:$0x0] =	wrdreg $0xFFFFFFFF;
	(pc) =	sbr.abs _section_cstart, $3  }
0xc0: {  	[dreg:$0x1] =	wrdreg $0xFFFFFFFF  }
0xc1: {  	_ =	task.clear_ibuf [dreg:s6], $0x2FFFF;
	_ =	strace $0x9FFFFFFF  }
0xc2: {  	(tm) =	ssettm $0x7FFFFFFF  }
0xc3: {  	_ =	shalt  }
tec
execute0_lowered:
.L_overlay_start_1:
0x0: {  	(tag) =	ssettag $0x1  }
0x1: {  	s7 =	rddreg [dreg:$0x0]  }
0x2: {  	s1 =	rddreg [dreg:$0x1]  }
0x3: {  	s2 =	srdreg.scid;
	s0 =	rddreg [dreg:$0x2]  }
0x4: {  	s3 =	simm.s32 $0x0;
	s17 =	simm.s32 $0x2720;
	s18 =	simm.s32 $0x4E40  }
0x5: {  	s19 =	simm.s32 $0x4EC0;
	s20 =	simm.s32 $0x80;
	s21 =	simm.s32 $0x1  }
0x6: {  	s8 =	sand.u32 $0x1, s2;
	s2 =	stileid.u32;
	[smem:$0x7FF] =	sst s3  }
0x7: {  	s6 =	sadd.s32 $0x15C00, s7;
	s4 =	sshll.u32 s8, $0x4;
	s10 =	smul.u32 $0x58080, s2  }
0x8: {  	_ =	strace $0x80000047;
	s30 =	smul.u32 $0x2D000, s8;
	s8 =	ssub.s32 $0x2, s8  }
0x9: {  	s14 =	smul.u32 $0x16020, s2;
	s5 =	sor.u32 s2, s4;
	s4 =	sadd.s32 $0x16200, s7  }
0xa: {  	s11 =	sshrl.u32 s8, $0x1;
	s9 =	smul.u32 $0x510, s5;
	s5 =	sadd.s32 $0x15600, s7  }
0xb: {  	s10 =	sshrl.u32 s10, $0x2;
	s15 =	sadd.s32 s30, s7;
	s16 =	ssub.s32 s8, s11  }
0xc: {  	s23 =	sshrl.u32 s14, $0x3;
	s31 =	sadd.s32 s10, s1;
	s22 =	sadd.s32 $0x43200, s15  }
0xd: {  	s15 =	simm.s32 $0x4FD0;
	s13 =	sadd.s32 s9, s7;
	s7 =	sadd.s32 s14, s1  }
0xe: {  	s8 =	sadd.s32 $0x4800, s31;
	s9 =	sadd.s32 $0x9000, s31;
	s10 =	sadd.s32 $0xD800, s31  }
0xf: {  	s11 =	sadd.s32 $0x12000, s31;
	s14 =	smax.u32 s16, $0x1;
	s16 =	simm.s32 $0x2  }
0x10: {  	v0 =	vimm.f32 $0.0e+00;
	s22 =	sadd.s32 s23, s22;
	s12 =	sadd.s32 $0xB400, s13;
	s13 =	sadd.s32 $0x1200, s13  }
.LBB2_1:
0x11: {  	s23 =	simm.s32 $0x0;
	s24 =	simm.s32 $0x240  }
.LBB2_2:
0x12: {  	p0 =	sne.s32 s24, $0x11DC0;
	[tilespmem:s23+$0x5050] =	vst v0  }
0x13: {  	[tilespmem:s23+$0x4FD0] =	vst v0  }
0x14: {  	[tilespmem:s23+$0x4FE0] =	vst v0  }
0x15: {  	[tilespmem:s23+$0x4FF0] =	vst v0  }
.Ltmp0:
0x16: {  	[tilespmem:s23+$0x5000] =	vst v0;
	(pc) =	sbr.rel @p0 .LBB2_2-.Ltmp0, $4  }
0x17: {  	[tilespmem:s23+$0x5010] =	vst v0  }
0x18: {  	[tilespmem:s23+$0x5020] =	vst v0  }
0x19: {  	[tilespmem:s23+$0x5030] =	vst v0  }
0x1a: {  	[tilespmem:s23+$0x5040] =	vst v0;
	s23 =	sshra.s32 s24, $0x2;
	s24 =	sadd.s32 $0x240, s24  }
0x1b: {  	[tilespmem:s23+$0x5050] =	vst v0  }
0x1c: {  	[tilespmem:s23+$0x4FD0] =	vst v0  }
0x1d: {  	[tilespmem:s23+$0x4FE0] =	vst v0  }
0x1e: {  	[tilespmem:s23+$0x4FF0] =	vst v0  }
0x1f: {  	[tilespmem:s23+$0x5000] =	vst v0  }
0x20: {  	[tilespmem:s23+$0x5010] =	vst v0  }
0x21: {  	[tilespmem:s23+$0x5020] =	vst v0  }
0x22: {  	[tilespmem:s23+$0x5030] =	vst v0  }
0x23: {  	[tilespmem:s23+$0x5040] =	vst v0  }
0x24: {  	[spmem:s7] =	stream.linear.scatter [tilespmem:s15], [sflag:$0x2], $0x4800, $0x38;
	[tilespmem:$0x1F7F0] =	vst v63  }
0x25: {  	_ =	swait.ge [sflag:s16], $0x4800  }
0x26: {  	[sflag:s16] =	ssyncset.done $0x0  }
0x27: {  	[sflag:s16] =	ssyncadd.s32 $0xFFFFB800  }
0x28: {  	[spmem:s8] =	stream.linear.scatter [tilespmem:s15], [sflag:$0x2], $0x4800, $0x38;
	[tilespmem:$0x1F7F0] =	vst v63  }
0x29: {  	_ =	swait.ge [sflag:s16], $0x4800  }
0x2a: {  	[sflag:s16] =	ssyncset.done $0x0  }
0x2b: {  	[sflag:s16] =	ssyncadd.s32 $0xFFFFB800  }
0x2c: {  	[spmem:s9] =	stream.linear.scatter [tilespmem:s15], [sflag:$0x2], $0x4800, $0x38;
	[tilespmem:$0x1F7F0] =	vst v63  }
0x2d: {  	_ =	swait.ge [sflag:s16], $0x4800  }
0x2e: {  	[sflag:s16] =	ssyncset.done $0x0  }
0x2f: {  	[sflag:s16] =	ssyncadd.s32 $0xFFFFB800  }
0x30: {  	[spmem:s10] =	stream.linear.scatter [tilespmem:s15], [sflag:$0x2], $0x4800, $0x38;
	[tilespmem:$0x1F7F0] =	vst v63  }
0x31: {  	_ =	swait.ge [sflag:s16], $0x4800  }
0x32: {  	[sflag:s16] =	ssyncset.done $0x0  }
0x33: {  	[sflag:s16] =	ssyncadd.s32 $0xFFFFB800  }
0x34: {  	[spmem:s11] =	stream.linear.scatter [tilespmem:s15], [sflag:$0x2], $0x4020, $0x38;
	[tilespmem:$0x1F7F0] =	vst v63  }
0x35: {  	_ =	swait.ge [sflag:s16], $0x4020  }
0x36: {  	[sflag:s16] =	ssyncset.done $0x0  }
0x37: {  	s23 =	simm.s32 $0x0;
	[sflag:s16] =	ssyncadd.s32 $0xFFFFBFE0  }
0x38: {  	[tilespmem:s23], [sflag:$0x2] =	stream.linear.gather [hbm4b:s5+s23], $0x2720, $0x38;
	[tilespmem:$0x1F7F0] =	vst v63  }
0x39: {  	_ =	swait.ge [sflag:s16], $0x2720  }
0x3a: {  	[sflag:s16] =	ssyncset.done $0x0  }
0x3b: {  	[sflag:s16] =	ssyncadd.s32 $0xFFFFD8E0  }
0x3c: {  	[tilespmem:s17], [sflag:$0x2] =	stream.linear.gather [hbm4b:s6+s23], $0x2720, $0x38;
	[tilespmem:$0x1F7F0] =	vst v63  }
0x3d: {  	_ =	swait.ge [sflag:s16], $0x2720  }
0x3e: {  	[sflag:s16] =	ssyncset.done $0x0  }
0x3f: {  	[sflag:s16] =	ssyncadd.s32 $0xFFFFD8E0  }
0x40: {  	s24 =	simm.s32 $0x0;
	[bflag:$0x0] =	sbarrier.arrive $0xFFFF  }
.LBB2_4:
0x41: {  	s25 =	sshll.u32 s24, $0x4  }
0x42: {  	s26 =	sadd.s32 s25, s12  }
0x43: {  	[tilespmem:s18], [sflag:$0x2] =	stream.linear.gather [hbm4b:s26+s23], $0x80, $0x38;
	[tilespmem:$0x1F7F0] =	vst v63  }
0x44: {  	_ =	swait.ge [sflag:s16], $0x80  }
0x45: {  	[sflag:s16] =	ssyncset.done $0x0  }
0x46: {  	s25 =	sadd.s32 s25, s13;
	[sflag:s16] =	ssyncadd.s32 $0xFFFFFF80  }
0x47: {  	[tilespmem:s19], [sflag:$0x2] =	stream.linear.gather [hbm4b:s25+s23], $0x80, $0x38;
	[tilespmem:$0x1F7F0] =	vst v63  }
0x48: {  	_ =	swait.ge [sflag:s16], $0x80  }
0x49: {  	[sflag:s16] =	ssyncset.done $0x0  }
0x4a: {  	[sflag:s16] =	ssyncadd.s32 $0xFFFFFF80  }
0x4b: {  	[tilespmem:s15], [sflag:$0x1] =	stream.indirect.gather [hbm4b:s4+s20], $0x90, s18, s20, $0xb8;
	[tilespmem:$0x1F7F0] =	vst v63  }
0x4c: {  	v1 =	vld [tilespmem:$0x4E40]  }
0x4d: {  	v2 =	vld [tilespmem:$0x4EC0];
	_ =	sdelay $0x6  }
0x4e: {  	v1 =	vld.idx.msk [tilespmem:v1+s23+$0x0], $0xffff  }
0x4f: {  	v2 =	vld.idx.msk [tilespmem:v2+s17+$0x0], $0xffff;
	_ =	sdelay $0x4  }
0x50: {  	v1 =	vadd.f32 v2, v1;
	_ =	sdelay $0x1  }
0x51: {  	v2 =	vmul.f32 $2.000000030e-01, v1  }
0x52: {  	vm0 =	vge.f32 v1, $0.0e+00  }
0x53: {  	v1 =	vsel vm0, v1, v2  }
0x54: {  	v1 =	vmul.f32 $1.442695020e+00, v1;
	_ =	sdelay $0x1  }
0x55: {  	(erf) = vpow2.f32 v1;
	_ =	sdelay $0x2  }
0x56: {  	v1 =	vld [tilespmem:$0x4E50]  }
0x57: {  	v2 =	vld [tilespmem:$0x4ED0];
	_ =	sdelay $0x4  }
0x58: {  	v3 =	vpop (erf)  }
0x59: {  	[tilespmem:$0x4F40] =	vst v3  }
0x5a: {  	v1 =	vld.idx.msk [tilespmem:v1+s23+$0x0], $0xffff  }
0x5b: {  	v2 =	vld.idx.msk [tilespmem:v2+s17+$0x0], $0xffff;
	_ =	sdelay $0x4  }
0x5c: {  	v1 =	vadd.f32 v2, v1;
	_ =	sdelay $0x1  }
0x5d: {  	v2 =	vmul.f32 $2.000000030e-01, v1  }
0x5e: {  	vm9 =	vge.f32 v1, $0.0e+00  }
0x5f: {  	v1 =	vsel vm9, v1, v2  }
0x60: {  	v1 =	vmul.f32 $1.442695020e+00, v1;
	_ =	sdelay $0x1  }
0x61: {  	(erf) = vpow2.f32 v1;
	_ =	sdelay $0x2  }
0x62: {  	v1 =	vld [tilespmem:$0x4E60]  }
0x63: {  	v2 =	vld [tilespmem:$0x4EE0];
	_ =	sdelay $0x4  }
0x64: {  	v3 =	vpop (erf)  }
0x65: {  	[tilespmem:$0x4F50] =	vst v3  }
0x66: {  	v1 =	vld.idx.msk [tilespmem:v1+s23+$0x0], $0xffff  }
0x67: {  	v2 =	vld.idx.msk [tilespmem:v2+s17+$0x0], $0xffff;
	_ =	sdelay $0x4  }
0x68: {  	v1 =	vadd.f32 v2, v1;
	_ =	sdelay $0x1  }
0x69: {  	v2 =	vmul.f32 $2.000000030e-01, v1  }
0x6a: {  	vm10 =	vge.f32 v1, $0.0e+00  }
0x6b: {  	v1 =	vsel vm10, v1, v2  }
0x6c: {  	v1 =	vmul.f32 $1.442695020e+00, v1;
	_ =	sdelay $0x1  }
0x6d: {  	(erf) = vpow2.f32 v1;
	_ =	sdelay $0x2  }
0x6e: {  	v1 =	vld [tilespmem:$0x4E70]  }
0x6f: {  	v2 =	vld [tilespmem:$0x4EF0];
	_ =	sdelay $0x4  }
0x70: {  	v3 =	vpop (erf)  }
0x71: {  	[tilespmem:$0x4F60] =	vst v3  }
0x72: {  	v1 =	vld.idx.msk [tilespmem:v1+s23+$0x0], $0xffff  }
0x73: {  	v2 =	vld.idx.msk [tilespmem:v2+s17+$0x0], $0xffff;
	_ =	sdelay $0x4  }
0x74: {  	v1 =	vadd.f32 v2, v1;
	_ =	sdelay $0x1  }
0x75: {  	v2 =	vmul.f32 $2.000000030e-01, v1  }
0x76: {  	vm11 =	vge.f32 v1, $0.0e+00  }
0x77: {  	v1 =	vsel vm11, v1, v2  }
0x78: {  	v1 =	vmul.f32 $1.442695020e+00, v1;
	_ =	sdelay $0x1  }
0x79: {  	(erf) = vpow2.f32 v1;
	_ =	sdelay $0x2  }
0x7a: {  	v1 =	vld [tilespmem:$0x4E80]  }
0x7b: {  	v2 =	vld [tilespmem:$0x4F00];
	_ =	sdelay $0x4  }
0x7c: {  	v3 =	vpop (erf)  }
0x7d: {  	[tilespmem:$0x4F70] =	vst v3  }
0x7e: {  	v1 =	vld.idx.msk [tilespmem:v1+s23+$0x0], $0xffff  }
0x7f: {  	v2 =	vld.idx.msk [tilespmem:v2+s17+$0x0], $0xffff;
	_ =	sdelay $0x4  }
0x80: {  	v1 =	vadd.f32 v2, v1;
	_ =	sdelay $0x1  }
0x81: {  	v2 =	vmul.f32 $2.000000030e-01, v1  }
0x82: {  	vm12 =	vge.f32 v1, $0.0e+00  }
0x83: {  	v1 =	vsel vm12, v1, v2  }
0x84: {  	v1 =	vmul.f32 $1.442695020e+00, v1;
	_ =	sdelay $0x1  }
0x85: {  	(erf) = vpow2.f32 v1;
	_ =	sdelay $0x2  }
0x86: {  	v1 =	vld [tilespmem:$0x4E90]  }
0x87: {  	v2 =	vld [tilespmem:$0x4F10];
	_ =	sdelay $0x4  }
0x88: {  	v3 =	vpop (erf)  }
0x89: {  	[tilespmem:$0x4F80] =	vst v3  }
0x8a: {  	v1 =	vld.idx.msk [tilespmem:v1+s23+$0x0], $0xffff  }
0x8b: {  	v2 =	vld.idx.msk [tilespmem:v2+s17+$0x0], $0xffff;
	_ =	sdelay $0x4  }
0x8c: {  	v1 =	vadd.f32 v2, v1;
	_ =	sdelay $0x1  }
0x8d: {  	v2 =	vmul.f32 $2.000000030e-01, v1  }
0x8e: {  	vm13 =	vge.f32 v1, $0.0e+00  }
0x8f: {  	v1 =	vsel vm13, v1, v2  }
0x90: {  	v1 =	vmul.f32 $1.442695020e+00, v1;
	_ =	sdelay $0x1  }
0x91: {  	(erf) = vpow2.f32 v1;
	_ =	sdelay $0x2  }
0x92: {  	v1 =	vld [tilespmem:$0x4EA0]  }
0x93: {  	v2 =	vld [tilespmem:$0x4F20];
	_ =	sdelay $0x4  }
0x94: {  	v3 =	vpop (erf)  }
0x95: {  	[tilespmem:$0x4F90] =	vst v3  }
0x96: {  	v1 =	vld.idx.msk [tilespmem:v1+s23+$0x0], $0xffff  }
0x97: {  	v2 =	vld.idx.msk [tilespmem:v2+s17+$0x0], $0xffff;
	_ =	sdelay $0x4  }
0x98: {  	v1 =	vadd.f32 v2, v1;
	_ =	sdelay $0x1  }
0x99: {  	v2 =	vmul.f32 $2.000000030e-01, v1  }
0x9a: {  	vm14 =	vge.f32 v1, $0.0e+00  }
0x9b: {  	v1 =	vsel vm14, v1, v2  }
0x9c: {  	v1 =	vmul.f32 $1.442695020e+00, v1;
	_ =	sdelay $0x1  }
0x9d: {  	(erf) = vpow2.f32 v1;
	_ =	sdelay $0x2  }
0x9e: {  	v1 =	vld [tilespmem:$0x4EB0]  }
0x9f: {  	v2 =	vld [tilespmem:$0x4F30];
	_ =	sdelay $0x4  }
0xa0: {  	v3 =	vpop (erf)  }
0xa1: {  	[tilespmem:$0x4FA0] =	vst v3  }
0xa2: {  	v1 =	vld.idx.msk [tilespmem:v1+s23+$0x0], $0xffff  }
0xa3: {  	v2 =	vld.idx.msk [tilespmem:v2+s17+$0x0], $0xffff;
	_ =	sdelay $0x4  }
0xa4: {  	v1 =	vadd.f32 v2, v1;
	_ =	sdelay $0x1  }
0xa5: {  	v2 =	vmul.f32 $2.000000030e-01, v1  }
0xa6: {  	vm15 =	vge.f32 v1, $0.0e+00  }
0xa7: {  	v1 =	vsel vm15, v1, v2  }
0xa8: {  	v1 =	vmul.f32 $1.442695020e+00, v1;
	_ =	sdelay $0x1  }
0xa9: {  	(erf) = vpow2.f32 v1;
	_ =	sdelay $0x8  }
0xaa: {  	v1 =	vpop (erf)  }
0xab: {  	[tilespmem:$0x4FB0] =	vst v1  }
0xac: {  	_ =	swait.ge [sflag:s21], $0x4800  }
0xad: {  	[sflag:s21] =	ssyncset.done $0x0  }
0xae: {  	s25 =	simm.s32 $0x0;
	[sflag:s21] =	ssyncadd.s32 $0xFFFFB800  }
.LBB2_5:
0xaf: {  	s26 =	smul.u32 $0x240, s25;
	_ =	sdelay $0x1  }
0xb0: {  	v1 =	vld.msk [tilespmem:s25+$0x4F40 ss:$0x0], $0xffff;
	s26 =	sshra.s32 s26, $0x2  }
0xb1: {  	v2 =	vld [tilespmem:s26+$0x4FD0]  }
0xb2: {  	v3 =	vld [tilespmem:s26+$0x4FE0]  }
0xb3: {  	v4 =	vld [tilespmem:s26+$0x4FF0]  }
0xb4: {  	v5 =	vld [tilespmem:s26+$0x5000]  }
0xb5: {  	v6 =	vld [tilespmem:s26+$0x5010]  }
0xb6: {  	v7 =	vld [tilespmem:s26+$0x5020];
	v2 =	vmul.f32 v1, v2  }
0xb7: {  	v8 =	vld [tilespmem:s26+$0x5030];
	v3 =	vmul.f32 v3, v1  }
0xb8: {  	v61 =	vld [tilespmem:s26+$0x5040];
	[tilespmem:s26+$0x4FD0] =	vst v2;
	v2 =	vmul.f32 v4, v1  }
0xb9: {  	v62 =	vld [tilespmem:s26+$0x5050];
	[tilespmem:s26+$0x4FE0] =	vst v3;
	v3 =	vmul.f32 v5, v1  }
0xba: {  	[tilespmem:s26+$0x4FF0] =	vst v2;
	v2 =	vmul.f32 v6, v1  }
0xbb: {  	[tilespmem:s26+$0x5000] =	vst v3;
	v3 =	vmul.f32 v7, v1  }
0xbc: {  	[tilespmem:s26+$0x5010] =	vst v2;
	v2 =	vmul.f32 v8, v1  }
0xbd: {  	[tilespmem:s26+$0x5020] =	vst v3;
	v3 =	vmul.f32 v61, v1  }
0xbe: {  	v1 =	vmul.f32 v62, v1;
	[tilespmem:s26+$0x5030] =	vst v2  }
0xbf: {  	[tilespmem:s26+$0x5040] =	vst v3  }
0xc0: {  	[tilespmem:s26+$0x5050] =	vst v1;
	v2 =	vld [tilespmem:s26+$0x5060]  }
0xc1: {  	v1 =	vld.msk [tilespmem:s25+$0x4F41 ss:$0x0], $0xffff  }
0xc2: {  	v3 =	vld [tilespmem:s26+$0x5070]  }
0xc3: {  	v63 =	vld [tilespmem:s26+$0x5080]  }
0xc4: {  	v12 =	vld [tilespmem:s26+$0x5090]  }
0xc5: {  	v13 =	vld [tilespmem:s26+$0x50A0]  }
0xc6: {  	v14 =	vld [tilespmem:s26+$0x50B0];
	v2 =	vmul.f32 v1, v2  }
0xc7: {  	v15 =	vld [tilespmem:s26+$0x50C0];
	v3 =	vmul.f32 v3, v1  }
0xc8: {  	v16 =	vld [tilespmem:s26+$0x50D0];
	[tilespmem:s26+$0x5060] =	vst v2;
	v2 =	vmul.f32 v63, v1  }
0xc9: {  	v17 =	vld [tilespmem:s26+$0x50E0];
	[tilespmem:s26+$0x5070] =	vst v3;
	v3 =	vmul.f32 v12, v1  }
0xca: {  	[tilespmem:s26+$0x5080] =	vst v2;
	v2 =	vmul.f32 v13, v1  }
0xcb: {  	[tilespmem:s26+$0x5090] =	vst v3;
	v3 =	vmul.f32 v14, v1  }
0xcc: {  	[tilespmem:s26+$0x50A0] =	vst v2;
	v2 =	vmul.f32 v15, v1  }
0xcd: {  	[tilespmem:s26+$0x50B0] =	vst v3;
	v3 =	vmul.f32 v16, v1  }
0xce: {  	v1 =	vmul.f32 v17, v1;
	[tilespmem:s26+$0x50C0] =	vst v2  }
0xcf: {  	[tilespmem:s26+$0x50D0] =	vst v3  }
0xd0: {  	[tilespmem:s26+$0x50E0] =	vst v1;
	v2 =	vld [tilespmem:s26+$0x50F0]  }
0xd1: {  	v1 =	vld.msk [tilespmem:s25+$0x4F42 ss:$0x0], $0xffff  }
0xd2: {  	v3 =	vld [tilespmem:s26+$0x5100]  }
0xd3: {  	v18 =	vld [tilespmem:s26+$0x5110]  }
0xd4: {  	v19 =	vld [tilespmem:s26+$0x5120]  }
0xd5: {  	v20 =	vld [tilespmem:s26+$0x5130]  }
0xd6: {  	v21 =	vld [tilespmem:s26+$0x5140];
	v2 =	vmul.f32 v1, v2  }
0xd7: {  	v22 =	vld [tilespmem:s26+$0x5150];
	v3 =	vmul.f32 v3, v1  }
0xd8: {  	v23 =	vld [tilespmem:s26+$0x5160];
	[tilespmem:s26+$0x50F0] =	vst v2;
	v2 =	vmul.f32 v18, v1  }
0xd9: {  	v24 =	vld [tilespmem:s26+$0x5170];
	[tilespmem:s26+$0x5100] =	vst v3;
	v3 =	vmul.f32 v19, v1  }
0xda: {  	[tilespmem:s26+$0x5110] =	vst v2;
	v2 =	vmul.f32 v20, v1  }
0xdb: {  	[tilespmem:s26+$0x5120] =	vst v3;
	v3 =	vmul.f32 v21, v1  }
0xdc: {  	[tilespmem:s26+$0x5130] =	vst v2;
	v2 =	vmul.f32 v22, v1  }
0xdd: {  	[tilespmem:s26+$0x5140] =	vst v3;
	v3 =	vmul.f32 v23, v1  }
0xde: {  	v1 =	vmul.f32 v24, v1;
	[tilespmem:s26+$0x5150] =	vst v2  }
0xdf: {  	[tilespmem:s26+$0x5160] =	vst v3  }
0xe0: {  	[tilespmem:s26+$0x5170] =	vst v1;
	v2 =	vld [tilespmem:s26+$0x5180]  }
0xe1: {  	v1 =	vld.msk [tilespmem:s25+$0x4F43 ss:$0x0], $0xffff  }
0xe2: {  	v3 =	vld [tilespmem:s26+$0x5190]  }
0xe3: {  	v25 =	vld [tilespmem:s26+$0x51A0]  }
0xe4: {  	v26 =	vld [tilespmem:s26+$0x51B0]  }
0xe5: {  	v27 =	vld [tilespmem:s26+$0x51C0]  }
0xe6: {  	v28 =	vld [tilespmem:s26+$0x51D0];
	v2 =	vmul.f32 v1, v2  }
0xe7: {  	v29 =	vld [tilespmem:s26+$0x51E0];
	v3 =	vmul.f32 v3, v1  }
0xe8: {  	v30 =	vld [tilespmem:s26+$0x51F0];
	[tilespmem:s26+$0x5180] =	vst v2;
	v2 =	vmul.f32 v25, v1  }
0xe9: {  	v31 =	vld [tilespmem:s26+$0x5200];
	[tilespmem:s26+$0x5190] =	vst v3;
	v3 =	vmul.f32 v26, v1  }
0xea: {  	[tilespmem:s26+$0x51A0] =	vst v2;
	v2 =	vmul.f32 v27, v1  }
0xeb: {  	[tilespmem:s26+$0x51B0] =	vst v3;
	v3 =	vmul.f32 v28, v1  }
0xec: {  	[tilespmem:s26+$0x51C0] =	vst v2;
	v2 =	vmul.f32 v29, v1  }
0xed: {  	[tilespmem:s26+$0x51D0] =	vst v3;
	v3 =	vmul.f32 v30, v1  }
0xee: {  	v1 =	vmul.f32 v31, v1;
	[tilespmem:s26+$0x51E0] =	vst v2  }
0xef: {  	[tilespmem:s26+$0x51F0] =	vst v3  }
0xf0: {  	[tilespmem:s26+$0x5200] =	vst v1;
	v2 =	vld [tilespmem:s26+$0x5210]  }
0xf1: {  	v1 =	vld.msk [tilespmem:s25+$0x4F44 ss:$0x0], $0xffff  }
0xf2: {  	v3 =	vld [tilespmem:s26+$0x5220]  }
0xf3: {  	v32 =	vld [tilespmem:s26+$0x5230]  }
0xf4: {  	v33 =	vld [tilespmem:s26+$0x5240]  }
0xf5: {  	v34 =	vld [tilespmem:s26+$0x5250]  }
0xf6: {  	v35 =	vld [tilespmem:s26+$0x5260];
	v2 =	vmul.f32 v1, v2  }
0xf7: {  	v36 =	vld [tilespmem:s26+$0x5270];
	v3 =	vmul.f32 v3, v1  }
0xf8: {  	v37 =	vld [tilespmem:s26+$0x5280];
	[tilespmem:s26+$0x5210] =	vst v2;
	v2 =	vmul.f32 v32, v1  }
0xf9: {  	v38 =	vld [tilespmem:s26+$0x5290];
	[tilespmem:s26+$0x5220] =	vst v3;
	v3 =	vmul.f32 v33, v1  }
0xfa: {  	[tilespmem:s26+$0x5230] =	vst v2;
	v2 =	vmul.f32 v34, v1  }
0xfb: {  	[tilespmem:s26+$0x5240] =	vst v3;
	v3 =	vmul.f32 v35, v1  }
0xfc: {  	[tilespmem:s26+$0x5250] =	vst v2;
	v2 =	vmul.f32 v36, v1  }
0xfd: {  	[tilespmem:s26+$0x5260] =	vst v3;
	v3 =	vmul.f32 v37, v1  }
0xfe: {  	v1 =	vmul.f32 v38, v1;
	[tilespmem:s26+$0x5270] =	vst v2  }
0xff: {  	[tilespmem:s26+$0x5280] =	vst v3  }
0x100: {  	[tilespmem:s26+$0x5290] =	vst v1;
	v2 =	vld [tilespmem:s26+$0x52A0]  }
0x101: {  	v1 =	vld.msk [tilespmem:s25+$0x4F45 ss:$0x0], $0xffff  }
0x102: {  	v3 =	vld [tilespmem:s26+$0x52B0]  }
0x103: {  	v39 =	vld [tilespmem:s26+$0x52C0]  }
0x104: {  	v40 =	vld [tilespmem:s26+$0x52D0]  }
0x105: {  	v41 =	vld [tilespmem:s26+$0x52E0]  }
0x106: {  	v42 =	vld [tilespmem:s26+$0x52F0];
	v2 =	vmul.f32 v1, v2  }
0x107: {  	v43 =	vld [tilespmem:s26+$0x5300];
	v3 =	vmul.f32 v3, v1  }
0x108: {  	v44 =	vld [tilespmem:s26+$0x5310];
	[tilespmem:s26+$0x52A0] =	vst v2;
	v2 =	vmul.f32 v39, v1  }
0x109: {  	v45 =	vld [tilespmem:s26+$0x5320];
	[tilespmem:s26+$0x52B0] =	vst v3;
	v3 =	vmul.f32 v40, v1  }
0x10a: {  	[tilespmem:s26+$0x52C0] =	vst v2;
	v2 =	vmul.f32 v41, v1  }
0x10b: {  	[tilespmem:s26+$0x52D0] =	vst v3;
	v3 =	vmul.f32 v42, v1  }
0x10c: {  	[tilespmem:s26+$0x52E0] =	vst v2;
	v2 =	vmul.f32 v43, v1  }
0x10d: {  	[tilespmem:s26+$0x52F0] =	vst v3;
	v3 =	vmul.f32 v44, v1  }
0x10e: {  	v1 =	vmul.f32 v45, v1;
	[tilespmem:s26+$0x5300] =	vst v2  }
0x10f: {  	[tilespmem:s26+$0x5310] =	vst v3  }
0x110: {  	[tilespmem:s26+$0x5320] =	vst v1;
	v2 =	vld [tilespmem:s26+$0x5330]  }
0x111: {  	v1 =	vld.msk [tilespmem:s25+$0x4F46 ss:$0x0], $0xffff  }
0x112: {  	v3 =	vld [tilespmem:s26+$0x5340]  }
0x113: {  	v46 =	vld [tilespmem:s26+$0x5350]  }
0x114: {  	v47 =	vld [tilespmem:s26+$0x5360]  }
0x115: {  	v48 =	vld [tilespmem:s26+$0x5370]  }
0x116: {  	v49 =	vld [tilespmem:s26+$0x5380];
	v2 =	vmul.f32 v1, v2  }
0x117: {  	v50 =	vld [tilespmem:s26+$0x5390];
	v3 =	vmul.f32 v3, v1  }
0x118: {  	v51 =	vld [tilespmem:s26+$0x53A0];
	[tilespmem:s26+$0x5330] =	vst v2;
	v2 =	vmul.f32 v46, v1  }
0x119: {  	v52 =	vld [tilespmem:s26+$0x53B0];
	[tilespmem:s26+$0x5340] =	vst v3;
	v3 =	vmul.f32 v47, v1  }
0x11a: {  	[tilespmem:s26+$0x5350] =	vst v2;
	v2 =	vmul.f32 v48, v1  }
0x11b: {  	[tilespmem:s26+$0x5360] =	vst v3;
	v3 =	vmul.f32 v49, v1  }
0x11c: {  	[tilespmem:s26+$0x5370] =	vst v2;
	v2 =	vmul.f32 v50, v1  }
0x11d: {  	[tilespmem:s26+$0x5380] =	vst v3;
	v3 =	vmul.f32 v51, v1  }
0x11e: {  	v1 =	vmul.f32 v52, v1;
	[tilespmem:s26+$0x5390] =	vst v2  }
0x11f: {  	[tilespmem:s26+$0x53A0] =	vst v3  }
0x120: {  	[tilespmem:s26+$0x53B0] =	vst v1;
	v2 =	vld [tilespmem:s26+$0x53C0]  }
0x121: {  	v1 =	vld.msk [tilespmem:s25+$0x4F47 ss:$0x0], $0xffff  }
0x122: {  	v3 =	vld [tilespmem:s26+$0x53D0]  }
0x123: {  	v53 =	vld [tilespmem:s26+$0x53E0]  }
0x124: {  	v54 =	vld [tilespmem:s26+$0x53F0]  }
0x125: {  	v55 =	vld [tilespmem:s26+$0x5400]  }
0x126: {  	v56 =	vld [tilespmem:s26+$0x5410];
	v2 =	vmul.f32 v1, v2  }
0x127: {  	v57 =	vld [tilespmem:s26+$0x5420];
	v3 =	vmul.f32 v3, v1  }
0x128: {  	v58 =	vld [tilespmem:s26+$0x5430];
	[tilespmem:s26+$0x53C0] =	vst v2;
	v2 =	vmul.f32 v53, v1  }
0x129: {  	v59 =	vld [tilespmem:s26+$0x5440];
	[tilespmem:s26+$0x53D0] =	vst v3;
	v3 =	vmul.f32 v54, v1  }
0x12a: {  	[tilespmem:s26+$0x53E0] =	vst v2;
	v2 =	vmul.f32 v55, v1  }
0x12b: {  	[tilespmem:s26+$0x53F0] =	vst v3;
	v3 =	vmul.f32 v56, v1  }
0x12c: {  	[tilespmem:s26+$0x5400] =	vst v2;
	v2 =	vmul.f32 v57, v1  }
0x12d: {  	[tilespmem:s26+$0x5410] =	vst v3;
	v3 =	vmul.f32 v58, v1  }
0x12e: {  	s28 =	sor.u32 $0x8, s25;
	v1 =	vmul.f32 v59, v1;
	[tilespmem:s26+$0x5420] =	vst v2  }
0x12f: {  	s28 =	smul.u32 $0x240, s28;
	[tilespmem:s26+$0x5430] =	vst v3  }
0x130: {  	[tilespmem:s26+$0x5440] =	vst v1  }
0x131: {  	s29 =	sshra.s32 s28, $0x2;
	v1 =	vld.msk [tilespmem:s25+$0x4F48 ss:$0x0], $0xffff  }
0x132: {  	v2 =	vld [tilespmem:s29+$0x4FD0]  }
0x133: {  	v3 =	vld [tilespmem:s29+$0x4FE0]  }
0x134: {  	v60 =	vld [tilespmem:s29+$0x4FF0]  }
0x135: {  	v61 =	vld [tilespmem:s29+$0x5000]  }
0x136: {  	v62 =	vld [tilespmem:s29+$0x5010]  }
0x137: {  	v63 =	vld [tilespmem:s29+$0x5020];
	v2 =	vmul.f32 v1, v2  }
0x138: {  	v12 =	vld [tilespmem:s29+$0x5030];
	v3 =	vmul.f32 v3, v1  }
0x139: {  	v13 =	vld [tilespmem:s29+$0x5040];
	[tilespmem:s29+$0x4FD0] =	vst v2;
	v2 =	vmul.f32 v60, v1  }
0x13a: {  	v14 =	vld [tilespmem:s29+$0x5050];
	[tilespmem:s29+$0x4FE0] =	vst v3;
	v3 =	vmul.f32 v61, v1  }
0x13b: {  	[tilespmem:s29+$0x4FF0] =	vst v2;
	v2 =	vmul.f32 v62, v1  }
0x13c: {  	[tilespmem:s29+$0x5000] =	vst v3;
	v3 =	vmul.f32 v63, v1  }
0x13d: {  	[tilespmem:s29+$0x5010] =	vst v2;
	v2 =	vmul.f32 v12, v1  }
0x13e: {  	[tilespmem:s29+$0x5020] =	vst v3;
	v3 =	vmul.f32 v13, v1  }
0x13f: {  	s30 =	sor.u32 $0x9, s25;
	v1 =	vmul.f32 v14, v1;
	[tilespmem:s29+$0x5030] =	vst v2  }
0x140: {  	s28 =	smul.u32 $0x240, s30;
	[tilespmem:s29+$0x5040] =	vst v3  }
0x141: {  	[tilespmem:s29+$0x5050] =	vst v1  }
0x142: {  	s31 =	sshra.s32 s28, $0x2;
	v1 =	vld.msk [tilespmem:s25+$0x4F49 ss:$0x0], $0xffff  }
0x143: {  	v2 =	vld [tilespmem:s31+$0x4FD0]  }
0x144: {  	v3 =	vld [tilespmem:s31+$0x4FE0]  }
0x145: {  	v15 =	vld [tilespmem:s31+$0x4FF0]  }
0x146: {  	v16 =	vld [tilespmem:s31+$0x5000]  }
0x147: {  	v17 =	vld [tilespmem:s31+$0x5010]  }
0x148: {  	v18 =	vld [tilespmem:s31+$0x5020];
	v2 =	vmul.f32 v1, v2  }
0x149: {  	v19 =	vld [tilespmem:s31+$0x5030];
	v3 =	vmul.f32 v3, v1  }
0x14a: {  	v20 =	vld [tilespmem:s31+$0x5040];
	[tilespmem:s31+$0x4FD0] =	vst v2;
	v2 =	vmul.f32 v15, v1  }
0x14b: {  	v21 =	vld [tilespmem:s31+$0x5050];
	[tilespmem:s31+$0x4FE0] =	vst v3;
	v3 =	vmul.f32 v16, v1  }
0x14c: {  	[tilespmem:s31+$0x4FF0] =	vst v2;
	v2 =	vmul.f32 v17, v1  }
0x14d: {  	[tilespmem:s31+$0x5000] =	vst v3;
	v3 =	vmul.f32 v18, v1  }
0x14e: {  	[tilespmem:s31+$0x5010] =	vst v2;
	v2 =	vmul.f32 v19, v1  }
0x14f: {  	[tilespmem:s31+$0x5020] =	vst v3;
	v3 =	vmul.f32 v20, v1  }
0x150: {  	s29 =	sor.u32 $0xA, s25;
	v1 =	vmul.f32 v21, v1;
	[tilespmem:s31+$0x5030] =	vst v2  }
0x151: {  	s28 =	smul.u32 $0x240, s29;
	[tilespmem:s31+$0x5040] =	vst v3  }
0x152: {  	[tilespmem:s31+$0x5050] =	vst v1  }
0x153: {  	s30 =	sshra.s32 s28, $0x2;
	v1 =	vld.msk [tilespmem:s25+$0x4F4A ss:$0x0], $0xffff  }
0x154: {  	v2 =	vld [tilespmem:s30+$0x4FD0]  }
0x155: {  	v3 =	vld [tilespmem:s30+$0x4FE0]  }
0x156: {  	v22 =	vld [tilespmem:s30+$0x4FF0]  }
0x157: {  	v23 =	vld [tilespmem:s30+$0x5000]  }
0x158: {  	v24 =	vld [tilespmem:s30+$0x5010]  }
0x159: {  	v25 =	vld [tilespmem:s30+$0x5020];
	v2 =	vmul.f32 v1, v2  }
0x15a: {  	v26 =	vld [tilespmem:s30+$0x5030];
	v3 =	vmul.f32 v3, v1  }
0x15b: {  	v27 =	vld [tilespmem:s30+$0x5040];
	[tilespmem:s30+$0x4FD0] =	vst v2;
	v2 =	vmul.f32 v22, v1  }
0x15c: {  	v28 =	vld [tilespmem:s30+$0x5050];
	[tilespmem:s30+$0x4FE0] =	vst v3;
	v3 =	vmul.f32 v23, v1  }
0x15d: {  	[tilespmem:s30+$0x4FF0] =	vst v2;
	v2 =	vmul.f32 v24, v1  }
0x15e: {  	[tilespmem:s30+$0x5000] =	vst v3;
	v3 =	vmul.f32 v25, v1  }
0x15f: {  	[tilespmem:s30+$0x5010] =	vst v2;
	v2 =	vmul.f32 v26, v1  }
0x160: {  	[tilespmem:s30+$0x5020] =	vst v3;
	v3 =	vmul.f32 v27, v1  }
0x161: {  	s31 =	sor.u32 $0xB, s25;
	v1 =	vmul.f32 v28, v1;
	[tilespmem:s30+$0x5030] =	vst v2  }
0x162: {  	s28 =	smul.u32 $0x240, s31;
	[tilespmem:s30+$0x5040] =	vst v3  }
0x163: {  	[tilespmem:s30+$0x5050] =	vst v1  }
0x164: {  	s29 =	sshra.s32 s28, $0x2;
	v1 =	vld.msk [tilespmem:s25+$0x4F4B ss:$0x0], $0xffff  }
0x165: {  	v2 =	vld [tilespmem:s29+$0x4FD0]  }
0x166: {  	v3 =	vld [tilespmem:s29+$0x4FE0]  }
0x167: {  	v29 =	vld [tilespmem:s29+$0x4FF0]  }
0x168: {  	v30 =	vld [tilespmem:s29+$0x5000]  }
0x169: {  	v31 =	vld [tilespmem:s29+$0x5010]  }
0x16a: {  	v32 =	vld [tilespmem:s29+$0x5020];
	v2 =	vmul.f32 v1, v2  }
0x16b: {  	v33 =	vld [tilespmem:s29+$0x5030];
	v3 =	vmul.f32 v3, v1  }
0x16c: {  	v34 =	vld [tilespmem:s29+$0x5040];
	[tilespmem:s29+$0x4FD0] =	vst v2;
	v2 =	vmul.f32 v29, v1  }
0x16d: {  	v35 =	vld [tilespmem:s29+$0x5050];
	[tilespmem:s29+$0x4FE0] =	vst v3;
	v3 =	vmul.f32 v30, v1  }
0x16e: {  	[tilespmem:s29+$0x4FF0] =	vst v2;
	v2 =	vmul.f32 v31, v1  }
0x16f: {  	[tilespmem:s29+$0x5000] =	vst v3;
	v3 =	vmul.f32 v32, v1  }
0x170: {  	[tilespmem:s29+$0x5010] =	vst v2;
	v2 =	vmul.f32 v33, v1  }
0x171: {  	[tilespmem:s29+$0x5020] =	vst v3;
	v3 =	vmul.f32 v34, v1  }
0x172: {  	s30 =	sor.u32 $0xC, s25;
	v1 =	vmul.f32 v35, v1;
	[tilespmem:s29+$0x5030] =	vst v2  }
0x173: {  	s28 =	smul.u32 $0x240, s30;
	[tilespmem:s29+$0x5040] =	vst v3  }
0x174: {  	[tilespmem:s29+$0x5050] =	vst v1  }
0x175: {  	s31 =	sshra.s32 s28, $0x2;
	v1 =	vld.msk [tilespmem:s25+$0x4F4C ss:$0x0], $0xffff  }
0x176: {  	v2 =	vld [tilespmem:s31+$0x4FD0]  }
0x177: {  	v3 =	vld [tilespmem:s31+$0x4FE0]  }
0x178: {  	v36 =	vld [tilespmem:s31+$0x4FF0]  }
0x179: {  	v37 =	vld [tilespmem:s31+$0x5000]  }
0x17a: {  	v38 =	vld [tilespmem:s31+$0x5010]  }
0x17b: {  	v39 =	vld [tilespmem:s31+$0x5020];
	v2 =	vmul.f32 v1, v2  }
0x17c: {  	v40 =	vld [tilespmem:s31+$0x5030];
	v3 =	vmul.f32 v3, v1  }
0x17d: {  	v41 =	vld [tilespmem:s31+$0x5040];
	[tilespmem:s31+$0x4FD0] =	vst v2;
	v2 =	vmul.f32 v36, v1  }
0x17e: {  	v42 =	vld [tilespmem:s31+$0x5050];
	[tilespmem:s31+$0x4FE0] =	vst v3;
	v3 =	vmul.f32 v37, v1  }
0x17f: {  	[tilespmem:s31+$0x4FF0] =	vst v2;
	v2 =	vmul.f32 v38, v1  }
0x180: {  	[tilespmem:s31+$0x5000] =	vst v3;
	v3 =	vmul.f32 v39, v1  }
0x181: {  	[tilespmem:s31+$0x5010] =	vst v2;
	v2 =	vmul.f32 v40, v1  }
0x182: {  	[tilespmem:s31+$0x5020] =	vst v3;
	v3 =	vmul.f32 v41, v1  }
0x183: {  	s29 =	sor.u32 $0xD, s25;
	v1 =	vmul.f32 v42, v1;
	[tilespmem:s31+$0x5030] =	vst v2  }
0x184: {  	s28 =	smul.u32 $0x240, s29;
	[tilespmem:s31+$0x5040] =	vst v3  }
0x185: {  	[tilespmem:s31+$0x5050] =	vst v1  }
0x186: {  	s30 =	sshra.s32 s28, $0x2;
	v1 =	vld.msk [tilespmem:s25+$0x4F4D ss:$0x0], $0xffff  }
0x187: {  	v2 =	vld [tilespmem:s30+$0x4FD0]  }
0x188: {  	v3 =	vld [tilespmem:s30+$0x4FE0]  }
0x189: {  	v43 =	vld [tilespmem:s30+$0x4FF0]  }
0x18a: {  	v44 =	vld [tilespmem:s30+$0x5000]  }
0x18b: {  	v45 =	vld [tilespmem:s30+$0x5010]  }
0x18c: {  	v46 =	vld [tilespmem:s30+$0x5020];
	v2 =	vmul.f32 v1, v2  }
0x18d: {  	v47 =	vld [tilespmem:s30+$0x5030];
	v3 =	vmul.f32 v3, v1  }
0x18e: {  	v48 =	vld [tilespmem:s30+$0x5040];
	[tilespmem:s30+$0x4FD0] =	vst v2;
	v2 =	vmul.f32 v43, v1  }
0x18f: {  	v49 =	vld [tilespmem:s30+$0x5050];
	[tilespmem:s30+$0x4FE0] =	vst v3;
	v3 =	vmul.f32 v44, v1  }
0x190: {  	[tilespmem:s30+$0x4FF0] =	vst v2;
	v2 =	vmul.f32 v45, v1  }
0x191: {  	[tilespmem:s30+$0x5000] =	vst v3;
	v3 =	vmul.f32 v46, v1  }
0x192: {  	[tilespmem:s30+$0x5010] =	vst v2;
	v2 =	vmul.f32 v47, v1  }
0x193: {  	[tilespmem:s30+$0x5020] =	vst v3;
	v3 =	vmul.f32 v48, v1  }
0x194: {  	s31 =	sor.u32 $0xE, s25;
	v1 =	vmul.f32 v49, v1;
	[tilespmem:s30+$0x5030] =	vst v2  }
0x195: {  	s28 =	smul.u32 $0x240, s31;
	[tilespmem:s30+$0x5040] =	vst v3  }
0x196: {  	[tilespmem:s30+$0x5050] =	vst v1  }
0x197: {  	s29 =	sshra.s32 s28, $0x2;
	v1 =	vld.msk [tilespmem:s25+$0x4F4E ss:$0x0], $0xffff  }
0x198: {  	v2 =	vld [tilespmem:s29+$0x4FD0]  }
0x199: {  	v3 =	vld [tilespmem:s29+$0x4FE0]  }
0x19a: {  	v50 =	vld [tilespmem:s29+$0x4FF0]  }
0x19b: {  	v51 =	vld [tilespmem:s29+$0x5000]  }
0x19c: {  	v52 =	vld [tilespmem:s29+$0x5010]  }
0x19d: {  	v53 =	vld [tilespmem:s29+$0x5020];
	v2 =	vmul.f32 v1, v2  }
0x19e: {  	v54 =	vld [tilespmem:s29+$0x5030];
	v3 =	vmul.f32 v3, v1  }
0x19f: {  	v55 =	vld [tilespmem:s29+$0x5040];
	[tilespmem:s29+$0x4FD0] =	vst v2;
	v2 =	vmul.f32 v50, v1  }
0x1a0: {  	v56 =	vld [tilespmem:s29+$0x5050];
	[tilespmem:s29+$0x4FE0] =	vst v3;
	v3 =	vmul.f32 v51, v1  }
0x1a1: {  	[tilespmem:s29+$0x4FF0] =	vst v2;
	v2 =	vmul.f32 v52, v1  }
0x1a2: {  	[tilespmem:s29+$0x5000] =	vst v3;
	v3 =	vmul.f32 v53, v1  }
0x1a3: {  	[tilespmem:s29+$0x5010] =	vst v2;
	v2 =	vmul.f32 v54, v1  }
0x1a4: {  	[tilespmem:s29+$0x5020] =	vst v3;
	v3 =	vmul.f32 v55, v1  }
0x1a5: {  	s30 =	sor.u32 $0xF, s25;
	v1 =	vmul.f32 v56, v1;
	[tilespmem:s29+$0x5030] =	vst v2  }
0x1a6: {  	s28 =	smul.u32 $0x240, s30;
	[tilespmem:s29+$0x5040] =	vst v3  }
0x1a7: {  	[tilespmem:s29+$0x5050] =	vst v1  }
0x1a8: {  	s31 =	sshra.s32 s28, $0x2;
	v1 =	vld.msk [tilespmem:s25+$0x4F4F ss:$0x0], $0xffff  }
0x1a9: {  	v2 =	vld [tilespmem:s31+$0x4FD0]  }
0x1aa: {  	v3 =	vld [tilespmem:s31+$0x4FE0]  }
0x1ab: {  	v57 =	vld [tilespmem:s31+$0x4FF0]  }
0x1ac: {  	v58 =	vld [tilespmem:s31+$0x5000]  }
0x1ad: {  	v59 =	vld [tilespmem:s31+$0x5010]  }
0x1ae: {  	v60 =	vld [tilespmem:s31+$0x5020];
	v2 =	vmul.f32 v1, v2  }
0x1af: {  	v61 =	vld [tilespmem:s31+$0x5030];
	v3 =	vmul.f32 v3, v1  }
0x1b0: {  	v62 =	vld [tilespmem:s31+$0x5040];
	[tilespmem:s31+$0x4FD0] =	vst v2;
	v2 =	vmul.f32 v57, v1  }
0x1b1: {  	v63 =	vld [tilespmem:s31+$0x5050];
	[tilespmem:s31+$0x4FE0] =	vst v3;
	v3 =	vmul.f32 v58, v1  }
0x1b2: {  	[tilespmem:s31+$0x4FF0] =	vst v2;
	v2 =	vmul.f32 v59, v1  }
0x1b3: {  	p0 =	slt.u32 s25, $0x70;
	[tilespmem:s31+$0x5000] =	vst v3;
	v3 =	vmul.f32 v60, v1  }
.Ltmp1:
0x1b4: {  	[tilespmem:s31+$0x5010] =	vst v2;
	v2 =	vmul.f32 v61, v1;
	(pc) =	sbr.rel @p0 .LBB2_5-.Ltmp1, $4  }
0x1b5: {  	[tilespmem:s31+$0x5020] =	vst v3;
	v3 =	vmul.f32 v62, v1  }
0x1b6: {  	v1 =	vmul.f32 v63, v1;
	[tilespmem:s31+$0x5030] =	vst v2  }
0x1b7: {  	[tilespmem:s31+$0x5040] =	vst v3  }
0x1b8: {  	s25 =	sadd.s32 $0x10, s25;
	[tilespmem:s31+$0x5050] =	vst v1  }
0x1b9: {  	s24 =	sadd.s32 $0x1, s24  }
0x1ba: {  	p0 =	sne.s32 s24, $0x51  }
.Ltmp2:
0x1bb: {  	_ = 	snop;
	(pc) =	sbr.rel @p0 .LBB2_4-.Ltmp2, $4  }
0x1bc: {  	[spmem:s1] =	stream.indirect.scatter.add.f32 [tilespmem:s15], [sflag:$0x2], $0x90, s19, s20, $0xb8;
	[tilespmem:$0x1F7F0] =	vst v63  }
0x1bd: {  	_ =	swait.ge [sflag:s16], $0x4800  }
0x1be: {  	[sflag:s16] =	ssyncset.done $0x0  }
0x1bf: {  	[sflag:s16] =	ssyncadd.s32 $0xFFFFB800  }
0x1c0: {  	s3 =	sadd.s32 $0x1, s3  }
0x1c1: {  	s23 =	sshll.u32 s2, $0x6;
	[bflag:$0x0] =	sbarrier.arrive $0xFFFF;
	p0 =	sne.s32 s3, s14  }
.Ltmp3:
0x1c2: {  	s24 =	sshrl.u32 s7, $0x3;
	s23 =	sor.u32 $0x1C02, s23;
	(pc) =	sbr.rel @p0 .LBB2_1-.Ltmp3, $4  }
0x1c3: {  	[hbm:s22], [sflag:s23] =	dma.local [spmem:s24], $0x2C04  }
0x1c4: {  	_ =	swait.ge [sflag:s16], $0x2C04  }
0x1c5: {  	[sflag:s16] =	ssyncset.done $0x0  }
0x1c6: {  	[sflag:s16] =	ssyncadd.s32 $0xFFFFD3FC  }
0x1c7: {  	_ =	sfence.sel $0x180000  }
0x1c8: {  	[bflag:$0x0] =	sbarrier.arrive $0xFFFF  }
0x1c9: {  	p0 =	sne.s32 s2, $0x0;
	_ =	strace $0x90000047  }
0x1ca: {  	s0 =	sadd.s32 @!p0 $0x100000, s0;
	[bflag:$0x2] =	sbarrier.arrive $0xFFFF  }
0x1cb: {  	[sflag:s0] =	ssyncadd.tile.s32 @!p0 $0x1;
	_ =	shalt  }
.Lfunc_end2:
_tile_overlayer_lowered:
.L_overlay_start_2:
0x1cc: {  	(tag) =	ssettag $0x2  }
0x1cd: {  	s0 =	rddreg [dreg:$0x0];
	s2 =	stileid.u32  }
0x1ce: {  	s1 =	rddreg [dreg:$0x1];
	p0 =	sne.s32 s2, $0x0  }
0x1cf: {  	s3 =	rddreg [dreg:$0x2];
	[bflag:$0x3] =	sbarrier.arrive $0xFFFF;
	s2 =	simm.s32 @!p0 $0x1C02  }
0x1d0: {  	[timem:s3], [sflag:s2] =	dma.local @!p0 [hbm:s0], s1  }
0x1d1: {  	s0 =	simm.s32 @!p0 $0x2  }
0x1d2: {  	_ =	swait.ge @!p0 [sflag:s0], s1  }
0x1d3: {  	s1 =	ssub.s32 @!p0 $0x0, s1;
	[sflag:s0] =	ssyncset.done @!p0 $0x0  }
0x1d4: {  	[sflag:s0] =	ssyncadd.s32 @!p0 s1  }
0x1d5: {  	[bflag:$0x3] =	sbarrier.arrive $0xFFFF  }
0x1d6: {  	_ =	shalt  }

</sc_bundles>
